<compile_context>
chip_gen: v7x
topology: tpu7x:2x2x1
jax: 0.10.2.dev20260603
libtpu: 0.0.44.dev20260713+nightly
codegen_flags: <defaults>
</compile_context>

<pallas_src>
import functools

import jax
import jax.numpy as jnp
from jax import lax
from jax.experimental import pallas as pl
from jax.experimental.pallas import tpu as pltpu
from jax.experimental.pallas import tpu_sc as plsc

N_NODES = 10000
N_EDGES = 320000
E = 2 * N_EDGES
D_IN = 128
D_HID = 64
D_OUT = 32
N_CLASSES = 2
N_GRAPHS = 64

CHUNK = 128
N_PAD = 10240
NCPW = 158
NUM_CHUNKS_PAD = 32 * NCPW
E_PAD = NUM_CHUNKS_PAD * CHUNK


def _make_agg():
    info = plsc.get_sparse_core_info()
    NC, NS, L = info.num_cores, info.num_subcores, info.num_lanes
    NW = NC * NS
    ROWS_PER_TILE = N_PAD // NS
    ZROWS = 128

    mesh = plsc.VectorSubcoreMesh(core_axis_name="c", subcore_axis_name="s",
                                  num_cores=NC)

    EPW = NCPW * CHUNK

    @functools.partial(
        pl.kernel,
        mesh=mesh,
        compiler_params=pltpu.CompilerParams(use_tc_tiling_on_sc=False),
        out_type=jax.ShapeDtypeStruct((NC, N_PAD, D_HID), jnp.float32),
        scratch_types=[
            pltpu.VMEM((EPW,), jnp.int32),
            pltpu.VMEM((EPW,), jnp.int32),
            pltpu.VMEM((CHUNK,), jnp.int32),
            pltpu.VMEM((CHUNK,), jnp.int32),
            pltpu.VMEM((CHUNK,), jnp.int32),
            pltpu.VMEM((CHUNK,), jnp.int32),
            pltpu.VMEM((CHUNK, D_HID), jnp.float32),
            pltpu.VMEM((CHUNK, D_HID), jnp.float32),
            pltpu.VMEM((ZROWS, D_HID), jnp.float32),
            pltpu.VMEM_SHARED((N_PAD, D_HID), jnp.float32),
            pltpu.SemaphoreType.DMA,
            pltpu.SemaphoreType.DMA,
            pltpu.SemaphoreType.DMA,
            pltpu.SemaphoreType.DMA,
        ],
    )
    def agg(g_hbm, src_hbm, dst_hbm, out_hbm,
            sflat, dflat, srcb0, srcb1, dstb0, dstb1,
            rows0, rows1, zero_v, acc_sh, sem0, sem1, sems0, sems1):
        cid = lax.axis_index("c")
        sid = lax.axis_index("s")
        wid = sid * NC + cid

        pltpu.sync_copy(src_hbm.at[pl.ds(wid * EPW, EPW)], sflat)
        pltpu.sync_copy(dst_hbm.at[pl.ds(wid * EPW, EPW)], dflat)

        zeros16 = jnp.zeros((L,), jnp.float32)

        def zbody(i, _):
            r = i // (D_HID // L)
            c = (i % (D_HID // L)) * L
            zero_v[r, pl.ds(c, L)] = zeros16
            return 0

        lax.fori_loop(0, ZROWS * (D_HID // L), zbody, 0)
        row0 = sid * ROWS_PER_TILE
        for j in range(ROWS_PER_TILE // ZROWS):
            pltpu.sync_copy(zero_v, acc_sh.at[pl.ds(row0 + j * ZROWS, ZROWS)])
        plsc.subcore_barrier()

        def fill(i, sb, db):
            base = i * CHUNK
            for g in range(CHUNK // L):
                sb[pl.ds(g * L, L)] = sflat[pl.ds(base + g * L, L)]
                db[pl.ds(g * L, L)] = dflat[pl.ds(base + g * L, L)]

        fill(0, srcb0, dstb0)
        pltpu.async_copy(g_hbm.at[srcb0], rows0, sem0)

        def chunk_body(j, _):
            i0 = 2 * j

            @pl.when(j > 0)
            def _():
                pltpu.make_async_copy(rows1, acc_sh.at[dstb1], sems1).wait()

            fill(i0 + 1, srcb1, dstb1)
            pltpu.async_copy(g_hbm.at[srcb1], rows1, sem1)
            pltpu.make_async_copy(g_hbm.at[srcb0], rows0, sem0).wait()
            pltpu.async_copy(rows0, acc_sh.at[dstb0], sems0, add=True)

            @pl.when(i0 + 2 < NCPW)
            def _():
                pltpu.make_async_copy(rows0, acc_sh.at[dstb0], sems0).wait()
                fill(i0 + 2, srcb0, dstb0)
                pltpu.async_copy(g_hbm.at[srcb0], rows0, sem0)

            pltpu.make_async_copy(g_hbm.at[srcb1], rows1, sem1).wait()
            pltpu.async_copy(rows1, acc_sh.at[dstb1], sems1, add=True)
            return 0

        lax.fori_loop(0, NCPW // 2, chunk_body, 0)
        pltpu.make_async_copy(rows0, acc_sh.at[dstb0], sems0).wait()
        pltpu.make_async_copy(rows1, acc_sh.at[dstb1], sems1).wait()
        plsc.subcore_barrier()

        for j in range(ROWS_PER_TILE // ZROWS):
            r = row0 + j * ZROWS
            pltpu.sync_copy(acc_sh.at[pl.ds(r, ZROWS)],
                            out_hbm.at[cid, pl.ds(r, ZROWS)])

    return agg, NC


_AGG, _NC = _make_agg()


def _dense1_body(x_ref, win_ref, bin_ref, w1_ref, deg_ref, g1_ref, dinv_ref):
    h0 = jnp.maximum(
        jnp.dot(x_ref[...], win_ref[...], preferred_element_type=jnp.float32)
        + bin_ref[...], 0.0)
    hw1 = jnp.dot(h0, w1_ref[...], preferred_element_type=jnp.float32)
    dinv = lax.rsqrt(jnp.maximum(deg_ref[...], 1.0))
    g1_ref[...] = dinv * hw1
    dinv_ref[...] = dinv


def _dense2_body(sp_ref, g1_ref, dinv_ref, b1_ref, w2_ref, g2_ref):
    agg = sp_ref[0, :N_NODES] + sp_ref[1, :N_NODES] + g1_ref[...]
    h2 = jnp.maximum(dinv_ref[...] * agg + b1_ref[...], 0.0)
    hw2 = jnp.dot(h2, w2_ref[...], preferred_element_type=jnp.float32)
    g2_ref[...] = dinv_ref[...] * hw2


def _dense3_body(sp_ref, g2_ref, dinv_ref, b2_ref, bat_ref,
                 wf1_ref, bf1_ref, wf2_ref, bf2_ref, out_ref):
    agg = sp_ref[0, :N_NODES] + sp_ref[1, :N_NODES] + g2_ref[...]
    h3 = jnp.maximum(dinv_ref[...] * agg + b2_ref[...], 0.0)
    gid = lax.broadcasted_iota(jnp.int32, (1, N_GRAPHS), 1)
    P = (bat_ref[...] == gid).astype(jnp.float32)
    sums = lax.dot_general(P, h3, (((0,), (0,)), ((), ())),
                           preferred_element_type=jnp.float32)
    ones = jnp.ones((N_NODES, 1), jnp.float32)
    cnts = lax.dot_general(P, ones, (((0,), (0,)), ((), ())),
                           preferred_element_type=jnp.float32)
    mean = sums / jnp.maximum(cnts, 1.0)
    z1 = jnp.maximum(
        jnp.dot(mean, wf1_ref[...], preferred_element_type=jnp.float32)
        + bf1_ref[...], 0.0)
    z2 = (jnp.dot(z1, wf2_ref[...], preferred_element_type=jnp.float32)
          + bf2_ref[...])
    m = jnp.max(z2, axis=1, keepdims=True)
    lse = jnp.log(jnp.sum(jnp.exp(z2 - m), axis=1, keepdims=True)) + m
    out_ref[...] = z2 - lse


def _dense1(x, W_in, b_in, W1, deg):
    return pl.pallas_call(
        _dense1_body,
        out_shape=(jax.ShapeDtypeStruct((N_NODES, D_HID), jnp.float32),
                   jax.ShapeDtypeStruct((N_NODES, 1), jnp.float32)),
    )(x, W_in, b_in.reshape(1, D_HID), W1, deg)


def _dense2(Sp, g1, dinv, b1, W2):
    return pl.pallas_call(
        _dense2_body,
        out_shape=jax.ShapeDtypeStruct((N_NODES, D_HID), jnp.float32),
    )(Sp, g1, dinv, b1.reshape(1, D_HID), W2)


def _dense3(Sp, g2, dinv, b2, batch_col, Wfc1, bfc1, Wfc2, bfc2):
    return pl.pallas_call(
        _dense3_body,
        out_shape=jax.ShapeDtypeStruct((N_GRAPHS, N_CLASSES), jnp.float32),
    )(Sp, g2, dinv, b2.reshape(1, D_HID), batch_col,
      Wfc1, bfc1.reshape(1, D_OUT), Wfc2, bfc2.reshape(1, N_CLASSES))


def kernel(x, edge_index, batch, W_in, b_in, W1, b1, W2, b2,
           Wfc1, bfc1, Wfc2, bfc2):
    src0 = edge_index[0].astype(jnp.int32)
    dst0 = edge_index[1].astype(jnp.int32)
    s = jnp.concatenate([src0, dst0])
    d = jnp.concatenate([dst0, src0])
    sk = jnp.sort(s * N_NODES + d)
    first = jnp.concatenate([jnp.ones((1,), bool), sk[1:] != sk[:-1]])
    srt_src = sk // N_NODES
    srt_dst = sk % N_NODES
    srcm = jnp.concatenate([jnp.where(first, srt_src, N_NODES),
                            jnp.full((E_PAD - E,), N_NODES, jnp.int32)])
    dstm = jnp.concatenate([srt_dst, jnp.zeros((E_PAD - E,), jnp.int32)])

    cw0 = jnp.concatenate([jnp.zeros((1,), jnp.float32),
                           jnp.cumsum(first.astype(jnp.float32))])
    bounds = jnp.searchsorted(srt_src, jnp.arange(N_NODES + 1, dtype=jnp.int32))
    deg = (cw0[bounds[1:]] - cw0[bounds[:-1]] + 1.0).reshape(N_NODES, 1)

    g1, dinv = _dense1(x, W_in, b_in, W1, deg)
    gp1 = jnp.concatenate([g1, jnp.zeros((1, D_HID), jnp.float32)])
    Sp1 = _AGG(gp1, srcm, dstm)

    g2 = _dense2(Sp1, g1, dinv, b1, W2)
    gp2 = jnp.concatenate([g2, jnp.zeros((1, D_HID), jnp.float32)])
    Sp2 = _AGG(gp2, srcm, dstm)

    batch_col = batch.astype(jnp.int32).reshape(N_NODES, 1)
    return _dense3(Sp2, g2, dinv, b2, batch_col, Wfc1, bfc1, Wfc2, bfc2)

# --- scband reference (transcript-rebuilt; emitter-appended) ---
"""Pipeline reference for scband-gnnmodel-52639119179830 (READ-ONLY COPY).

The authoritative reference and input builder live on the scoring server;
editing this copy changes nothing except your own understanding.
"""

import jax, jax.numpy as jnp
import numpy as np

N_NODES = 10000
N_EDGES = 320000
D_IN = 128
D_HID = 64
D_OUT = 32
N_CLASSES = 2
N_GRAPHS = 64


def to_undirected(edge_index, num_nodes):
    src, dst = edge_index[0], edge_index[1]
    s = jnp.concatenate([src, dst])
    d = jnp.concatenate([dst, src])
    keys = s * num_nodes + d
    uk = jnp.sort(keys)
    first = jnp.concatenate([jnp.ones((1,), dtype=bool), uk[1:] != uk[:-1]])
    return jnp.stack([uk // num_nodes, uk % num_nodes]), first


def gcn_conv(h_in, W, b, src, dst, ew, num_nodes):
    # PyG GCNConv: linear (no bias) -> add self loops -> sym-normalized scatter-add -> + bias
    h = h_in @ W
    loop = jnp.arange(num_nodes, dtype=src.dtype)
    s = jnp.concatenate([src, loop])
    d = jnp.concatenate([dst, loop])
    w = jnp.concatenate([ew.astype(h.dtype), jnp.ones((num_nodes,), dtype=h.dtype)])
    deg = jnp.zeros((num_nodes,), dtype=h.dtype).at[d].add(w)
    dinv = 1.0 / jnp.sqrt(jnp.clip(deg, 1.0))
    norm = dinv[s] * dinv[d] * w
    msg = h[s] * norm[:, None]
    out = jnp.zeros_like(h).at[d].add(msg)
    return out + b


def global_mean_pool(x, batch, num_graphs):
    sums = jax.ops.segment_sum(x, batch, num_segments=num_graphs)
    cnts = jax.ops.segment_sum(jnp.ones((x.shape[0],), dtype=x.dtype), batch, num_segments=num_graphs)
    return sums / jnp.clip(cnts, 1.0)[:, None]


def setup_inputs(seed: int = 0) -> dict:
    key = jax.random.key(seed)
    ks = jax.random.split(key, 16)
    x = jax.random.normal(ks[0], (N_NODES, D_IN), dtype=jnp.float32)
    edge_index = jax.random.randint(ks[1], (2, N_EDGES), 0, N_NODES, dtype=jnp.int64)
    batch = jnp.sort(jax.random.randint(ks[2], (N_NODES,), 0, N_GRAPHS, dtype=jnp.int64))
    def lin(k, fan_in, fan_out):
        lim = 1.0 / np.sqrt(fan_in)
        return jax.random.uniform(k, (fan_in, fan_out), jnp.float32, -lim, lim)
    return {
        "x": x,
        "edge_index": edge_index,
        "batch": batch,
        "W_in": lin(ks[3], D_IN, D_HID),
        "b_in": jnp.zeros((D_HID,), jnp.float32),
        "W1": lin(ks[4], D_HID, D_HID),
        "b1": jnp.zeros((D_HID,), jnp.float32),
        "W2": lin(ks[5], D_HID, D_HID),
        "b2": jnp.zeros((D_HID,), jnp.float32),
        "Wfc1": lin(ks[6], D_HID, D_OUT),
        "bfc1": jnp.zeros((D_OUT,), jnp.float32),
        "Wfc2": lin(ks[7], D_OUT, N_CLASSES),
        "bfc2": jnp.zeros((N_CLASSES,), jnp.float32),
    }


def reference(x, edge_index, batch, W_in, b_in, W1, b1, W2, b2, Wfc1, bfc1, Wfc2, bfc2):
    ei, ew = to_undirected(edge_index, N_NODES)
    src, dst = ei[0], ei[1]
    h = jax.nn.relu(x @ W_in + b_in)
    h = jax.nn.relu(gcn_conv(h, W1, b1, src, dst, ew, N_NODES))
    h = jax.nn.relu(gcn_conv(h, W2, b2, src, dst, ew, N_NODES))
    g = global_mean_pool(h, batch, N_GRAPHS)
    g = jax.nn.relu(g @ Wfc1 + bfc1)
    g = g @ Wfc2 + bfc2
    return jax.nn.log_softmax(g, axis=1)

if __name__ == "__main__":
    import jax
    _d = setup_inputs()
    print(jax.jit(kernel)(*tuple(_d.values())))

</pallas_src>

<mosaic_0001>
#map = affine_map<(d0, d1) -> (0, 0)>
#map1 = affine_map<(d0, d1) -> (0)>
#map2 = affine_map<(d0, d1) -> (0, 0, 0)>
module attributes {stable_mosaic.version = 14 : i64} {
  func.func @agg(%arg0: i32, %arg1: i32, %arg2: memref<10001x64xf32, #tpu.memory_space<hbm>>, %arg3: memref<647168xi32, #tpu.memory_space<hbm>>, %arg4: memref<647168xi32, #tpu.memory_space<hbm>>, %arg5: memref<2x10240x64xf32, #tpu.memory_space<hbm>>, %arg6: memref<20224xi32, #tpu.memory_space<vmem>>, %arg7: memref<20224xi32, #tpu.memory_space<vmem>>, %arg8: memref<128xi32, #tpu.memory_space<vmem>>, %arg9: memref<128xi32, #tpu.memory_space<vmem>>, %arg10: memref<128xi32, #tpu.memory_space<vmem>>, %arg11: memref<128xi32, #tpu.memory_space<vmem>>, %arg12: memref<128x64xf32, #tpu.memory_space<vmem>>, %arg13: memref<128x64xf32, #tpu.memory_space<vmem>>, %arg14: memref<128x64xf32, #tpu.memory_space<vmem>>, %arg15: memref<10240x64xf32, #tpu.memory_space<vmem_shared>>, %arg16: memref<!tpu.dma_semaphore, #tpu.memory_space<semaphore_mem>>, %arg17: memref<!tpu.dma_semaphore, #tpu.memory_space<semaphore_mem>>, %arg18: memref<!tpu.dma_semaphore, #tpu.memory_space<semaphore_mem>>, %arg19: memref<!tpu.dma_semaphore, #tpu.memory_space<semaphore_mem>>) attributes {dimension_semantics = [#tpu.dimension_semantics<core_parallel>, #tpu.dimension_semantics<subcore_parallel>], iteration_bounds = array<i64: 2, 16>, scalar_prefetch = 0 : i64, scratch_operands = 14 : i64, tpu.core_type = #tpu.core_type<sc_vector_subcore>, window_params = [{transform_indices = #map}, {transform_indices = #map1}, {transform_indices = #map1}, {transform_indices = #map2}]} {
    %mul3A = arith.constant 2 : i32
    %mul3A_0 = arith.muli %arg1, %mul3A : i32
    %add3A = arith.addi %mul3A_0, %arg0 : i32
    %mul3A_1 = arith.constant 20224 : i32
    %mul3A_2 = arith.muli %add3A, %mul3A_1 : i32
    "tpu.region"() ({
      %run_scoped3A = tpu.sem_alloc : memref<!tpu.dma_semaphore, #tpu.memory_space<semaphore_mem>>
      %dma_start3A_159 = tpu.memref_slice %arg3[%mul3A_2] : memref<647168xi32, #tpu.memory_space<hbm>> -> memref<20224xi32, #tpu.memory_space<hbm>>
      %dma_start3A_160 = tpu.memref_slice %arg3[%mul3A_2] : memref<647168xi32, #tpu.memory_space<hbm>> -> memref<20224xi32, #tpu.memory_space<hbm>>
      tpu.enqueue_dma source(%dma_start3A_160 : memref<20224xi32, #tpu.memory_space<hbm>>) target(%arg6 : memref<20224xi32, #tpu.memory_space<vmem>>) target_semaphore(%run_scoped3A : memref<!tpu.dma_semaphore, #tpu.memory_space<semaphore_mem>>)
      %dma_wait3A_161 = tpu.memref_slice %arg3[%mul3A_2] : memref<647168xi32, #tpu.memory_space<hbm>> -> memref<20224xi32, #tpu.memory_space<hbm>>
      %dma_wait3A_162 = tpu.memref_slice %arg3[%mul3A_2] : memref<647168xi32, #tpu.memory_space<hbm>> -> memref<20224xi32, #tpu.memory_space<hbm>>
      tpu.wait_dma2 semaphore(%run_scoped3A : memref<!tpu.dma_semaphore, #tpu.memory_space<semaphore_mem>>) src(%dma_wait3A_162 : memref<20224xi32, #tpu.memory_space<hbm>>) dst(%arg6 : memref<20224xi32, #tpu.memory_space<vmem>>)
      tpu.yield
    }) : () -> ()
    %mul3A_3 = arith.constant 20224 : i32
    %mul3A_4 = arith.muli %add3A, %mul3A_3 : i32
    "tpu.region"() ({
      %run_scoped3A = tpu.sem_alloc : memref<!tpu.dma_semaphore, #tpu.memory_space<semaphore_mem>>
      %dma_start3A_159 = tpu.memref_slice %arg4[%mul3A_4] : memref<647168xi32, #tpu.memory_space<hbm>> -> memref<20224xi32, #tpu.memory_space<hbm>>
      %dma_start3A_160 = tpu.memref_slice %arg4[%mul3A_4] : memref<647168xi32, #tpu.memory_space<hbm>> -> memref<20224xi32, #tpu.memory_space<hbm>>
      tpu.enqueue_dma source(%dma_start3A_160 : memref<20224xi32, #tpu.memory_space<hbm>>) target(%arg7 : memref<20224xi32, #tpu.memory_space<vmem>>) target_semaphore(%run_scoped3A : memref<!tpu.dma_semaphore, #tpu.memory_space<semaphore_mem>>)
      %dma_wait3A_161 = tpu.memref_slice %arg4[%mul3A_4] : memref<647168xi32, #tpu.memory_space<hbm>> -> memref<20224xi32, #tpu.memory_space<hbm>>
      %dma_wait3A_162 = tpu.memref_slice %arg4[%mul3A_4] : memref<647168xi32, #tpu.memory_space<hbm>> -> memref<20224xi32, #tpu.memory_space<hbm>>
      tpu.wait_dma2 semaphore(%run_scoped3A : memref<!tpu.dma_semaphore, #tpu.memory_space<semaphore_mem>>) src(%dma_wait3A_162 : memref<20224xi32, #tpu.memory_space<hbm>>) dst(%arg7 : memref<20224xi32, #tpu.memory_space<vmem>>)
      tpu.yield
    }) : () -> ()
    %broadcast_in_dim3A = arith.constant 0.000000e+00 : f32
    %broadcast_in_dim3A_5 = vector.broadcast %broadcast_in_dim3A : f32 to vector<16xf32>
    %scan3A = arith.constant 0 : i32
    %scan3A_6 = arith.constant 0 : i32
    %scan3A_7 = arith.constant 512 : i32
    %scan3A_8 = arith.addi %scan3A_6, %scan3A_7 : i32
    %scan3A_9 = arith.constant 1 : i32
    %scan3A_10 = scf.for %scan3A_159 = %scan3A_6 to %scan3A_8 step %scan3A_9 iter_args(%scan3A_160 = %scan3A) -> (i32)  : i32 {
      %jit3A = arith.constant 4 : i32
      %div3A = arith.divsi %scan3A_159, %jit3A : i32
      %sign3A = arith.constant 0 : i32
      %sign3A_161 = arith.cmpi sgt, %scan3A_159, %sign3A : i32
      %sign3A_162 = arith.extui %sign3A_161 : i1 to i32
      %sign3A_163 = arith.constant 0 : i32
      %sign3A_164 = arith.cmpi slt, %scan3A_159, %sign3A_163 : i32
      %sign3A_165 = arith.extui %sign3A_164 : i1 to i32
      %sign3A_166 = arith.subi %sign3A_162, %sign3A_165 : i32
      %sign3A_167 = arith.constant 0 : i32
      %sign3A_168 = arith.cmpi sgt, %jit3A, %sign3A_167 : i32
      %sign3A_169 = arith.extui %sign3A_168 : i1 to i32
      %sign3A_170 = arith.constant 0 : i32
      %sign3A_171 = arith.cmpi slt, %jit3A, %sign3A_170 : i32
      %sign3A_172 = arith.extui %sign3A_171 : i1 to i32
      %sign3A_173 = arith.subi %sign3A_169, %sign3A_172 : i32
      %ne3A = arith.cmpi ne, %sign3A_166, %sign3A_173 : i32
      %rem3A = arith.remsi %scan3A_159, %jit3A : i32
      %ne3A_174 = arith.constant 0 : i32
      %ne3A_175 = arith.cmpi ne, %rem3A, %ne3A_174 : i32
      %and3A = arith.andi %ne3A, %ne3A_175 : i1
      %sub3A = arith.constant 1 : i32
      %sub3A_176 = arith.subi %div3A, %sub3A : i32
      %select_n3A = arith.select %and3A, %sub3A_176, %div3A : i32
      %jit3A_177 = arith.constant 4 : i32
      %eq3A = arith.constant 0 : i32
      %eq3A_178 = arith.cmpi eq, %jit3A_177, %eq3A : i32
      %jit3A_179 = arith.constant 1 : i32
      %select_n3A_180 = arith.select %eq3A_178, %jit3A_179, %jit3A_177 : i32
      %rem3A_181 = arith.remsi %scan3A_159, %select_n3A_180 : i32
      %ne3A_182 = arith.constant 0 : i32
      %ne3A_183 = arith.cmpi ne, %rem3A_181, %ne3A_182 : i32
      %lt3A = arith.constant 0 : i32
      %lt3A_184 = arith.cmpi slt, %rem3A_181, %lt3A : i32
      %lt3A_185 = arith.constant 0 : i32
      %lt3A_186 = arith.cmpi slt, %select_n3A_180, %lt3A_185 : i32
      %ne3A_187 = arith.xori %lt3A_184, %lt3A_186 : i1
      %and3A_188 = arith.andi %ne3A_187, %ne3A_183 : i1
      %add3A_189 = arith.addi %rem3A_181, %select_n3A_180 : i32
      %select_n3A_190 = arith.select %and3A_188, %add3A_189, %rem3A_181 : i32
      %mul3A_191 = arith.constant 16 : i32
      %mul3A_192 = arith.muli %select_n3A_190, %mul3A_191 : i32
      %swap3A_193 = arith.index_cast %select_n3A : i32 to index
      %swap3A_194 = arith.index_cast %mul3A_192 : i32 to index
      %swap3A_195 = tpu.vector_load %arg14[%swap3A_193, %swap3A_194] {strides = array<i32>} : memref<128x64xf32, #tpu.memory_space<vmem>>, vector<1x16xf32>,
      %swap3A_196 = vector.shape_cast %swap3A_195 : vector<1x16xf32> to vector<16xf32>
      %swap3A_197 = vector.shape_cast %broadcast_in_dim3A_5 : vector<16xf32> to vector<1x16xf32>
      tpu.vector_store %arg14[%swap3A_193, %swap3A_194], %swap3A_197 {strides = array<i32>} : memref<128x64xf32, #tpu.memory_space<vmem>>, vector<1x16xf32>,
      %scan3A_198 = arith.constant 0 : i32
      scf.yield %scan3A_198 : i32
    }
    %scan3A_11 = arith.constant 512 : i32
    %mul3A_12 = arith.constant 640 : i32
    %mul3A_13 = arith.muli %arg1, %mul3A_12 : i32
    %add3A_14 = arith.constant 0 : i32
    %add3A_15 = arith.addi %mul3A_13, %add3A_14 : i32
    "tpu.region"() ({
      %run_scoped3A = tpu.sem_alloc : memref<!tpu.dma_semaphore, #tpu.memory_space<semaphore_mem>>
      %dma_start3A_159 = arith.constant 0 : i32
      %dma_start3A_160 = tpu.memref_slice %arg15[%add3A_15, %dma_start3A_159] : memref<10240x64xf32, #tpu.memory_space<vmem_shared>> -> memref<128x64xf32, #tpu.memory_space<vmem_shared>>
      %dma_start3A_161 = arith.constant 0 : i32
      %dma_start3A_162 = tpu.memref_slice %arg15[%add3A_15, %dma_start3A_161] : memref<10240x64xf32, #tpu.memory_space<vmem_shared>> -> memref<128x64xf32, #tpu.memory_space<vmem_shared>>
      tpu.enqueue_dma source(%arg14 : memref<128x64xf32, #tpu.memory_space<vmem>>) target(%dma_start3A_162 : memref<128x64xf32, #tpu.memory_space<vmem_shared>>) target_semaphore(%run_scoped3A : memref<!tpu.dma_semaphore, #tpu.memory_space<semaphore_mem>>)
      %dma_wait3A_163 = arith.constant 0 : i32
      %dma_wait3A_164 = tpu.memref_slice %arg15[%add3A_15, %dma_wait3A_163] : memref<10240x64xf32, #tpu.memory_space<vmem_shared>> -> memref<128x64xf32, #tpu.memory_space<vmem_shared>>
      %dma_wait3A_165 = arith.constant 0 : i32
      %dma_wait3A_166 = tpu.memref_slice %arg15[%add3A_15, %dma_wait3A_165] : memref<10240x64xf32, #tpu.memory_space<vmem_shared>> -> memref<128x64xf32, #tpu.memory_space<vmem_shared>>
      tpu.wait_dma2 semaphore(%run_scoped3A : memref<!tpu.dma_semaphore, #tpu.memory_space<semaphore_mem>>) src(%arg14 : memref<128x64xf32, #tpu.memory_space<vmem>>) dst(%dma_wait3A_166 : memref<128x64xf32, #tpu.memory_space<vmem_shared>>)
      tpu.yield
    }) : () -> ()
    %add3A_16 = arith.constant 128 : i32
    %add3A_17 = arith.addi %mul3A_13, %add3A_16 : i32
    "tpu.region"() ({
      %run_scoped3A = tpu.sem_alloc : memref<!tpu.dma_semaphore, #tpu.memory_space<semaphore_mem>>
      %dma_start3A_159 = arith.constant 0 : i32
      %dma_start3A_160 = tpu.memref_slice %arg15[%add3A_17, %dma_start3A_159] : memref<10240x64xf32, #tpu.memory_space<vmem_shared>> -> memref<128x64xf32, #tpu.memory_space<vmem_shared>>
      %dma_start3A_161 = arith.constant 0 : i32
      %dma_start3A_162 = tpu.memref_slice %arg15[%add3A_17, %dma_start3A_161] : memref<10240x64xf32, #tpu.memory_space<vmem_shared>> -> memref<128x64xf32, #tpu.memory_space<vmem_shared>>
      tpu.enqueue_dma source(%arg14 : memref<128x64xf32, #tpu.memory_space<vmem>>) target(%dma_start3A_162 : memref<128x64xf32, #tpu.memory_space<vmem_shared>>) target_semaphore(%run_scoped3A : memref<!tpu.dma_semaphore, #tpu.memory_space<semaphore_mem>>)
      %dma_wait3A_163 = arith.constant 0 : i32
      %dma_wait3A_164 = tpu.memref_slice %arg15[%add3A_17, %dma_wait3A_163] : memref<10240x64xf32, #tpu.memory_space<vmem_shared>> -> memref<128x64xf32, #tpu.memory_space<vmem_shared>>
      %dma_wait3A_165 = arith.constant 0 : i32
      %dma_wait3A_166 = tpu.memref_slice %arg15[%add3A_17, %dma_wait3A_165] : memref<10240x64xf32, #tpu.memory_space<vmem_shared>> -> memref<128x64xf32, #tpu.memory_space<vmem_shared>>
      tpu.wait_dma2 semaphore(%run_scoped3A : memref<!tpu.dma_semaphore, #tpu.memory_space<semaphore_mem>>) src(%arg14 : memref<128x64xf32, #tpu.memory_space<vmem>>) dst(%dma_wait3A_166 : memref<128x64xf32, #tpu.memory_space<vmem_shared>>)
      tpu.yield
    }) : () -> ()
    %add3A_18 = arith.constant 256 : i32
    %add3A_19 = arith.addi %mul3A_13, %add3A_18 : i32
    "tpu.region"() ({
      %run_scoped3A = tpu.sem_alloc : memref<!tpu.dma_semaphore, #tpu.memory_space<semaphore_mem>>
      %dma_start3A_159 = arith.constant 0 : i32
      %dma_start3A_160 = tpu.memref_slice %arg15[%add3A_19, %dma_start3A_159] : memref<10240x64xf32, #tpu.memory_space<vmem_shared>> -> memref<128x64xf32, #tpu.memory_space<vmem_shared>>
      %dma_start3A_161 = arith.constant 0 : i32
      %dma_start3A_162 = tpu.memref_slice %arg15[%add3A_19, %dma_start3A_161] : memref<10240x64xf32, #tpu.memory_space<vmem_shared>> -> memref<128x64xf32, #tpu.memory_space<vmem_shared>>
      tpu.enqueue_dma source(%arg14 : memref<128x64xf32, #tpu.memory_space<vmem>>) target(%dma_start3A_162 : memref<128x64xf32, #tpu.memory_space<vmem_shared>>) target_semaphore(%run_scoped3A : memref<!tpu.dma_semaphore, #tpu.memory_space<semaphore_mem>>)
      %dma_wait3A_163 = arith.constant 0 : i32
      %dma_wait3A_164 = tpu.memref_slice %arg15[%add3A_19, %dma_wait3A_163] : memref<10240x64xf32, #tpu.memory_space<vmem_shared>> -> memref<128x64xf32, #tpu.memory_space<vmem_shared>>
      %dma_wait3A_165 = arith.constant 0 : i32
      %dma_wait3A_166 = tpu.memref_slice %arg15[%add3A_19, %dma_wait3A_165] : memref<10240x64xf32, #tpu.memory_space<vmem_shared>> -> memref<128x64xf32, #tpu.memory_space<vmem_shared>>
      tpu.wait_dma2 semaphore(%run_scoped3A : memref<!tpu.dma_semaphore, #tpu.memory_space<semaphore_mem>>) src(%arg14 : memref<128x64xf32, #tpu.memory_space<vmem>>) dst(%dma_wait3A_166 : memref<128x64xf32, #tpu.memory_space<vmem_shared>>)
      tpu.yield
    }) : () -> ()
    %add3A_20 = arith.constant 384 : i32
    %add3A_21 = arith.addi %mul3A_13, %add3A_20 : i32
    "tpu.region"() ({
      %run_scoped3A = tpu.sem_alloc : memref<!tpu.dma_semaphore, #tpu.memory_space<semaphore_mem>>
      %dma_start3A_159 = arith.constant 0 : i32
      %dma_start3A_160 = tpu.memref_slice %arg15[%add3A_21, %dma_start3A_159] : memref<10240x64xf32, #tpu.memory_space<vmem_shared>> -> memref<128x64xf32, #tpu.memory_space<vmem_shared>>
      %dma_start3A_161 = arith.constant 0 : i32
      %dma_start3A_162 = tpu.memref_slice %arg15[%add3A_21, %dma_start3A_161] : memref<10240x64xf32, #tpu.memory_space<vmem_shared>> -> memref<128x64xf32, #tpu.memory_space<vmem_shared>>
      tpu.enqueue_dma source(%arg14 : memref<128x64xf32, #tpu.memory_space<vmem>>) target(%dma_start3A_162 : memref<128x64xf32, #tpu.memory_space<vmem_shared>>) target_semaphore(%run_scoped3A : memref<!tpu.dma_semaphore, #tpu.memory_space<semaphore_mem>>)
      %dma_wait3A_163 = arith.constant 0 : i32
      %dma_wait3A_164 = tpu.memref_slice %arg15[%add3A_21, %dma_wait3A_163] : memref<10240x64xf32, #tpu.memory_space<vmem_shared>> -> memref<128x64xf32, #tpu.memory_space<vmem_shared>>
      %dma_wait3A_165 = arith.constant 0 : i32
      %dma_wait3A_166 = tpu.memref_slice %arg15[%add3A_21, %dma_wait3A_165] : memref<10240x64xf32, #tpu.memory_space<vmem_shared>> -> memref<128x64xf32, #tpu.memory_space<vmem_shared>>
      tpu.wait_dma2 semaphore(%run_scoped3A : memref<!tpu.dma_semaphore, #tpu.memory_space<semaphore_mem>>) src(%arg14 : memref<128x64xf32, #tpu.memory_space<vmem>>) dst(%dma_wait3A_166 : memref<128x64xf32, #tpu.memory_space<vmem_shared>>)
      tpu.yield
    }) : () -> ()
    %add3A_22 = arith.constant 512 : i32
    %add3A_23 = arith.addi %mul3A_13, %add3A_22 : i32
    "tpu.region"() ({
      %run_scoped3A = tpu.sem_alloc : memref<!tpu.dma_semaphore, #tpu.memory_space<semaphore_mem>>
      %dma_start3A_159 = arith.constant 0 : i32
      %dma_start3A_160 = tpu.memref_slice %arg15[%add3A_23, %dma_start3A_159] : memref<10240x64xf32, #tpu.memory_space<vmem_shared>> -> memref<128x64xf32, #tpu.memory_space<vmem_shared>>
      %dma_start3A_161 = arith.constant 0 : i32
      %dma_start3A_162 = tpu.memref_slice %arg15[%add3A_23, %dma_start3A_161] : memref<10240x64xf32, #tpu.memory_space<vmem_shared>> -> memref<128x64xf32, #tpu.memory_space<vmem_shared>>
      tpu.enqueue_dma source(%arg14 : memref<128x64xf32, #tpu.memory_space<vmem>>) target(%dma_start3A_162 : memref<128x64xf32, #tpu.memory_space<vmem_shared>>) target_semaphore(%run_scoped3A : memref<!tpu.dma_semaphore, #tpu.memory_space<semaphore_mem>>)
      %dma_wait3A_163 = arith.constant 0 : i32
      %dma_wait3A_164 = tpu.memref_slice %arg15[%add3A_23, %dma_wait3A_163] : memref<10240x64xf32, #tpu.memory_space<vmem_shared>> -> memref<128x64xf32, #tpu.memory_space<vmem_shared>>
      %dma_wait3A_165 = arith.constant 0 : i32
      %dma_wait3A_166 = tpu.memref_slice %arg15[%add3A_23, %dma_wait3A_165] : memref<10240x64xf32, #tpu.memory_space<vmem_shared>> -> memref<128x64xf32, #tpu.memory_space<vmem_shared>>
      tpu.wait_dma2 semaphore(%run_scoped3A : memref<!tpu.dma_semaphore, #tpu.memory_space<semaphore_mem>>) src(%arg14 : memref<128x64xf32, #tpu.memory_space<vmem>>) dst(%dma_wait3A_166 : memref<128x64xf32, #tpu.memory_space<vmem_shared>>)
      tpu.yield
    }) : () -> ()
    %barrier3A = arith.constant 0 : index
    tpu.barrier barrier_id(%barrier3A)
    %get3A = arith.constant 0 : index
    %get3A_24 = tpu.vector_load %arg6[%get3A] {strides = array<i32>} : memref<20224xi32, #tpu.memory_space<vmem>>, vector<16xi32>,
    %get3A_25 = vector.shape_cast %get3A_24 : vector<16xi32> to vector<16xi32>
    %swap3A = arith.constant 0 : index
    %swap3A_26 = tpu.vector_load %arg8[%swap3A] {strides = array<i32>} : memref<128xi32, #tpu.memory_space<vmem>>, vector<16xi32>,
    %swap3A_27 = vector.shape_cast %swap3A_26 : vector<16xi32> to vector<16xi32>
    %swap3A_28 = vector.shape_cast %get3A_25 : vector<16xi32> to vector<16xi32>
    tpu.vector_store %arg8[%swap3A], %swap3A_28 {strides = array<i32>} : memref<128xi32, #tpu.memory_space<vmem>>, vector<16xi32>,
    %get3A_29 = arith.constant 0 : index
    %get3A_30 = tpu.vector_load %arg7[%get3A_29] {strides = array<i32>} : memref<20224xi32, #tpu.memory_space<vmem>>, vector<16xi32>,
    %get3A_31 = vector.shape_cast %get3A_30 : vector<16xi32> to vector<16xi32>
    %swap3A_32 = arith.constant 0 : index
    %swap3A_33 = tpu.vector_load %arg10[%swap3A_32] {strides = array<i32>} : memref<128xi32, #tpu.memory_space<vmem>>, vector<16xi32>,
    %swap3A_34 = vector.shape_cast %swap3A_33 : vector<16xi32> to vector<16xi32>
    %swap3A_35 = vector.shape_cast %get3A_31 : vector<16xi32> to vector<16xi32>
    tpu.vector_store %arg10[%swap3A_32], %swap3A_35 {strides = array<i32>} : memref<128xi32, #tpu.memory_space<vmem>>, vector<16xi32>,
    %get3A_36 = arith.constant 16 : index
    %get3A_37 = tpu.vector_load %arg6[%get3A_36] {strides = array<i32>} : memref<20224xi32, #tpu.memory_space<vmem>>, vector<16xi32>,
    %get3A_38 = vector.shape_cast %get3A_37 : vector<16xi32> to vector<16xi32>
    %swap3A_39 = arith.constant 16 : index
    %swap3A_40 = tpu.vector_load %arg8[%swap3A_39] {strides = array<i32>} : memref<128xi32, #tpu.memory_space<vmem>>, vector<16xi32>,
    %swap3A_41 = vector.shape_cast %swap3A_40 : vector<16xi32> to vector<16xi32>
    %swap3A_42 = vector.shape_cast %get3A_38 : vector<16xi32> to vector<16xi32>
    tpu.vector_store %arg8[%swap3A_39], %swap3A_42 {strides = array<i32>} : memref<128xi32, #tpu.memory_space<vmem>>, vector<16xi32>,
    %get3A_43 = arith.constant 16 : index
    %get3A_44 = tpu.vector_load %arg7[%get3A_43] {strides = array<i32>} : memref<20224xi32, #tpu.memory_space<vmem>>, vector<16xi32>,
    %get3A_45 = vector.shape_cast %get3A_44 : vector<16xi32> to vector<16xi32>
    %swap3A_46 = arith.constant 16 : index
    %swap3A_47 = tpu.vector_load %arg10[%swap3A_46] {strides = array<i32>} : memref<128xi32, #tpu.memory_space<vmem>>, vector<16xi32>,
    %swap3A_48 = vector.shape_cast %swap3A_47 : vector<16xi32> to vector<16xi32>
    %swap3A_49 = vector.shape_cast %get3A_45 : vector<16xi32> to vector<16xi32>
    tpu.vector_store %arg10[%swap3A_46], %swap3A_49 {strides = array<i32>} : memref<128xi32, #tpu.memory_space<vmem>>, vector<16xi32>,
    %get3A_50 = arith.constant 32 : index
    %get3A_51 = tpu.vector_load %arg6[%get3A_50] {strides = array<i32>} : memref<20224xi32, #tpu.memory_space<vmem>>, vector<16xi32>,
    %get3A_52 = vector.shape_cast %get3A_51 : vector<16xi32> to vector<16xi32>
    %swap3A_53 = arith.constant 32 : index
    %swap3A_54 = tpu.vector_load %arg8[%swap3A_53] {strides = array<i32>} : memref<128xi32, #tpu.memory_space<vmem>>, vector<16xi32>,
    %swap3A_55 = vector.shape_cast %swap3A_54 : vector<16xi32> to vector<16xi32>
    %swap3A_56 = vector.shape_cast %get3A_52 : vector<16xi32> to vector<16xi32>
    tpu.vector_store %arg8[%swap3A_53], %swap3A_56 {strides = array<i32>} : memref<128xi32, #tpu.memory_space<vmem>>, vector<16xi32>,
    %get3A_57 = arith.constant 32 : index
    %get3A_58 = tpu.vector_load %arg7[%get3A_57] {strides = array<i32>} : memref<20224xi32, #tpu.memory_space<vmem>>, vector<16xi32>,
    %get3A_59 = vector.shape_cast %get3A_58 : vector<16xi32> to vector<16xi32>
    %swap3A_60 = arith.constant 32 : index
    %swap3A_61 = tpu.vector_load %arg10[%swap3A_60] {strides = array<i32>} : memref<128xi32, #tpu.memory_space<vmem>>, vector<16xi32>,
    %swap3A_62 = vector.shape_cast %swap3A_61 : vector<16xi32> to vector<16xi32>
    %swap3A_63 = vector.shape_cast %get3A_59 : vector<16xi32> to vector<16xi32>
    tpu.vector_store %arg10[%swap3A_60], %swap3A_63 {strides = array<i32>} : memref<128xi32, #tpu.memory_space<vmem>>, vector<16xi32>,
    %get3A_64 = arith.constant 48 : index
    %get3A_65 = tpu.vector_load %arg6[%get3A_64] {strides = array<i32>} : memref<20224xi32, #tpu.memory_space<vmem>>, vector<16xi32>,
    %get3A_66 = vector.shape_cast %get3A_65 : vector<16xi32> to vector<16xi32>
    %swap3A_67 = arith.constant 48 : index
    %swap3A_68 = tpu.vector_load %arg8[%swap3A_67] {strides = array<i32>} : memref<128xi32, #tpu.memory_space<vmem>>, vector<16xi32>,
    %swap3A_69 = vector.shape_cast %swap3A_68 : vector<16xi32> to vector<16xi32>
    %swap3A_70 = vector.shape_cast %get3A_66 : vector<16xi32> to vector<16xi32>
    tpu.vector_store %arg8[%swap3A_67], %swap3A_70 {strides = array<i32>} : memref<128xi32, #tpu.memory_space<vmem>>, vector<16xi32>,
    %get3A_71 = arith.constant 48 : index
    %get3A_72 = tpu.vector_load %arg7[%get3A_71] {strides = array<i32>} : memref<20224xi32, #tpu.memory_space<vmem>>, vector<16xi32>,
    %get3A_73 = vector.shape_cast %get3A_72 : vector<16xi32> to vector<16xi32>
    %swap3A_74 = arith.constant 48 : index
    %swap3A_75 = tpu.vector_load %arg10[%swap3A_74] {strides = array<i32>} : memref<128xi32, #tpu.memory_space<vmem>>, vector<16xi32>,
    %swap3A_76 = vector.shape_cast %swap3A_75 : vector<16xi32> to vector<16xi32>
    %swap3A_77 = vector.shape_cast %get3A_73 : vector<16xi32> to vector<16xi32>
    tpu.vector_store %arg10[%swap3A_74], %swap3A_77 {strides = array<i32>} : memref<128xi32, #tpu.memory_space<vmem>>, vector<16xi32>,
    %get3A_78 = arith.constant 64 : index
    %get3A_79 = tpu.vector_load %arg6[%get3A_78] {strides = array<i32>} : memref<20224xi32, #tpu.memory_space<vmem>>, vector<16xi32>,
    %get3A_80 = vector.shape_cast %get3A_79 : vector<16xi32> to vector<16xi32>
    %swap3A_81 = arith.constant 64 : index
    %swap3A_82 = tpu.vector_load %arg8[%swap3A_81] {strides = array<i32>} : memref<128xi32, #tpu.memory_space<vmem>>, vector<16xi32>,
    %swap3A_83 = vector.shape_cast %swap3A_82 : vector<16xi32> to vector<16xi32>
    %swap3A_84 = vector.shape_cast %get3A_80 : vector<16xi32> to vector<16xi32>
    tpu.vector_store %arg8[%swap3A_81], %swap3A_84 {strides = array<i32>} : memref<128xi32, #tpu.memory_space<vmem>>, vector<16xi32>,
    %get3A_85 = arith.constant 64 : index
    %get3A_86 = tpu.vector_load %arg7[%get3A_85] {strides = array<i32>} : memref<20224xi32, #tpu.memory_space<vmem>>, vector<16xi32>,
    %get3A_87 = vector.shape_cast %get3A_86 : vector<16xi32> to vector<16xi32>
    %swap3A_88 = arith.constant 64 : index
    %swap3A_89 = tpu.vector_load %arg10[%swap3A_88] {strides = array<i32>} : memref<128xi32, #tpu.memory_space<vmem>>, vector<16xi32>,
    %swap3A_90 = vector.shape_cast %swap3A_89 : vector<16xi32> to vector<16xi32>
    %swap3A_91 = vector.shape_cast %get3A_87 : vector<16xi32> to vector<16xi32>
    tpu.vector_store %arg10[%swap3A_88], %swap3A_91 {strides = array<i32>} : memref<128xi32, #tpu.memory_space<vmem>>, vector<16xi32>,
    %get3A_92 = arith.constant 80 : index
    %get3A_93 = tpu.vector_load %arg6[%get3A_92] {strides = array<i32>} : memref<20224xi32, #tpu.memory_space<vmem>>, vector<16xi32>,
    %get3A_94 = vector.shape_cast %get3A_93 : vector<16xi32> to vector<16xi32>
    %swap3A_95 = arith.constant 80 : index
    %swap3A_96 = tpu.vector_load %arg8[%swap3A_95] {strides = array<i32>} : memref<128xi32, #tpu.memory_space<vmem>>, vector<16xi32>,
    %swap3A_97 = vector.shape_cast %swap3A_96 : vector<16xi32> to vector<16xi32>
    %swap3A_98 = vector.shape_cast %get3A_94 : vector<16xi32> to vector<16xi32>
    tpu.vector_store %arg8[%swap3A_95], %swap3A_98 {strides = array<i32>} : memref<128xi32, #tpu.memory_space<vmem>>, vector<16xi32>,
    %get3A_99 = arith.constant 80 : index
    %get3A_100 = tpu.vector_load %arg7[%get3A_99] {strides = array<i32>} : memref<20224xi32, #tpu.memory_space<vmem>>, vector<16xi32>,
    %get3A_101 = vector.shape_cast %get3A_100 : vector<16xi32> to vector<16xi32>
    %swap3A_102 = arith.constant 80 : index
    %swap3A_103 = tpu.vector_load %arg10[%swap3A_102] {strides = array<i32>} : memref<128xi32, #tpu.memory_space<vmem>>, vector<16xi32>,
    %swap3A_104 = vector.shape_cast %swap3A_103 : vector<16xi32> to vector<16xi32>
    %swap3A_105 = vector.shape_cast %get3A_101 : vector<16xi32> to vector<16xi32>
    tpu.vector_store %arg10[%swap3A_102], %swap3A_105 {strides = array<i32>} : memref<128xi32, #tpu.memory_space<vmem>>, vector<16xi32>,
    %get3A_106 = arith.constant 96 : index
    %get3A_107 = tpu.vector_load %arg6[%get3A_106] {strides = array<i32>} : memref<20224xi32, #tpu.memory_space<vmem>>, vector<16xi32>,
    %get3A_108 = vector.shape_cast %get3A_107 : vector<16xi32> to vector<16xi32>
    %swap3A_109 = arith.constant 96 : index
    %swap3A_110 = tpu.vector_load %arg8[%swap3A_109] {strides = array<i32>} : memref<128xi32, #tpu.memory_space<vmem>>, vector<16xi32>,
    %swap3A_111 = vector.shape_cast %swap3A_110 : vector<16xi32> to vector<16xi32>
    %swap3A_112 = vector.shape_cast %get3A_108 : vector<16xi32> to vector<16xi32>
    tpu.vector_store %arg8[%swap3A_109], %swap3A_112 {strides = array<i32>} : memref<128xi32, #tpu.memory_space<vmem>>, vector<16xi32>,
    %get3A_113 = arith.constant 96 : index
    %get3A_114 = tpu.vector_load %arg7[%get3A_113] {strides = array<i32>} : memref<20224xi32, #tpu.memory_space<vmem>>, vector<16xi32>,
    %get3A_115 = vector.shape_cast %get3A_114 : vector<16xi32> to vector<16xi32>
    %swap3A_116 = arith.constant 96 : index
    %swap3A_117 = tpu.vector_load %arg10[%swap3A_116] {strides = array<i32>} : memref<128xi32, #tpu.memory_space<vmem>>, vector<16xi32>,
    %swap3A_118 = vector.shape_cast %swap3A_117 : vector<16xi32> to vector<16xi32>
    %swap3A_119 = vector.shape_cast %get3A_115 : vector<16xi32> to vector<16xi32>
    tpu.vector_store %arg10[%swap3A_116], %swap3A_119 {strides = array<i32>} : memref<128xi32, #tpu.memory_space<vmem>>, vector<16xi32>,
    %get3A_120 = arith.constant 112 : index
    %get3A_121 = tpu.vector_load %arg6[%get3A_120] {strides = array<i32>} : memref<20224xi32, #tpu.memory_space<vmem>>, vector<16xi32>,
    %get3A_122 = vector.shape_cast %get3A_121 : vector<16xi32> to vector<16xi32>
    %swap3A_123 = arith.constant 112 : index
    %swap3A_124 = tpu.vector_load %arg8[%swap3A_123] {strides = array<i32>} : memref<128xi32, #tpu.memory_space<vmem>>, vector<16xi32>,
    %swap3A_125 = vector.shape_cast %swap3A_124 : vector<16xi32> to vector<16xi32>
    %swap3A_126 = vector.shape_cast %get3A_122 : vector<16xi32> to vector<16xi32>
    tpu.vector_store %arg8[%swap3A_123], %swap3A_126 {strides = array<i32>} : memref<128xi32, #tpu.memory_space<vmem>>, vector<16xi32>,
    %get3A_127 = arith.constant 112 : index
    %get3A_128 = tpu.vector_load %arg7[%get3A_127] {strides = array<i32>} : memref<20224xi32, #tpu.memory_space<vmem>>, vector<16xi32>,
    %get3A_129 = vector.shape_cast %get3A_128 : vector<16xi32> to vector<16xi32>
    %swap3A_130 = arith.constant 112 : index
    %swap3A_131 = tpu.vector_load %arg10[%swap3A_130] {strides = array<i32>} : memref<128xi32, #tpu.memory_space<vmem>>, vector<16xi32>,
    %swap3A_132 = vector.shape_cast %swap3A_131 : vector<16xi32> to vector<16xi32>
    %swap3A_133 = vector.shape_cast %get3A_129 : vector<16xi32> to vector<16xi32>
    tpu.vector_store %arg10[%swap3A_130], %swap3A_133 {strides = array<i32>} : memref<128xi32, #tpu.memory_space<vmem>>, vector<16xi32>,
    %dma_start3A = arith.constant 0 : i32
    %dma_start3A_134 = arith.constant 0 : i32
    %dma_start3A_135 = tpu.memref_slice %arg2[%dma_start3A, %dma_start3A_134] : memref<10001x64xf32, #tpu.memory_space<hbm>> -> memref<10001x64xf32, #tpu.memory_space<hbm>>
    tpu.enqueue_indirect_dma source(%dma_start3A_135 : memref<10001x64xf32, #tpu.memory_space<hbm>>) target(%arg12 : memref<128x64xf32, #tpu.memory_space<vmem>>) offsets(%arg8 : memref<128xi32, #tpu.memory_space<vmem>>) semaphore(%arg16 : memref<!tpu.dma_semaphore, #tpu.memory_space<semaphore_mem>>)
    %scan3A_136 = arith.constant 0 : i32
    %scan3A_137 = arith.constant 0 : i32
    %scan3A_138 = arith.constant 79 : i32
    %scan3A_139 = arith.addi %scan3A_137, %scan3A_138 : i32
    %scan3A_140 = arith.constant 1 : i32
    %scan3A_141 = scf.for %scan3A_159 = %scan3A_137 to %scan3A_139 step %scan3A_140 iter_args(%scan3A_160 = %scan3A_136) -> (i32)  : i32 {
      %mul3A_161 = arith.constant 2 : i32
      %mul3A_162 = arith.muli %mul3A_161, %scan3A_159 : i32
      %gt3A = arith.constant 0 : i32
      %gt3A_163 = arith.cmpi sgt, %scan3A_159, %gt3A : i32
      %convert_element_type3A = arith.extui %gt3A_163 : i1 to i32
      %cond3A = arith.constant 0 : i32
      %cond3A_164 = arith.cmpi ne, %convert_element_type3A, %cond3A : i32
      scf.if %cond3A_164 {
        %dma_wait3A_335 = arith.constant 0 : i32
        %dma_wait3A_336 = arith.constant 0 : i32
        %dma_wait3A_337 = tpu.memref_slice %arg15[%dma_wait3A_335, %dma_wait3A_336] : memref<10240x64xf32, #tpu.memory_space<vmem_shared>> -> memref<10240x64xf32, #tpu.memory_space<vmem_shared>>
        tpu.wait_indirect_dma semaphore(%arg19 : memref<!tpu.dma_semaphore, #tpu.memory_space<semaphore_mem>>) src(%arg13 : memref<128x64xf32, #tpu.memory_space<vmem>>) dst(%dma_wait3A_337 : memref<10240x64xf32, #tpu.memory_space<vmem_shared>>)
      } else {
      }
      %add3A_165 = arith.constant 1 : i32
      %add3A_166 = arith.addi %mul3A_162, %add3A_165 : i32
      %mul3A_167 = arith.constant 128 : i32
      %mul3A_168 = arith.muli %add3A_166, %mul3A_167 : i32
      %add3A_169 = arith.constant 0 : i32
      %add3A_170 = arith.addi %mul3A_168, %add3A_169 : i32
      %get3A_171 = arith.index_cast %add3A_170 : i32 to index
      %get3A_172 = tpu.vector_load %arg6[%get3A_171] {strides = array<i32>} : memref<20224xi32, #tpu.memory_space<vmem>>, vector<16xi32>,
      %get3A_173 = vector.shape_cast %get3A_172 : vector<16xi32> to vector<16xi32>
      %swap3A_174 = arith.constant 0 : index
      %swap3A_175 = tpu.vector_load %arg9[%swap3A_174] {strides = array<i32>} : memref<128xi32, #tpu.memory_space<vmem>>, vector<16xi32>,
      %swap3A_176 = vector.shape_cast %swap3A_175 : vector<16xi32> to vector<16xi32>
      %swap3A_177 = vector.shape_cast %get3A_173 : vector<16xi32> to vector<16xi32>
      tpu.vector_store %arg9[%swap3A_174], %swap3A_177 {strides = array<i32>} : memref<128xi32, #tpu.memory_space<vmem>>, vector<16xi32>,
      %add3A_178 = arith.constant 0 : i32
      %add3A_179 = arith.addi %mul3A_168, %add3A_178 : i32
      %get3A_180 = arith.index_cast %add3A_179 : i32 to index
      %get3A_181 = tpu.vector_load %arg7[%get3A_180] {strides = array<i32>} : memref<20224xi32, #tpu.memory_space<vmem>>, vector<16xi32>,
      %get3A_182 = vector.shape_cast %get3A_181 : vector<16xi32> to vector<16xi32>
      %swap3A_183 = arith.constant 0 : index
      %swap3A_184 = tpu.vector_load %arg11[%swap3A_183] {strides = array<i32>} : memref<128xi32, #tpu.memory_space<vmem>>, vector<16xi32>,
      %swap3A_185 = vector.shape_cast %swap3A_184 : vector<16xi32> to vector<16xi32>
      %swap3A_186 = vector.shape_cast %get3A_182 : vector<16xi32> to vector<16xi32>
      tpu.vector_store %arg11[%swap3A_183], %swap3A_186 {strides = array<i32>} : memref<128xi32, #tpu.memory_space<vmem>>, vector<16xi32>,
      %add3A_187 = arith.constant 16 : i32
      %add3A_188 = arith.addi %mul3A_168, %add3A_187 : i32
      %get3A_189 = arith.index_cast %add3A_188 : i32 to index
      %get3A_190 = tpu.vector_load %arg6[%get3A_189] {strides = array<i32>} : memref<20224xi32, #tpu.memory_space<vmem>>, vector<16xi32>,
      %get3A_191 = vector.shape_cast %get3A_190 : vector<16xi32> to vector<16xi32>
      %swap3A_192 = arith.constant 16 : index
      %swap3A_193 = tpu.vector_load %arg9[%swap3A_192] {strides = array<i32>} : memref<128xi32, #tpu.memory_space<vmem>>, vector<16xi32>,
      %swap3A_194 = vector.shape_cast %swap3A_193 : vector<16xi32> to vector<16xi32>
      %swap3A_195 = vector.shape_cast %get3A_191 : vector<16xi32> to vector<16xi32>
      tpu.vector_store %arg9[%swap3A_192], %swap3A_195 {strides = array<i32>} : memref<128xi32, #tpu.memory_space<vmem>>, vector<16xi32>,
      %add3A_196 = arith.constant 16 : i32
      %add3A_197 = arith.addi %mul3A_168, %add3A_196 : i32
      %get3A_198 = arith.index_cast %add3A_197 : i32 to index
      %get3A_199 = tpu.vector_load %arg7[%get3A_198] {strides = array<i32>} : memref<20224xi32, #tpu.memory_space<vmem>>, vector<16xi32>,
      %get3A_200 = vector.shape_cast %get3A_199 : vector<16xi32> to vector<16xi32>
      %swap3A_201 = arith.constant 16 : index
      %swap3A_202 = tpu.vector_load %arg11[%swap3A_201] {strides = array<i32>} : memref<128xi32, #tpu.memory_space<vmem>>, vector<16xi32>,
      %swap3A_203 = vector.shape_cast %swap3A_202 : vector<16xi32> to vector<16xi32>
      %swap3A_204 = vector.shape_cast %get3A_200 : vector<16xi32> to vector<16xi32>
      tpu.vector_store %arg11[%swap3A_201], %swap3A_204 {strides = array<i32>} : memref<128xi32, #tpu.memory_space<vmem>>, vector<16xi32>,
      %add3A_205 = arith.constant 32 : i32
      %add3A_206 = arith.addi %mul3A_168, %add3A_205 : i32
      %get3A_207 = arith.index_cast %add3A_206 : i32 to index
      %get3A_208 = tpu.vector_load %arg6[%get3A_207] {strides = array<i32>} : memref<20224xi32, #tpu.memory_space<vmem>>, vector<16xi32>,
      %get3A_209 = vector.shape_cast %get3A_208 : vector<16xi32> to vector<16xi32>
      %swap3A_210 = arith.constant 32 : index
      %swap3A_211 = tpu.vector_load %arg9[%swap3A_210] {strides = array<i32>} : memref<128xi32, #tpu.memory_space<vmem>>, vector<16xi32>,
      %swap3A_212 = vector.shape_cast %swap3A_211 : vector<16xi32> to vector<16xi32>
      %swap3A_213 = vector.shape_cast %get3A_209 : vector<16xi32> to vector<16xi32>
      tpu.vector_store %arg9[%swap3A_210], %swap3A_213 {strides = array<i32>} : memref<128xi32, #tpu.memory_space<vmem>>, vector<16xi32>,
      %add3A_214 = arith.constant 32 : i32
      %add3A_215 = arith.addi %mul3A_168, %add3A_214 : i32
      %get3A_216 = arith.index_cast %add3A_215 : i32 to index
      %get3A_217 = tpu.vector_load %arg7[%get3A_216] {strides = array<i32>} : memref<20224xi32, #tpu.memory_space<vmem>>, vector<16xi32>,
      %get3A_218 = vector.shape_cast %get3A_217 : vector<16xi32> to vector<16xi32>
      %swap3A_219 = arith.constant 32 : index
      %swap3A_220 = tpu.vector_load %arg11[%swap3A_219] {strides = array<i32>} : memref<128xi32, #tpu.memory_space<vmem>>, vector<16xi32>,
      %swap3A_221 = vector.shape_cast %swap3A_220 : vector<16xi32> to vector<16xi32>
      %swap3A_222 = vector.shape_cast %get3A_218 : vector<16xi32> to vector<16xi32>
      tpu.vector_store %arg11[%swap3A_219], %swap3A_222 {strides = array<i32>} : memref<128xi32, #tpu.memory_space<vmem>>, vector<16xi32>,
      %add3A_223 = arith.constant 48 : i32
      %add3A_224 = arith.addi %mul3A_168, %add3A_223 : i32
      %get3A_225 = arith.index_cast %add3A_224 : i32 to index
      %get3A_226 = tpu.vector_load %arg6[%get3A_225] {strides = array<i32>} : memref<20224xi32, #tpu.memory_space<vmem>>, vector<16xi32>,
      %get3A_227 = vector.shape_cast %get3A_226 : vector<16xi32> to vector<16xi32>
      %swap3A_228 = arith.constant 48 : index
      %swap3A_229 = tpu.vector_load %arg9[%swap3A_228] {strides = array<i32>} : memref<128xi32, #tpu.memory_space<vmem>>, vector<16xi32>,
      %swap3A_230 = vector.shape_cast %swap3A_229 : vector<16xi32> to vector<16xi32>
      %swap3A_231 = vector.shape_cast %get3A_227 : vector<16xi32> to vector<16xi32>
      tpu.vector_store %arg9[%swap3A_228], %swap3A_231 {strides = array<i32>} : memref<128xi32, #tpu.memory_space<vmem>>, vector<16xi32>,
      %add3A_232 = arith.constant 48 : i32
      %add3A_233 = arith.addi %mul3A_168, %add3A_232 : i32
      %get3A_234 = arith.index_cast %add3A_233 : i32 to index
      %get3A_235 = tpu.vector_load %arg7[%get3A_234] {strides = array<i32>} : memref<20224xi32, #tpu.memory_space<vmem>>, vector<16xi32>,
      %get3A_236 = vector.shape_cast %get3A_235 : vector<16xi32> to vector<16xi32>
      %swap3A_237 = arith.constant 48 : index
      %swap3A_238 = tpu.vector_load %arg11[%swap3A_237] {strides = array<i32>} : memref<128xi32, #tpu.memory_space<vmem>>, vector<16xi32>,
      %swap3A_239 = vector.shape_cast %swap3A_238 : vector<16xi32> to vector<16xi32>
      %swap3A_240 = vector.shape_cast %get3A_236 : vector<16xi32> to vector<16xi32>
      tpu.vector_store %arg11[%swap3A_237], %swap3A_240 {strides = array<i32>} : memref<128xi32, #tpu.memory_space<vmem>>, vector<16xi32>,
      %add3A_241 = arith.constant 64 : i32
      %add3A_242 = arith.addi %mul3A_168, %add3A_241 : i32
      %get3A_243 = arith.index_cast %add3A_242 : i32 to index
      %get3A_244 = tpu.vector_load %arg6[%get3A_243] {strides = array<i32>} : memref<20224xi32, #tpu.memory_space<vmem>>, vector<16xi32>,
      %get3A_245 = vector.shape_cast %get3A_244 : vector<16xi32> to vector<16xi32>
      %swap3A_246 = arith.constant 64 : index
      %swap3A_247 = tpu.vector_load %arg9[%swap3A_246] {strides = array<i32>} : memref<128xi32, #tpu.memory_space<vmem>>, vector<16xi32>,
      %swap3A_248 = vector.shape_cast %swap3A_247 : vector<16xi32> to vector<16xi32>
      %swap3A_249 = vector.shape_cast %get3A_245 : vector<16xi32> to vector<16xi32>
      tpu.vector_store %arg9[%swap3A_246], %swap3A_249 {strides = array<i32>} : memref<128xi32, #tpu.memory_space<vmem>>, vector<16xi32>,
      %add3A_250 = arith.constant 64 : i32
      %add3A_251 = arith.addi %mul3A_168, %add3A_250 : i32
      %get3A_252 = arith.index_cast %add3A_251 : i32 to index
      %get3A_253 = tpu.vector_load %arg7[%get3A_252] {strides = array<i32>} : memref<20224xi32, #tpu.memory_space<vmem>>, vector<16xi32>,
      %get3A_254 = vector.shape_cast %get3A_253 : vector<16xi32> to vector<16xi32>
      %swap3A_255 = arith.constant 64 : index
      %swap3A_256 = tpu.vector_load %arg11[%swap3A_255] {strides = array<i32>} : memref<128xi32, #tpu.memory_space<vmem>>, vector<16xi32>,
      %swap3A_257 = vector.shape_cast %swap3A_256 : vector<16xi32> to vector<16xi32>
      %swap3A_258 = vector.shape_cast %get3A_254 : vector<16xi32> to vector<16xi32>
      tpu.vector_store %arg11[%swap3A_255], %swap3A_258 {strides = array<i32>} : memref<128xi32, #tpu.memory_space<vmem>>, vector<16xi32>,
      %add3A_259 = arith.constant 80 : i32
      %add3A_260 = arith.addi %mul3A_168, %add3A_259 : i32
      %get3A_261 = arith.index_cast %add3A_260 : i32 to index
      %get3A_262 = tpu.vector_load %arg6[%get3A_261] {strides = array<i32>} : memref<20224xi32, #tpu.memory_space<vmem>>, vector<16xi32>,
      %get3A_263 = vector.shape_cast %get3A_262 : vector<16xi32> to vector<16xi32>
      %swap3A_264 = arith.constant 80 : index
      %swap3A_265 = tpu.vector_load %arg9[%swap3A_264] {strides = array<i32>} : memref<128xi32, #tpu.memory_space<vmem>>, vector<16xi32>,
      %swap3A_266 = vector.shape_cast %swap3A_265 : vector<16xi32> to vector<16xi32>
      %swap3A_267 = vector.shape_cast %get3A_263 : vector<16xi32> to vector<16xi32>
      tpu.vector_store %arg9[%swap3A_264], %swap3A_267 {strides = array<i32>} : memref<128xi32, #tpu.memory_space<vmem>>, vector<16xi32>,
      %add3A_268 = arith.constant 80 : i32
      %add3A_269 = arith.addi %mul3A_168, %add3A_268 : i32
      %get3A_270 = arith.index_cast %add3A_269 : i32 to index
      %get3A_271 = tpu.vector_load %arg7[%get3A_270] {strides = array<i32>} : memref<20224xi32, #tpu.memory_space<vmem>>, vector<16xi32>,
      %get3A_272 = vector.shape_cast %get3A_271 : vector<16xi32> to vector<16xi32>
      %swap3A_273 = arith.constant 80 : index
      %swap3A_274 = tpu.vector_load %arg11[%swap3A_273] {strides = array<i32>} : memref<128xi32, #tpu.memory_space<vmem>>, vector<16xi32>,
      %swap3A_275 = vector.shape_cast %swap3A_274 : vector<16xi32> to vector<16xi32>
      %swap3A_276 = vector.shape_cast %get3A_272 : vector<16xi32> to vector<16xi32>
      tpu.vector_store %arg11[%swap3A_273], %swap3A_276 {strides = array<i32>} : memref<128xi32, #tpu.memory_space<vmem>>, vector<16xi32>,
      %add3A_277 = arith.constant 96 : i32
      %add3A_278 = arith.addi %mul3A_168, %add3A_277 : i32
      %get3A_279 = arith.index_cast %add3A_278 : i32 to index
      %get3A_280 = tpu.vector_load %arg6[%get3A_279] {strides = array<i32>} : memref<20224xi32, #tpu.memory_space<vmem>>, vector<16xi32>,
      %get3A_281 = vector.shape_cast %get3A_280 : vector<16xi32> to vector<16xi32>
      %swap3A_282 = arith.constant 96 : index
      %swap3A_283 = tpu.vector_load %arg9[%swap3A_282] {strides = array<i32>} : memref<128xi32, #tpu.memory_space<vmem>>, vector<16xi32>,
      %swap3A_284 = vector.shape_cast %swap3A_283 : vector<16xi32> to vector<16xi32>
      %swap3A_285 = vector.shape_cast %get3A_281 : vector<16xi32> to vector<16xi32>
      tpu.vector_store %arg9[%swap3A_282], %swap3A_285 {strides = array<i32>} : memref<128xi32, #tpu.memory_space<vmem>>, vector<16xi32>,
      %add3A_286 = arith.constant 96 : i32
      %add3A_287 = arith.addi %mul3A_168, %add3A_286 : i32
      %get3A_288 = arith.index_cast %add3A_287 : i32 to index
      %get3A_289 = tpu.vector_load %arg7[%get3A_288] {strides = array<i32>} : memref<20224xi32, #tpu.memory_space<vmem>>, vector<16xi32>,
      %get3A_290 = vector.shape_cast %get3A_289 : vector<16xi32> to vector<16xi32>
      %swap3A_291 = arith.constant 96 : index
      %swap3A_292 = tpu.vector_load %arg11[%swap3A_291] {strides = array<i32>} : memref<128xi32, #tpu.memory_space<vmem>>, vector<16xi32>,
      %swap3A_293 = vector.shape_cast %swap3A_292 : vector<16xi32> to vector<16xi32>
      %swap3A_294 = vector.shape_cast %get3A_290 : vector<16xi32> to vector<16xi32>
      tpu.vector_store %arg11[%swap3A_291], %swap3A_294 {strides = array<i32>} : memref<128xi32, #tpu.memory_space<vmem>>, vector<16xi32>,
      %add3A_295 = arith.constant 112 : i32
      %add3A_296 = arith.addi %mul3A_168, %add3A_295 : i32
      %get3A_297 = arith.index_cast %add3A_296 : i32 to index
      %get3A_298 = tpu.vector_load %arg6[%get3A_297] {strides = array<i32>} : memref<20224xi32, #tpu.memory_space<vmem>>, vector<16xi32>,
      %get3A_299 = vector.shape_cast %get3A_298 : vector<16xi32> to vector<16xi32>
      %swap3A_300 = arith.constant 112 : index
      %swap3A_301 = tpu.vector_load %arg9[%swap3A_300] {strides = array<i32>} : memref<128xi32, #tpu.memory_space<vmem>>, vector<16xi32>,
      %swap3A_302 = vector.shape_cast %swap3A_301 : vector<16xi32> to vector<16xi32>
      %swap3A_303 = vector.shape_cast %get3A_299 : vector<16xi32> to vector<16xi32>
      tpu.vector_store %arg9[%swap3A_300], %swap3A_303 {strides = array<i32>} : memref<128xi32, #tpu.memory_space<vmem>>, vector<16xi32>,
      %add3A_304 = arith.constant 112 : i32
      %add3A_305 = arith.addi %mul3A_168, %add3A_304 : i32
      %get3A_306 = arith.index_cast %add3A_305 : i32 to index
      %get3A_307 = tpu.vector_load %arg7[%get3A_306] {strides = array<i32>} : memref<20224xi32, #tpu.memory_space<vmem>>, vector<16xi32>,
      %get3A_308 = vector.shape_cast %get3A_307 : vector<16xi32> to vector<16xi32>
      %swap3A_309 = arith.constant 112 : index
      %swap3A_310 = tpu.vector_load %arg11[%swap3A_309] {strides = array<i32>} : memref<128xi32, #tpu.memory_space<vmem>>, vector<16xi32>,
      %swap3A_311 = vector.shape_cast %swap3A_310 : vector<16xi32> to vector<16xi32>
      %swap3A_312 = vector.shape_cast %get3A_308 : vector<16xi32> to vector<16xi32>
      tpu.vector_store %arg11[%swap3A_309], %swap3A_312 {strides = array<i32>} : memref<128xi32, #tpu.memory_space<vmem>>, vector<16xi32>,
      %dma_start3A_313 = arith.constant 0 : i32
      %dma_start3A_314 = arith.constant 0 : i32
      %dma_start3A_315 = tpu.memref_slice %arg2[%dma_start3A_313, %dma_start3A_314] : memref<10001x64xf32, #tpu.memory_space<hbm>> -> memref<10001x64xf32, #tpu.memory_space<hbm>>
      tpu.enqueue_indirect_dma source(%dma_start3A_315 : memref<10001x64xf32, #tpu.memory_space<hbm>>) target(%arg13 : memref<128x64xf32, #tpu.memory_space<vmem>>) offsets(%arg9 : memref<128xi32, #tpu.memory_space<vmem>>) semaphore(%arg17 : memref<!tpu.dma_semaphore, #tpu.memory_space<semaphore_mem>>)
      %dma_wait3A_316 = arith.constant 0 : i32
      %dma_wait3A_317 = arith.constant 0 : i32
      %dma_wait3A_318 = tpu.memref_slice %arg2[%dma_wait3A_316, %dma_wait3A_317] : memref<10001x64xf32, #tpu.memory_space<hbm>> -> memref<10001x64xf32, #tpu.memory_space<hbm>>
      tpu.wait_indirect_dma semaphore(%arg16 : memref<!tpu.dma_semaphore, #tpu.memory_space<semaphore_mem>>) src(%dma_wait3A_318 : memref<10001x64xf32, #tpu.memory_space<hbm>>) dst(%arg12 : memref<128x64xf32, #tpu.memory_space<vmem>>)
      %dma_start3A_319 = arith.constant 0 : i32
      %dma_start3A_320 = arith.constant 0 : i32
      %dma_start3A_321 = tpu.memref_slice %arg15[%dma_start3A_319, %dma_start3A_320] : memref<10240x64xf32, #tpu.memory_space<vmem_shared>> -> memref<10240x64xf32, #tpu.memory_space<vmem_shared>>
      tpu.enqueue_indirect_dma source(%arg12 : memref<128x64xf32, #tpu.memory_space<vmem>>) target(%dma_start3A_321 : memref<10240x64xf32, #tpu.memory_space<vmem_shared>>) offsets(%arg10 : memref<128xi32, #tpu.memory_space<vmem>>) semaphore(%arg18 : memref<!tpu.dma_semaphore, #tpu.memory_space<semaphore_mem>>) {add = true}
      %add3A_322 = arith.constant 2 : i32
      %add3A_323 = arith.addi %mul3A_162, %add3A_322 : i32
      %lt3A = arith.constant 158 : i32
      %lt3A_324 = arith.cmpi slt, %add3A_323, %lt3A : i32
      %convert_element_type3A_325 = arith.extui %lt3A_324 : i1 to i32
      %cond3A_326 = arith.constant 0 : i32
      %cond3A_327 = arith.cmpi ne, %convert_element_type3A_325, %cond3A_326 : i32
      scf.if %cond3A_327 {
        %dma_wait3A_335 = arith.constant 0 : i32
        %dma_wait3A_336 = arith.constant 0 : i32
        %dma_wait3A_337 = tpu.memref_slice %arg15[%dma_wait3A_335, %dma_wait3A_336] : memref<10240x64xf32, #tpu.memory_space<vmem_shared>> -> memref<10240x64xf32, #tpu.memory_space<vmem_shared>>
        tpu.wait_indirect_dma semaphore(%arg18 : memref<!tpu.dma_semaphore, #tpu.memory_space<semaphore_mem>>) src(%arg12 : memref<128x64xf32, #tpu.memory_space<vmem>>) dst(%dma_wait3A_337 : memref<10240x64xf32, #tpu.memory_space<vmem_shared>>)
        %add3A_338 = arith.constant 2 : i32
        %add3A_339 = arith.addi %mul3A_162, %add3A_338 : i32
        %mul3A_340 = arith.constant 128 : i32
        %mul3A_341 = arith.muli %add3A_339, %mul3A_340 : i32
        %add3A_342 = arith.constant 0 : i32
        %add3A_343 = arith.addi %mul3A_341, %add3A_342 : i32
        %get3A_344 = arith.index_cast %add3A_343 : i32 to index
        %get3A_345 = tpu.vector_load %arg6[%get3A_344] {strides = array<i32>} : memref<20224xi32, #tpu.memory_space<vmem>>, vector<16xi32>,
        %get3A_346 = vector.shape_cast %get3A_345 : vector<16xi32> to vector<16xi32>
        %swap3A_347 = arith.constant 0 : index
        %swap3A_348 = tpu.vector_load %arg8[%swap3A_347] {strides = array<i32>} : memref<128xi32, #tpu.memory_space<vmem>>, vector<16xi32>,
        %swap3A_349 = vector.shape_cast %swap3A_348 : vector<16xi32> to vector<16xi32>
        %swap3A_350 = vector.shape_cast %get3A_346 : vector<16xi32> to vector<16xi32>
        tpu.vector_store %arg8[%swap3A_347], %swap3A_350 {strides = array<i32>} : memref<128xi32, #tpu.memory_space<vmem>>, vector<16xi32>,
        %add3A_351 = arith.constant 0 : i32
        %add3A_352 = arith.addi %mul3A_341, %add3A_351 : i32
        %get3A_353 = arith.index_cast %add3A_352 : i32 to index
        %get3A_354 = tpu.vector_load %arg7[%get3A_353] {strides = array<i32>} : memref<20224xi32, #tpu.memory_space<vmem>>, vector<16xi32>,
        %get3A_355 = vector.shape_cast %get3A_354 : vector<16xi32> to vector<16xi32>
        %swap3A_356 = arith.constant 0 : index
        %swap3A_357 = tpu.vector_load %arg10[%swap3A_356] {strides = array<i32>} : memref<128xi32, #tpu.memory_space<vmem>>, vector<16xi32>,
        %swap3A_358 = vector.shape_cast %swap3A_357 : vector<16xi32> to vector<16xi32>
        %swap3A_359 = vector.shape_cast %get3A_355 : vector<16xi32> to vector<16xi32>
        tpu.vector_store %arg10[%swap3A_356], %swap3A_359 {strides = array<i32>} : memref<128xi32, #tpu.memory_space<vmem>>, vector<16xi32>,
        %add3A_360 = arith.constant 16 : i32
        %add3A_361 = arith.addi %mul3A_341, %add3A_360 : i32
        %get3A_362 = arith.index_cast %add3A_361 : i32 to index
        %get3A_363 = tpu.vector_load %arg6[%get3A_362] {strides = array<i32>} : memref<20224xi32, #tpu.memory_space<vmem>>, vector<16xi32>,
        %get3A_364 = vector.shape_cast %get3A_363 : vector<16xi32> to vector<16xi32>
        %swap3A_365 = arith.constant 16 : index
        %swap3A_366 = tpu.vector_load %arg8[%swap3A_365] {strides = array<i32>} : memref<128xi32, #tpu.memory_space<vmem>>, vector<16xi32>,
        %swap3A_367 = vector.shape_cast %swap3A_366 : vector<16xi32> to vector<16xi32>
        %swap3A_368 = vector.shape_cast %get3A_364 : vector<16xi32> to vector<16xi32>
        tpu.vector_store %arg8[%swap3A_365], %swap3A_368 {strides = array<i32>} : memref<128xi32, #tpu.memory_space<vmem>>, vector<16xi32>,
        %add3A_369 = arith.constant 16 : i32
        %add3A_370 = arith.addi %mul3A_341, %add3A_369 : i32
        %get3A_371 = arith.index_cast %add3A_370 : i32 to index
        %get3A_372 = tpu.vector_load %arg7[%get3A_371] {strides = array<i32>} : memref<20224xi32, #tpu.memory_space<vmem>>, vector<16xi32>,
        %get3A_373 = vector.shape_cast %get3A_372 : vector<16xi32> to vector<16xi32>
        %swap3A_374 = arith.constant 16 : index
        %swap3A_375 = tpu.vector_load %arg10[%swap3A_374] {strides = array<i32>} : memref<128xi32, #tpu.memory_space<vmem>>, vector<16xi32>,
        %swap3A_376 = vector.shape_cast %swap3A_375 : vector<16xi32> to vector<16xi32>
        %swap3A_377 = vector.shape_cast %get3A_373 : vector<16xi32> to vector<16xi32>
        tpu.vector_store %arg10[%swap3A_374], %swap3A_377 {strides = array<i32>} : memref<128xi32, #tpu.memory_space<vmem>>, vector<16xi32>,
        %add3A_378 = arith.constant 32 : i32
        %add3A_379 = arith.addi %mul3A_341, %add3A_378 : i32
        %get3A_380 = arith.index_cast %add3A_379 : i32 to index
        %get3A_381 = tpu.vector_load %arg6[%get3A_380] {strides = array<i32>} : memref<20224xi32, #tpu.memory_space<vmem>>, vector<16xi32>,
        %get3A_382 = vector.shape_cast %get3A_381 : vector<16xi32> to vector<16xi32>
        %swap3A_383 = arith.constant 32 : index
        %swap3A_384 = tpu.vector_load %arg8[%swap3A_383] {strides = array<i32>} : memref<128xi32, #tpu.memory_space<vmem>>, vector<16xi32>,
        %swap3A_385 = vector.shape_cast %swap3A_384 : vector<16xi32> to vector<16xi32>
        %swap3A_386 = vector.shape_cast %get3A_382 : vector<16xi32> to vector<16xi32>
        tpu.vector_store %arg8[%swap3A_383], %swap3A_386 {strides = array<i32>} : memref<128xi32, #tpu.memory_space<vmem>>, vector<16xi32>,
        %add3A_387 = arith.constant 32 : i32
        %add3A_388 = arith.addi %mul3A_341, %add3A_387 : i32
        %get3A_389 = arith.index_cast %add3A_388 : i32 to index
        %get3A_390 = tpu.vector_load %arg7[%get3A_389] {strides = array<i32>} : memref<20224xi32, #tpu.memory_space<vmem>>, vector<16xi32>,
        %get3A_391 = vector.shape_cast %get3A_390 : vector<16xi32> to vector<16xi32>
        %swap3A_392 = arith.constant 32 : index
        %swap3A_393 = tpu.vector_load %arg10[%swap3A_392] {strides = array<i32>} : memref<128xi32, #tpu.memory_space<vmem>>, vector<16xi32>,
        %swap3A_394 = vector.shape_cast %swap3A_393 : vector<16xi32> to vector<16xi32>
        %swap3A_395 = vector.shape_cast %get3A_391 : vector<16xi32> to vector<16xi32>
        tpu.vector_store %arg10[%swap3A_392], %swap3A_395 {strides = array<i32>} : memref<128xi32, #tpu.memory_space<vmem>>, vector<16xi32>,
        %add3A_396 = arith.constant 48 : i32
        %add3A_397 = arith.addi %mul3A_341, %add3A_396 : i32
        %get3A_398 = arith.index_cast %add3A_397 : i32 to index
        %get3A_399 = tpu.vector_load %arg6[%get3A_398] {strides = array<i32>} : memref<20224xi32, #tpu.memory_space<vmem>>, vector<16xi32>,
        %get3A_400 = vector.shape_cast %get3A_399 : vector<16xi32> to vector<16xi32>
        %swap3A_401 = arith.constant 48 : index
        %swap3A_402 = tpu.vector_load %arg8[%swap3A_401] {strides = array<i32>} : memref<128xi32, #tpu.memory_space<vmem>>, vector<16xi32>,
        %swap3A_403 = vector.shape_cast %swap3A_402 : vector<16xi32> to vector<16xi32>
        %swap3A_404 = vector.shape_cast %get3A_400 : vector<16xi32> to vector<16xi32>
        tpu.vector_store %arg8[%swap3A_401], %swap3A_404 {strides = array<i32>} : memref<128xi32, #tpu.memory_space<vmem>>, vector<16xi32>,
        %add3A_405 = arith.constant 48 : i32
        %add3A_406 = arith.addi %mul3A_341, %add3A_405 : i32
        %get3A_407 = arith.index_cast %add3A_406 : i32 to index
        %get3A_408 = tpu.vector_load %arg7[%get3A_407] {strides = array<i32>} : memref<20224xi32, #tpu.memory_space<vmem>>, vector<16xi32>,
        %get3A_409 = vector.shape_cast %get3A_408 : vector<16xi32> to vector<16xi32>
        %swap3A_410 = arith.constant 48 : index
        %swap3A_411 = tpu.vector_load %arg10[%swap3A_410] {strides = array<i32>} : memref<128xi32, #tpu.memory_space<vmem>>, vector<16xi32>,
        %swap3A_412 = vector.shape_cast %swap3A_411 : vector<16xi32> to vector<16xi32>
        %swap3A_413 = vector.shape_cast %get3A_409 : vector<16xi32> to vector<16xi32>
        tpu.vector_store %arg10[%swap3A_410], %swap3A_413 {strides = array<i32>} : memref<128xi32, #tpu.memory_space<vmem>>, vector<16xi32>,
        %add3A_414 = arith.constant 64 : i32
        %add3A_415 = arith.addi %mul3A_341, %add3A_414 : i32
        %get3A_416 = arith.index_cast %add3A_415 : i32 to index
        %get3A_417 = tpu.vector_load %arg6[%get3A_416] {strides = array<i32>} : memref<20224xi32, #tpu.memory_space<vmem>>, vector<16xi32>,
        %get3A_418 = vector.shape_cast %get3A_417 : vector<16xi32> to vector<16xi32>
        %swap3A_419 = arith.constant 64 : index
        %swap3A_420 = tpu.vector_load %arg8[%swap3A_419] {strides = array<i32>} : memref<128xi32, #tpu.memory_space<vmem>>, vector<16xi32>,
        %swap3A_421 = vector.shape_cast %swap3A_420 : vector<16xi32> to vector<16xi32>
        %swap3A_422 = vector.shape_cast %get3A_418 : vector<16xi32> to vector<16xi32>
        tpu.vector_store %arg8[%swap3A_419], %swap3A_422 {strides = array<i32>} : memref<128xi32, #tpu.memory_space<vmem>>, vector<16xi32>,
        %add3A_423 = arith.constant 64 : i32
        %add3A_424 = arith.addi %mul3A_341, %add3A_423 : i32
        %get3A_425 = arith.index_cast %add3A_424 : i32 to index
        %get3A_426 = tpu.vector_load %arg7[%get3A_425] {strides = array<i32>} : memref<20224xi32, #tpu.memory_space<vmem>>, vector<16xi32>,
        %get3A_427 = vector.shape_cast %get3A_426 : vector<16xi32> to vector<16xi32>
        %swap3A_428 = arith.constant 64 : index
        %swap3A_429 = tpu.vector_load %arg10[%swap3A_428] {strides = array<i32>} : memref<128xi32, #tpu.memory_space<vmem>>, vector<16xi32>,
        %swap3A_430 = vector.shape_cast %swap3A_429 : vector<16xi32> to vector<16xi32>
        %swap3A_431 = vector.shape_cast %get3A_427 : vector<16xi32> to vector<16xi32>
        tpu.vector_store %arg10[%swap3A_428], %swap3A_431 {strides = array<i32>} : memref<128xi32, #tpu.memory_space<vmem>>, vector<16xi32>,
        %add3A_432 = arith.constant 80 : i32
        %add3A_433 = arith.addi %mul3A_341, %add3A_432 : i32
        %get3A_434 = arith.index_cast %add3A_433 : i32 to index
        %get3A_435 = tpu.vector_load %arg6[%get3A_434] {strides = array<i32>} : memref<20224xi32, #tpu.memory_space<vmem>>, vector<16xi32>,
        %get3A_436 = vector.shape_cast %get3A_435 : vector<16xi32> to vector<16xi32>
        %swap3A_437 = arith.constant 80 : index
        %swap3A_438 = tpu.vector_load %arg8[%swap3A_437] {strides = array<i32>} : memref<128xi32, #tpu.memory_space<vmem>>, vector<16xi32>,
        %swap3A_439 = vector.shape_cast %swap3A_438 : vector<16xi32> to vector<16xi32>
        %swap3A_440 = vector.shape_cast %get3A_436 : vector<16xi32> to vector<16xi32>
        tpu.vector_store %arg8[%swap3A_437], %swap3A_440 {strides = array<i32>} : memref<128xi32, #tpu.memory_space<vmem>>, vector<16xi32>,
        %add3A_441 = arith.constant 80 : i32
        %add3A_442 = arith.addi %mul3A_341, %add3A_441 : i32
        %get3A_443 = arith.index_cast %add3A_442 : i32 to index
        %get3A_444 = tpu.vector_load %arg7[%get3A_443] {strides = array<i32>} : memref<20224xi32, #tpu.memory_space<vmem>>, vector<16xi32>,
        %get3A_445 = vector.shape_cast %get3A_444 : vector<16xi32> to vector<16xi32>
        %swap3A_446 = arith.constant 80 : index
        %swap3A_447 = tpu.vector_load %arg10[%swap3A_446] {strides = array<i32>} : memref<128xi32, #tpu.memory_space<vmem>>, vector<16xi32>,
        %swap3A_448 = vector.shape_cast %swap3A_447 : vector<16xi32> to vector<16xi32>
        %swap3A_449 = vector.shape_cast %get3A_445 : vector<16xi32> to vector<16xi32>
        tpu.vector_store %arg10[%swap3A_446], %swap3A_449 {strides = array<i32>} : memref<128xi32, #tpu.memory_space<vmem>>, vector<16xi32>,
        %add3A_450 = arith.constant 96 : i32
        %add3A_451 = arith.addi %mul3A_341, %add3A_450 : i32
        %get3A_452 = arith.index_cast %add3A_451 : i32 to index
        %get3A_453 = tpu.vector_load %arg6[%get3A_452] {strides = array<i32>} : memref<20224xi32, #tpu.memory_space<vmem>>, vector<16xi32>,
        %get3A_454 = vector.shape_cast %get3A_453 : vector<16xi32> to vector<16xi32>
        %swap3A_455 = arith.constant 96 : index
        %swap3A_456 = tpu.vector_load %arg8[%swap3A_455] {strides = array<i32>} : memref<128xi32, #tpu.memory_space<vmem>>, vector<16xi32>,
        %swap3A_457 = vector.shape_cast %swap3A_456 : vector<16xi32> to vector<16xi32>
        %swap3A_458 = vector.shape_cast %get3A_454 : vector<16xi32> to vector<16xi32>
        tpu.vector_store %arg8[%swap3A_455], %swap3A_458 {strides = array<i32>} : memref<128xi32, #tpu.memory_space<vmem>>, vector<16xi32>,
        %add3A_459 = arith.constant 96 : i32
        %add3A_460 = arith.addi %mul3A_341, %add3A_459 : i32
        %get3A_461 = arith.index_cast %add3A_460 : i32 to index
        %get3A_462 = tpu.vector_load %arg7[%get3A_461] {strides = array<i32>} : memref<20224xi32, #tpu.memory_space<vmem>>, vector<16xi32>,
        %get3A_463 = vector.shape_cast %get3A_462 : vector<16xi32> to vector<16xi32>
        %swap3A_464 = arith.constant 96 : index
        %swap3A_465 = tpu.vector_load %arg10[%swap3A_464] {strides = array<i32>} : memref<128xi32, #tpu.memory_space<vmem>>, vector<16xi32>,
        %swap3A_466 = vector.shape_cast %swap3A_465 : vector<16xi32> to vector<16xi32>
        %swap3A_467 = vector.shape_cast %get3A_463 : vector<16xi32> to vector<16xi32>
        tpu.vector_store %arg10[%swap3A_464], %swap3A_467 {strides = array<i32>} : memref<128xi32, #tpu.memory_space<vmem>>, vector<16xi32>,
        %add3A_468 = arith.constant 112 : i32
        %add3A_469 = arith.addi %mul3A_341, %add3A_468 : i32
        %get3A_470 = arith.index_cast %add3A_469 : i32 to index
        %get3A_471 = tpu.vector_load %arg6[%get3A_470] {strides = array<i32>} : memref<20224xi32, #tpu.memory_space<vmem>>, vector<16xi32>,
        %get3A_472 = vector.shape_cast %get3A_471 : vector<16xi32> to vector<16xi32>
        %swap3A_473 = arith.constant 112 : index
        %swap3A_474 = tpu.vector_load %arg8[%swap3A_473] {strides = array<i32>} : memref<128xi32, #tpu.memory_space<vmem>>, vector<16xi32>,
        %swap3A_475 = vector.shape_cast %swap3A_474 : vector<16xi32> to vector<16xi32>
        %swap3A_476 = vector.shape_cast %get3A_472 : vector<16xi32> to vector<16xi32>
        tpu.vector_store %arg8[%swap3A_473], %swap3A_476 {strides = array<i32>} : memref<128xi32, #tpu.memory_space<vmem>>, vector<16xi32>,
        %add3A_477 = arith.constant 112 : i32
        %add3A_478 = arith.addi %mul3A_341, %add3A_477 : i32
        %get3A_479 = arith.index_cast %add3A_478 : i32 to index
        %get3A_480 = tpu.vector_load %arg7[%get3A_479] {strides = array<i32>} : memref<20224xi32, #tpu.memory_space<vmem>>, vector<16xi32>,
        %get3A_481 = vector.shape_cast %get3A_480 : vector<16xi32> to vector<16xi32>
        %swap3A_482 = arith.constant 112 : index
        %swap3A_483 = tpu.vector_load %arg10[%swap3A_482] {strides = array<i32>} : memref<128xi32, #tpu.memory_space<vmem>>, vector<16xi32>,
        %swap3A_484 = vector.shape_cast %swap3A_483 : vector<16xi32> to vector<16xi32>
        %swap3A_485 = vector.shape_cast %get3A_481 : vector<16xi32> to vector<16xi32>
        tpu.vector_store %arg10[%swap3A_482], %swap3A_485 {strides = array<i32>} : memref<128xi32, #tpu.memory_space<vmem>>, vector<16xi32>,
        %dma_start3A_486 = arith.constant 0 : i32
        %dma_start3A_487 = arith.constant 0 : i32
        %dma_start3A_488 = tpu.memref_slice %arg2[%dma_start3A_486, %dma_start3A_487] : memref<10001x64xf32, #tpu.memory_space<hbm>> -> memref<10001x64xf32, #tpu.memory_space<hbm>>
        tpu.enqueue_indirect_dma source(%dma_start3A_488 : memref<10001x64xf32, #tpu.memory_space<hbm>>) target(%arg12 : memref<128x64xf32, #tpu.memory_space<vmem>>) offsets(%arg8 : memref<128xi32, #tpu.memory_space<vmem>>) semaphore(%arg16 : memref<!tpu.dma_semaphore, #tpu.memory_space<semaphore_mem>>)
      } else {
      }
      %dma_wait3A_328 = arith.constant 0 : i32
      %dma_wait3A_329 = arith.constant 0 : i32
      %dma_wait3A_330 = tpu.memref_slice %arg2[%dma_wait3A_328, %dma_wait3A_329] : memref<10001x64xf32, #tpu.memory_space<hbm>> -> memref<10001x64xf32, #tpu.memory_space<hbm>>
      tpu.wait_indirect_dma semaphore(%arg17 : memref<!tpu.dma_semaphore, #tpu.memory_space<semaphore_mem>>) src(%dma_wait3A_330 : memref<10001x64xf32, #tpu.memory_space<hbm>>) dst(%arg13 : memref<128x64xf32, #tpu.memory_space<vmem>>)
      %dma_start3A_331 = arith.constant 0 : i32
      %dma_start3A_332 = arith.constant 0 : i32
      %dma_start3A_333 = tpu.memref_slice %arg15[%dma_start3A_331, %dma_start3A_332] : memref<10240x64xf32, #tpu.memory_space<vmem_shared>> -> memref<10240x64xf32, #tpu.memory_space<vmem_shared>>
      tpu.enqueue_indirect_dma source(%arg13 : memref<128x64xf32, #tpu.memory_space<vmem>>) target(%dma_start3A_333 : memref<10240x64xf32, #tpu.memory_space<vmem_shared>>) offsets(%arg11 : memref<128xi32, #tpu.memory_space<vmem>>) semaphore(%arg19 : memref<!tpu.dma_semaphore, #tpu.memory_space<semaphore_mem>>) {add = true}
      %scan3A_334 = arith.constant 0 : i32
      scf.yield %scan3A_334 : i32
    }
    %scan3A_142 = arith.constant 79 : i32
    %dma_wait3A = arith.constant 0 : i32
    %dma_wait3A_143 = arith.constant 0 : i32
    %dma_wait3A_144 = tpu.memref_slice %arg15[%dma_wait3A, %dma_wait3A_143] : memref<10240x64xf32, #tpu.memory_space<vmem_shared>> -> memref<10240x64xf32, #tpu.memory_space<vmem_shared>>
    tpu.wait_indirect_dma semaphore(%arg18 : memref<!tpu.dma_semaphore, #tpu.memory_space<semaphore_mem>>) src(%arg12 : memref<128x64xf32, #tpu.memory_space<vmem>>) dst(%dma_wait3A_144 : memref<10240x64xf32, #tpu.memory_space<vmem_shared>>)
    %dma_wait3A_145 = arith.constant 0 : i32
    %dma_wait3A_146 = arith.constant 0 : i32
    %dma_wait3A_147 = tpu.memref_slice %arg15[%dma_wait3A_145, %dma_wait3A_146] : memref<10240x64xf32, #tpu.memory_space<vmem_shared>> -> memref<10240x64xf32, #tpu.memory_space<vmem_shared>>
    tpu.wait_indirect_dma semaphore(%arg19 : memref<!tpu.dma_semaphore, #tpu.memory_space<semaphore_mem>>) src(%arg13 : memref<128x64xf32, #tpu.memory_space<vmem>>) dst(%dma_wait3A_147 : memref<10240x64xf32, #tpu.memory_space<vmem_shared>>)
    %barrier3A_148 = arith.constant 0 : index
    tpu.barrier barrier_id(%barrier3A_148)
    %add3A_149 = arith.constant 0 : i32
    %add3A_150 = arith.addi %mul3A_13, %add3A_149 : i32
    "tpu.region"() ({
      %run_scoped3A = tpu.sem_alloc : memref<!tpu.dma_semaphore, #tpu.memory_space<semaphore_mem>>
      %dma_start3A_159 = arith.constant 0 : i32
      %dma_start3A_160 = tpu.memref_slice %arg5[%arg0, %add3A_150, %dma_start3A_159] : memref<2x10240x64xf32, #tpu.memory_space<hbm>> -> memref<1x128x64xf32, #tpu.memory_space<hbm>>
      %dma_start3A_161 = tpu.memref_squeeze %dma_start3A_160 : memref<1x128x64xf32, #tpu.memory_space<hbm>> -> memref<128x64xf32, #tpu.memory_space<hbm>>
      %dma_start3A_162 = arith.constant 0 : i32
      %dma_start3A_163 = tpu.memref_slice %arg15[%add3A_150, %dma_start3A_162] : memref<10240x64xf32, #tpu.memory_space<vmem_shared>> -> memref<128x64xf32, #tpu.memory_space<vmem_shared>>
      tpu.enqueue_dma source(%dma_start3A_163 : memref<128x64xf32, #tpu.memory_space<vmem_shared>>) target(%dma_start3A_161 : memref<128x64xf32, #tpu.memory_space<hbm>>) target_semaphore(%run_scoped3A : memref<!tpu.dma_semaphore, #tpu.memory_space<semaphore_mem>>)
      %dma_wait3A_164 = arith.constant 0 : i32
      %dma_wait3A_165 = tpu.memref_slice %arg5[%arg0, %add3A_150, %dma_wait3A_164] : memref<2x10240x64xf32, #tpu.memory_space<hbm>> -> memref<1x128x64xf32, #tpu.memory_space<hbm>>
      %dma_wait3A_166 = tpu.memref_squeeze %dma_wait3A_165 : memref<1x128x64xf32, #tpu.memory_space<hbm>> -> memref<128x64xf32, #tpu.memory_space<hbm>>
      %dma_wait3A_167 = arith.constant 0 : i32
      %dma_wait3A_168 = tpu.memref_slice %arg15[%add3A_150, %dma_wait3A_167] : memref<10240x64xf32, #tpu.memory_space<vmem_shared>> -> memref<128x64xf32, #tpu.memory_space<vmem_shared>>
      tpu.wait_dma2 semaphore(%run_scoped3A : memref<!tpu.dma_semaphore, #tpu.memory_space<semaphore_mem>>) src(%dma_wait3A_168 : memref<128x64xf32, #tpu.memory_space<vmem_shared>>) dst(%dma_wait3A_166 : memref<128x64xf32, #tpu.memory_space<hbm>>)
      tpu.yield
    }) : () -> ()
    %add3A_151 = arith.constant 128 : i32
    %add3A_152 = arith.addi %mul3A_13, %add3A_151 : i32
    "tpu.region"() ({
      %run_scoped3A = tpu.sem_alloc : memref<!tpu.dma_semaphore, #tpu.memory_space<semaphore_mem>>
      %dma_start3A_159 = arith.constant 0 : i32
      %dma_start3A_160 = tpu.memref_slice %arg5[%arg0, %add3A_152, %dma_start3A_159] : memref<2x10240x64xf32, #tpu.memory_space<hbm>> -> memref<1x128x64xf32, #tpu.memory_space<hbm>>
      %dma_start3A_161 = tpu.memref_squeeze %dma_start3A_160 : memref<1x128x64xf32, #tpu.memory_space<hbm>> -> memref<128x64xf32, #tpu.memory_space<hbm>>
      %dma_start3A_162 = arith.constant 0 : i32
      %dma_start3A_163 = tpu.memref_slice %arg15[%add3A_152, %dma_start3A_162] : memref<10240x64xf32, #tpu.memory_space<vmem_shared>> -> memref<128x64xf32, #tpu.memory_space<vmem_shared>>
      tpu.enqueue_dma source(%dma_start3A_163 : memref<128x64xf32, #tpu.memory_space<vmem_shared>>) target(%dma_start3A_161 : memref<128x64xf32, #tpu.memory_space<hbm>>) target_semaphore(%run_scoped3A : memref<!tpu.dma_semaphore, #tpu.memory_space<semaphore_mem>>)
      %dma_wait3A_164 = arith.constant 0 : i32
      %dma_wait3A_165 = tpu.memref_slice %arg5[%arg0, %add3A_152, %dma_wait3A_164] : memref<2x10240x64xf32, #tpu.memory_space<hbm>> -> memref<1x128x64xf32, #tpu.memory_space<hbm>>
      %dma_wait3A_166 = tpu.memref_squeeze %dma_wait3A_165 : memref<1x128x64xf32, #tpu.memory_space<hbm>> -> memref<128x64xf32, #tpu.memory_space<hbm>>
      %dma_wait3A_167 = arith.constant 0 : i32
      %dma_wait3A_168 = tpu.memref_slice %arg15[%add3A_152, %dma_wait3A_167] : memref<10240x64xf32, #tpu.memory_space<vmem_shared>> -> memref<128x64xf32, #tpu.memory_space<vmem_shared>>
      tpu.wait_dma2 semaphore(%run_scoped3A : memref<!tpu.dma_semaphore, #tpu.memory_space<semaphore_mem>>) src(%dma_wait3A_168 : memref<128x64xf32, #tpu.memory_space<vmem_shared>>) dst(%dma_wait3A_166 : memref<128x64xf32, #tpu.memory_space<hbm>>)
      tpu.yield
    }) : () -> ()
    %add3A_153 = arith.constant 256 : i32
    %add3A_154 = arith.addi %mul3A_13, %add3A_153 : i32
    "tpu.region"() ({
      %run_scoped3A = tpu.sem_alloc : memref<!tpu.dma_semaphore, #tpu.memory_space<semaphore_mem>>
      %dma_start3A_159 = arith.constant 0 : i32
      %dma_start3A_160 = tpu.memref_slice %arg5[%arg0, %add3A_154, %dma_start3A_159] : memref<2x10240x64xf32, #tpu.memory_space<hbm>> -> memref<1x128x64xf32, #tpu.memory_space<hbm>>
      %dma_start3A_161 = tpu.memref_squeeze %dma_start3A_160 : memref<1x128x64xf32, #tpu.memory_space<hbm>> -> memref<128x64xf32, #tpu.memory_space<hbm>>
      %dma_start3A_162 = arith.constant 0 : i32
      %dma_start3A_163 = tpu.memref_slice %arg15[%add3A_154, %dma_start3A_162] : memref<10240x64xf32, #tpu.memory_space<vmem_shared>> -> memref<128x64xf32, #tpu.memory_space<vmem_shared>>
      tpu.enqueue_dma source(%dma_start3A_163 : memref<128x64xf32, #tpu.memory_space<vmem_shared>>) target(%dma_start3A_161 : memref<128x64xf32, #tpu.memory_space<hbm>>) target_semaphore(%run_scoped3A : memref<!tpu.dma_semaphore, #tpu.memory_space<semaphore_mem>>)
      %dma_wait3A_164 = arith.constant 0 : i32
      %dma_wait3A_165 = tpu.memref_slice %arg5[%arg0, %add3A_154, %dma_wait3A_164] : memref<2x10240x64xf32, #tpu.memory_space<hbm>> -> memref<1x128x64xf32, #tpu.memory_space<hbm>>
      %dma_wait3A_166 = tpu.memref_squeeze %dma_wait3A_165 : memref<1x128x64xf32, #tpu.memory_space<hbm>> -> memref<128x64xf32, #tpu.memory_space<hbm>>
      %dma_wait3A_167 = arith.constant 0 : i32
      %dma_wait3A_168 = tpu.memref_slice %arg15[%add3A_154, %dma_wait3A_167] : memref<10240x64xf32, #tpu.memory_space<vmem_shared>> -> memref<128x64xf32, #tpu.memory_space<vmem_shared>>
      tpu.wait_dma2 semaphore(%run_scoped3A : memref<!tpu.dma_semaphore, #tpu.memory_space<semaphore_mem>>) src(%dma_wait3A_168 : memref<128x64xf32, #tpu.memory_space<vmem_shared>>) dst(%dma_wait3A_166 : memref<128x64xf32, #tpu.memory_space<hbm>>)
      tpu.yield
    }) : () -> ()
    %add3A_155 = arith.constant 384 : i32
    %add3A_156 = arith.addi %mul3A_13, %add3A_155 : i32
    "tpu.region"() ({
      %run_scoped3A = tpu.sem_alloc : memref<!tpu.dma_semaphore, #tpu.memory_space<semaphore_mem>>
      %dma_start3A_159 = arith.constant 0 : i32
      %dma_start3A_160 = tpu.memref_slice %arg5[%arg0, %add3A_156, %dma_start3A_159] : memref<2x10240x64xf32, #tpu.memory_space<hbm>> -> memref<1x128x64xf32, #tpu.memory_space<hbm>>
      %dma_start3A_161 = tpu.memref_squeeze %dma_start3A_160 : memref<1x128x64xf32, #tpu.memory_space<hbm>> -> memref<128x64xf32, #tpu.memory_space<hbm>>
      %dma_start3A_162 = arith.constant 0 : i32
      %dma_start3A_163 = tpu.memref_slice %arg15[%add3A_156, %dma_start3A_162] : memref<10240x64xf32, #tpu.memory_space<vmem_shared>> -> memref<128x64xf32, #tpu.memory_space<vmem_shared>>
      tpu.enqueue_dma source(%dma_start3A_163 : memref<128x64xf32, #tpu.memory_space<vmem_shared>>) target(%dma_start3A_161 : memref<128x64xf32, #tpu.memory_space<hbm>>) target_semaphore(%run_scoped3A : memref<!tpu.dma_semaphore, #tpu.memory_space<semaphore_mem>>)
      %dma_wait3A_164 = arith.constant 0 : i32
      %dma_wait3A_165 = tpu.memref_slice %arg5[%arg0, %add3A_156, %dma_wait3A_164] : memref<2x10240x64xf32, #tpu.memory_space<hbm>> -> memref<1x128x64xf32, #tpu.memory_space<hbm>>
      %dma_wait3A_166 = tpu.memref_squeeze %dma_wait3A_165 : memref<1x128x64xf32, #tpu.memory_space<hbm>> -> memref<128x64xf32, #tpu.memory_space<hbm>>
      %dma_wait3A_167 = arith.constant 0 : i32
      %dma_wait3A_168 = tpu.memref_slice %arg15[%add3A_156, %dma_wait3A_167] : memref<10240x64xf32, #tpu.memory_space<vmem_shared>> -> memref<128x64xf32, #tpu.memory_space<vmem_shared>>
      tpu.wait_dma2 semaphore(%run_scoped3A : memref<!tpu.dma_semaphore, #tpu.memory_space<semaphore_mem>>) src(%dma_wait3A_168 : memref<128x64xf32, #tpu.memory_space<vmem_shared>>) dst(%dma_wait3A_166 : memref<128x64xf32, #tpu.memory_space<hbm>>)
      tpu.yield
    }) : () -> ()
    %add3A_157 = arith.constant 512 : i32
    %add3A_158 = arith.addi %mul3A_13, %add3A_157 : i32
    "tpu.region"() ({
      %run_scoped3A = tpu.sem_alloc : memref<!tpu.dma_semaphore, #tpu.memory_space<semaphore_mem>>
      %dma_start3A_159 = arith.constant 0 : i32
      %dma_start3A_160 = tpu.memref_slice %arg5[%arg0, %add3A_158, %dma_start3A_159] : memref<2x10240x64xf32, #tpu.memory_space<hbm>> -> memref<1x128x64xf32, #tpu.memory_space<hbm>>
      %dma_start3A_161 = tpu.memref_squeeze %dma_start3A_160 : memref<1x128x64xf32, #tpu.memory_space<hbm>> -> memref<128x64xf32, #tpu.memory_space<hbm>>
      %dma_start3A_162 = arith.constant 0 : i32
      %dma_start3A_163 = tpu.memref_slice %arg15[%add3A_158, %dma_start3A_162] : memref<10240x64xf32, #tpu.memory_space<vmem_shared>> -> memref<128x64xf32, #tpu.memory_space<vmem_shared>>
      tpu.enqueue_dma source(%dma_start3A_163 : memref<128x64xf32, #tpu.memory_space<vmem_shared>>) target(%dma_start3A_161 : memref<128x64xf32, #tpu.memory_space<hbm>>) target_semaphore(%run_scoped3A : memref<!tpu.dma_semaphore, #tpu.memory_space<semaphore_mem>>)
      %dma_wait3A_164 = arith.constant 0 : i32
      %dma_wait3A_165 = tpu.memref_slice %arg5[%arg0, %add3A_158, %dma_wait3A_164] : memref<2x10240x64xf32, #tpu.memory_space<hbm>> -> memref<1x128x64xf32, #tpu.memory_space<hbm>>
      %dma_wait3A_166 = tpu.memref_squeeze %dma_wait3A_165 : memref<1x128x64xf32, #tpu.memory_space<hbm>> -> memref<128x64xf32, #tpu.memory_space<hbm>>
      %dma_wait3A_167 = arith.constant 0 : i32
      %dma_wait3A_168 = tpu.memref_slice %arg15[%add3A_158, %dma_wait3A_167] : memref<10240x64xf32, #tpu.memory_space<vmem_shared>> -> memref<128x64xf32, #tpu.memory_space<vmem_shared>>
      tpu.wait_dma2 semaphore(%run_scoped3A : memref<!tpu.dma_semaphore, #tpu.memory_space<semaphore_mem>>) src(%dma_wait3A_168 : memref<128x64xf32, #tpu.memory_space<vmem_shared>>) dst(%dma_wait3A_166 : memref<128x64xf32, #tpu.memory_space<hbm>>)
      tpu.yield
    }) : () -> ()
    return
  }
}

#map = affine_map<(d0, d1) -> (0, 0)>
#map1 = affine_map<(d0, d1) -> (0)>
#map2 = affine_map<(d0, d1) -> (0, 0, 0)>
module attributes {stable_mosaic.version = 14 : i64} {
  func.func @agg(%arg0: i32, %arg1: i32, %arg2: memref<10001x64xf32, #tpu.memory_space<hbm>>, %arg3: memref<647168xi32, #tpu.memory_space<hbm>>, %arg4: memref<647168xi32, #tpu.memory_space<hbm>>, %arg5: memref<2x10240x64xf32, #tpu.memory_space<hbm>>, %arg6: memref<20224xi32, #tpu.memory_space<vmem>>, %arg7: memref<20224xi32, #tpu.memory_space<vmem>>, %arg8: memref<128xi32, #tpu.memory_space<vmem>>, %arg9: memref<128xi32, #tpu.memory_space<vmem>>, %arg10: memref<128xi32, #tpu.memory_space<vmem>>, %arg11: memref<128xi32, #tpu.memory_space<vmem>>, %arg12: memref<128x64xf32, #tpu.memory_space<vmem>>, %arg13: memref<128x64xf32, #tpu.memory_space<vmem>>, %arg14: memref<128x64xf32, #tpu.memory_space<vmem>>, %arg15: memref<10240x64xf32, #tpu.memory_space<vmem_shared>>, %arg16: memref<!tpu.dma_semaphore, #tpu.memory_space<semaphore_mem>>, %arg17: memref<!tpu.dma_semaphore, #tpu.memory_space<semaphore_mem>>, %arg18: memref<!tpu.dma_semaphore, #tpu.memory_space<semaphore_mem>>, %arg19: memref<!tpu.dma_semaphore, #tpu.memory_space<semaphore_mem>>) attributes {dimension_semantics = [#tpu.dimension_semantics<core_parallel>, #tpu.dimension_semantics<subcore_parallel>], iteration_bounds = array<i64: 2, 16>, scalar_prefetch = 0 : i64, scratch_operands = 14 : i64, tpu.core_type = #tpu.core_type<sc_vector_subcore>, window_params = [{transform_indices = #map}, {transform_indices = #map1}, {transform_indices = #map1}, {transform_indices = #map2}]} {
    %mul3A = arith.constant 2 : i32
    %mul3A_0 = arith.muli %arg1, %mul3A : i32
    %add3A = arith.addi %mul3A_0, %arg0 : i32
    %mul3A_1 = arith.constant 20224 : i32
    %mul3A_2 = arith.muli %add3A, %mul3A_1 : i32
    "tpu.region"() ({
      %run_scoped3A = tpu.sem_alloc : memref<!tpu.dma_semaphore, #tpu.memory_space<semaphore_mem>>
      %dma_start3A_159 = tpu.memref_slice %arg3[%mul3A_2] : memref<647168xi32, #tpu.memory_space<hbm>> -> memref<20224xi32, #tpu.memory_space<hbm>>
      %dma_start3A_160 = tpu.memref_slice %arg3[%mul3A_2] : memref<647168xi32, #tpu.memory_space<hbm>> -> memref<20224xi32, #tpu.memory_space<hbm>>
      tpu.enqueue_dma source(%dma_start3A_160 : memref<20224xi32, #tpu.memory_space<hbm>>) target(%arg6 : memref<20224xi32, #tpu.memory_space<vmem>>) target_semaphore(%run_scoped3A : memref<!tpu.dma_semaphore, #tpu.memory_space<semaphore_mem>>)
      %dma_wait3A_161 = tpu.memref_slice %arg3[%mul3A_2] : memref<647168xi32, #tpu.memory_space<hbm>> -> memref<20224xi32, #tpu.memory_space<hbm>>
      %dma_wait3A_162 = tpu.memref_slice %arg3[%mul3A_2] : memref<647168xi32, #tpu.memory_space<hbm>> -> memref<20224xi32, #tpu.memory_space<hbm>>
      tpu.wait_dma2 semaphore(%run_scoped3A : memref<!tpu.dma_semaphore, #tpu.memory_space<semaphore_mem>>) src(%dma_wait3A_162 : memref<20224xi32, #tpu.memory_space<hbm>>) dst(%arg6 : memref<20224xi32, #tpu.memory_space<vmem>>)
      tpu.yield
    }) : () -> ()
    %mul3A_3 = arith.constant 20224 : i32
    %mul3A_4 = arith.muli %add3A, %mul3A_3 : i32
    "tpu.region"() ({
      %run_scoped3A = tpu.sem_alloc : memref<!tpu.dma_semaphore, #tpu.memory_space<semaphore_mem>>
      %dma_start3A_159 = tpu.memref_slice %arg4[%mul3A_4] : memref<647168xi32, #tpu.memory_space<hbm>> -> memref<20224xi32, #tpu.memory_space<hbm>>
      %dma_start3A_160 = tpu.memref_slice %arg4[%mul3A_4] : memref<647168xi32, #tpu.memory_space<hbm>> -> memref<20224xi32, #tpu.memory_space<hbm>>
      tpu.enqueue_dma source(%dma_start3A_160 : memref<20224xi32, #tpu.memory_space<hbm>>) target(%arg7 : memref<20224xi32, #tpu.memory_space<vmem>>) target_semaphore(%run_scoped3A : memref<!tpu.dma_semaphore, #tpu.memory_space<semaphore_mem>>)
      %dma_wait3A_161 = tpu.memref_slice %arg4[%mul3A_4] : memref<647168xi32, #tpu.memory_space<hbm>> -> memref<20224xi32, #tpu.memory_space<hbm>>
      %dma_wait3A_162 = tpu.memref_slice %arg4[%mul3A_4] : memref<647168xi32, #tpu.memory_space<hbm>> -> memref<20224xi32, #tpu.memory_space<hbm>>
      tpu.wait_dma2 semaphore(%run_scoped3A : memref<!tpu.dma_semaphore, #tpu.memory_space<semaphore_mem>>) src(%dma_wait3A_162 : memref<20224xi32, #tpu.memory_space<hbm>>) dst(%arg7 : memref<20224xi32, #tpu.memory_space<vmem>>)
      tpu.yield
    }) : () -> ()
    %broadcast_in_dim3A = arith.constant 0.000000e+00 : f32
    %broadcast_in_dim3A_5 = vector.broadcast %broadcast_in_dim3A : f32 to vector<16xf32>
    %scan3A = arith.constant 0 : i32
    %scan3A_6 = arith.constant 0 : i32
    %scan3A_7 = arith.constant 512 : i32
    %scan3A_8 = arith.addi %scan3A_6, %scan3A_7 : i32
    %scan3A_9 = arith.constant 1 : i32
    %scan3A_10 = scf.for %scan3A_159 = %scan3A_6 to %scan3A_8 step %scan3A_9 iter_args(%scan3A_160 = %scan3A) -> (i32)  : i32 {
      %jit3A = arith.constant 4 : i32
      %div3A = arith.divsi %scan3A_159, %jit3A : i32
      %sign3A = arith.constant 0 : i32
      %sign3A_161 = arith.cmpi sgt, %scan3A_159, %sign3A : i32
      %sign3A_162 = arith.extui %sign3A_161 : i1 to i32
      %sign3A_163 = arith.constant 0 : i32
      %sign3A_164 = arith.cmpi slt, %scan3A_159, %sign3A_163 : i32
      %sign3A_165 = arith.extui %sign3A_164 : i1 to i32
      %sign3A_166 = arith.subi %sign3A_162, %sign3A_165 : i32
      %sign3A_167 = arith.constant 0 : i32
      %sign3A_168 = arith.cmpi sgt, %jit3A, %sign3A_167 : i32
      %sign3A_169 = arith.extui %sign3A_168 : i1 to i32
      %sign3A_170 = arith.constant 0 : i32
      %sign3A_171 = arith.cmpi slt, %jit3A, %sign3A_170 : i32
      %sign3A_172 = arith.extui %sign3A_171 : i1 to i32
      %sign3A_173 = arith.subi %sign3A_169, %sign3A_172 : i32
      %ne3A = arith.cmpi ne, %sign3A_166, %sign3A_173 : i32
      %rem3A = arith.remsi %scan3A_159, %jit3A : i32
      %ne3A_174 = arith.constant 0 : i32
      %ne3A_175 = arith.cmpi ne, %rem3A, %ne3A_174 : i32
      %and3A = arith.andi %ne3A, %ne3A_175 : i1
      %sub3A = arith.constant 1 : i32
      %sub3A_176 = arith.subi %div3A, %sub3A : i32
      %select_n3A = arith.select %and3A, %sub3A_176, %div3A : i32
      %jit3A_177 = arith.constant 4 : i32
      %eq3A = arith.constant 0 : i32
      %eq3A_178 = arith.cmpi eq, %jit3A_177, %eq3A : i32
      %jit3A_179 = arith.constant 1 : i32
      %select_n3A_180 = arith.select %eq3A_178, %jit3A_179, %jit3A_177 : i32
      %rem3A_181 = arith.remsi %scan3A_159, %select_n3A_180 : i32
      %ne3A_182 = arith.constant 0 : i32
      %ne3A_183 = arith.cmpi ne, %rem3A_181, %ne3A_182 : i32
      %lt3A = arith.constant 0 : i32
      %lt3A_184 = arith.cmpi slt, %rem3A_181, %lt3A : i32
      %lt3A_185 = arith.constant 0 : i32
      %lt3A_186 = arith.cmpi slt, %select_n3A_180, %lt3A_185 : i32
      %ne3A_187 = arith.xori %lt3A_184, %lt3A_186 : i1
      %and3A_188 = arith.andi %ne3A_187, %ne3A_183 : i1
      %add3A_189 = arith.addi %rem3A_181, %select_n3A_180 : i32
      %select_n3A_190 = arith.select %and3A_188, %add3A_189, %rem3A_181 : i32
      %mul3A_191 = arith.constant 16 : i32
      %mul3A_192 = arith.muli %select_n3A_190, %mul3A_191 : i32
      %swap3A_193 = arith.index_cast %select_n3A : i32 to index
      %swap3A_194 = arith.index_cast %mul3A_192 : i32 to index
      %swap3A_195 = tpu.vector_load %arg14[%swap3A_193, %swap3A_194] {strides = array<i32>} : memref<128x64xf32, #tpu.memory_space<vmem>>, vector<1x16xf32>,
      %swap3A_196 = vector.shape_cast %swap3A_195 : vector<1x16xf32> to vector<16xf32>
      %swap3A_197 = vector.shape_cast %broadcast_in_dim3A_5 : vector<16xf32> to vector<1x16xf32>
      tpu.vector_store %arg14[%swap3A_193, %swap3A_194], %swap3A_197 {strides = array<i32>} : memref<128x64xf32, #tpu.memory_space<vmem>>, vector<1x16xf32>,
      %scan3A_198 = arith.constant 0 : i32
      scf.yield %scan3A_198 : i32
    }
    %scan3A_11 = arith.constant 512 : i32
    %mul3A_12 = arith.constant 640 : i32
    %mul3A_13 = arith.muli %arg1, %mul3A_12 : i32
    %add3A_14 = arith.constant 0 : i32
    %add3A_15 = arith.addi %mul3A_13, %add3A_14 : i32
    "tpu.region"() ({
      %run_scoped3A = tpu.sem_alloc : memref<!tpu.dma_semaphore, #tpu.memory_space<semaphore_mem>>
      %dma_start3A_159 = arith.constant 0 : i32
      %dma_start3A_160 = tpu.memref_slice %arg15[%add3A_15, %dma_start3A_159] : memref<10240x64xf32, #tpu.memory_space<vmem_shared>> -> memref<128x64xf32, #tpu.memory_space<vmem_shared>>
      %dma_start3A_161 = arith.constant 0 : i32
      %dma_start3A_162 = tpu.memref_slice %arg15[%add3A_15, %dma_start3A_161] : memref<10240x64xf32, #tpu.memory_space<vmem_shared>> -> memref<128x64xf32, #tpu.memory_space<vmem_shared>>
      tpu.enqueue_dma source(%arg14 : memref<128x64xf32, #tpu.memory_space<vmem>>) target(%dma_start3A_162 : memref<128x64xf32, #tpu.memory_space<vmem_shared>>) target_semaphore(%run_scoped3A : memref<!tpu.dma_semaphore, #tpu.memory_space<semaphore_mem>>)
      %dma_wait3A_163 = arith.constant 0 : i32
      %dma_wait3A_164 = tpu.memref_slice %arg15[%add3A_15, %dma_wait3A_163] : memref<10240x64xf32, #tpu.memory_space<vmem_shared>> -> memref<128x64xf32, #tpu.memory_space<vmem_shared>>
      %dma_wait3A_165 = arith.constant 0 : i32
      %dma_wait3A_166 = tpu.memref_slice %arg15[%add3A_15, %dma_wait3A_165] : memref<10240x64xf32, #tpu.memory_space<vmem_shared>> -> memref<128x64xf32, #tpu.memory_space<vmem_shared>>
      tpu.wait_dma2 semaphore(%run_scoped3A : memref<!tpu.dma_semaphore, #tpu.memory_space<semaphore_mem>>) src(%arg14 : memref<128x64xf32, #tpu.memory_space<vmem>>) dst(%dma_wait3A_166 : memref<128x64xf32, #tpu.memory_space<vmem_shared>>)
      tpu.yield
    }) : () -> ()
    %add3A_16 = arith.constant 128 : i32
    %add3A_17 = arith.addi %mul3A_13, %add3A_16 : i32
    "tpu.region"() ({
      %run_scoped3A = tpu.sem_alloc : memref<!tpu.dma_semaphore, #tpu.memory_space<semaphore_mem>>
      %dma_start3A_159 = arith.constant 0 : i32
      %dma_start3A_160 = tpu.memref_slice %arg15[%add3A_17, %dma_start3A_159] : memref<10240x64xf32, #tpu.memory_space<vmem_shared>> -> memref<128x64xf32, #tpu.memory_space<vmem_shared>>
      %dma_start3A_161 = arith.constant 0 : i32
      %dma_start3A_162 = tpu.memref_slice %arg15[%add3A_17, %dma_start3A_161] : memref<10240x64xf32, #tpu.memory_space<vmem_shared>> -> memref<128x64xf32, #tpu.memory_space<vmem_shared>>
      tpu.enqueue_dma source(%arg14 : memref<128x64xf32, #tpu.memory_space<vmem>>) target(%dma_start3A_162 : memref<128x64xf32, #tpu.memory_space<vmem_shared>>) target_semaphore(%run_scoped3A : memref<!tpu.dma_semaphore, #tpu.memory_space<semaphore_mem>>)
      %dma_wait3A_163 = arith.constant 0 : i32
      %dma_wait3A_164 = tpu.memref_slice %arg15[%add3A_17, %dma_wait3A_163] : memref<10240x64xf32, #tpu.memory_space<vmem_shared>> -> memref<128x64xf32, #tpu.memory_space<vmem_shared>>
      %dma_wait3A_165 = arith.constant 0 : i32
      %dma_wait3A_166 = tpu.memref_slice %arg15[%add3A_17, %dma_wait3A_165] : memref<10240x64xf32, #tpu.memory_space<vmem_shared>> -> memref<128x64xf32, #tpu.memory_space<vmem_shared>>
      tpu.wait_dma2 semaphore(%run_scoped3A : memref<!tpu.dma_semaphore, #tpu.memory_space<semaphore_mem>>) src(%arg14 : memref<128x64xf32, #tpu.memory_space<vmem>>) dst(%dma_wait3A_166 : memref<128x64xf32, #tpu.memory_space<vmem_shared>>)
      tpu.yield
    }) : () -> ()
    %add3A_18 = arith.constant 256 : i32
    %add3A_19 = arith.addi %mul3A_13, %add3A_18 : i32
    "tpu.region"() ({
      %run_scoped3A = tpu.sem_alloc : memref<!tpu.dma_semaphore, #tpu.memory_space<semaphore_mem>>
      %dma_start3A_159 = arith.constant 0 : i32
      %dma_start3A_160 = tpu.memref_slice %arg15[%add3A_19, %dma_start3A_159] : memref<10240x64xf32, #tpu.memory_space<vmem_shared>> -> memref<128x64xf32, #tpu.memory_space<vmem_shared>>
      %dma_start3A_161 = arith.constant 0 : i32
      %dma_start3A_162 = tpu.memref_slice %arg15[%add3A_19, %dma_start3A_161] : memref<10240x64xf32, #tpu.memory_space<vmem_shared>> -> memref<128x64xf32, #tpu.memory_space<vmem_shared>>
      tpu.enqueue_dma source(%arg14 : memref<128x64xf32, #tpu.memory_space<vmem>>) target(%dma_start3A_162 : memref<128x64xf32, #tpu.memory_space<vmem_shared>>) target_semaphore(%run_scoped3A : memref<!tpu.dma_semaphore, #tpu.memory_space<semaphore_mem>>)
      %dma_wait3A_163 = arith.constant 0 : i32
      %dma_wait3A_164 = tpu.memref_slice %arg15[%add3A_19, %dma_wait3A_163] : memref<10240x64xf32, #tpu.memory_space<vmem_shared>> -> memref<128x64xf32, #tpu.memory_space<vmem_shared>>
      %dma_wait3A_165 = arith.constant 0 : i32
      %dma_wait3A_166 = tpu.memref_slice %arg15[%add3A_19, %dma_wait3A_165] : memref<10240x64xf32, #tpu.memory_space<vmem_shared>> -> memref<128x64xf32, #tpu.memory_space<vmem_shared>>
      tpu.wait_dma2 semaphore(%run_scoped3A : memref<!tpu.dma_semaphore, #tpu.memory_space<semaphore_mem>>) src(%arg14 : memref<128x64xf32, #tpu.memory_space<vmem>>) dst(%dma_wait3A_166 : memref<128x64xf32, #tpu.memory_space<vmem_shared>>)
      tpu.yield
    }) : () -> ()
    %add3A_20 = arith.constant 384 : i32
    %add3A_21 = arith.addi %mul3A_13, %add3A_20 : i32
    "tpu.region"() ({
      %run_scoped3A = tpu.sem_alloc : memref<!tpu.dma_semaphore, #tpu.memory_space<semaphore_mem>>
      %dma_start3A_159 = arith.constant 0 : i32
      %dma_start3A_160 = tpu.memref_slice %arg15[%add3A_21, %dma_start3A_159] : memref<10240x64xf32, #tpu.memory_space<vmem_shared>> -> memref<128x64xf32, #tpu.memory_space<vmem_shared>>
      %dma_start3A_161 = arith.constant 0 : i32
      %dma_start3A_162 = tpu.memref_slice %arg15[%add3A_21, %dma_start3A_161] : memref<10240x64xf32, #tpu.memory_space<vmem_shared>> -> memref<128x64xf32, #tpu.memory_space<vmem_shared>>
      tpu.enqueue_dma source(%arg14 : memref<128x64xf32, #tpu.memory_space<vmem>>) target(%dma_start3A_162 : memref<128x64xf32, #tpu.memory_space<vmem_shared>>) target_semaphore(%run_scoped3A : memref<!tpu.dma_semaphore, #tpu.memory_space<semaphore_mem>>)
      %dma_wait3A_163 = arith.constant 0 : i32
      %dma_wait3A_164 = tpu.memref_slice %arg15[%add3A_21, %dma_wait3A_163] : memref<10240x64xf32, #tpu.memory_space<vmem_shared>> -> memref<128x64xf32, #tpu.memory_space<vmem_shared>>
      %dma_wait3A_165 = arith.constant 0 : i32
      %dma_wait3A_166 = tpu.memref_slice %arg15[%add3A_21, %dma_wait3A_165] : memref<10240x64xf32, #tpu.memory_space<vmem_shared>> -> memref<128x64xf32, #tpu.memory_space<vmem_shared>>
      tpu.wait_dma2 semaphore(%run_scoped3A : memref<!tpu.dma_semaphore, #tpu.memory_space<semaphore_mem>>) src(%arg14 : memref<128x64xf32, #tpu.memory_space<vmem>>) dst(%dma_wait3A_166 : memref<128x64xf32, #tpu.memory_space<vmem_shared>>)
      tpu.yield
    }) : () -> ()
    %add3A_22 = arith.constant 512 : i32
    %add3A_23 = arith.addi %mul3A_13, %add3A_22 : i32
    "tpu.region"() ({
      %run_scoped3A = tpu.sem_alloc : memref<!tpu.dma_semaphore, #tpu.memory_space<semaphore_mem>>
      %dma_start3A_159 = arith.constant 0 : i32
      %dma_start3A_160 = tpu.memref_slice %arg15[%add3A_23, %dma_start3A_159] : memref<10240x64xf32, #tpu.memory_space<vmem_shared>> -> memref<128x64xf32, #tpu.memory_space<vmem_shared>>
      %dma_start3A_161 = arith.constant 0 : i32
      %dma_start3A_162 = tpu.memref_slice %arg15[%add3A_23, %dma_start3A_161] : memref<10240x64xf32, #tpu.memory_space<vmem_shared>> -> memref<128x64xf32, #tpu.memory_space<vmem_shared>>
      tpu.enqueue_dma source(%arg14 : memref<128x64xf32, #tpu.memory_space<vmem>>) target(%dma_start3A_162 : memref<128x64xf32, #tpu.memory_space<vmem_shared>>) target_semaphore(%run_scoped3A : memref<!tpu.dma_semaphore, #tpu.memory_space<semaphore_mem>>)
      %dma_wait3A_163 = arith.constant 0 : i32
      %dma_wait3A_164 = tpu.memref_slice %arg15[%add3A_23, %dma_wait3A_163] : memref<10240x64xf32, #tpu.memory_space<vmem_shared>> -> memref<128x64xf32, #tpu.memory_space<vmem_shared>>
      %dma_wait3A_165 = arith.constant 0 : i32
      %dma_wait3A_166 = tpu.memref_slice %arg15[%add3A_23, %dma_wait3A_165] : memref<10240x64xf32, #tpu.memory_space<vmem_shared>> -> memref<128x64xf32, #tpu.memory_space<vmem_shared>>
      tpu.wait_dma2 semaphore(%run_scoped3A : memref<!tpu.dma_semaphore, #tpu.memory_space<semaphore_mem>>) src(%arg14 : memref<128x64xf32, #tpu.memory_space<vmem>>) dst(%dma_wait3A_166 : memref<128x64xf32, #tpu.memory_space<vmem_shared>>)
      tpu.yield
    }) : () -> ()
    %barrier3A = arith.constant 0 : index
    tpu.barrier barrier_id(%barrier3A)
    %get3A = arith.constant 0 : index
    %get3A_24 = tpu.vector_load %arg6[%get3A] {strides = array<i32>} : memref<20224xi32, #tpu.memory_space<vmem>>, vector<16xi32>,
    %get3A_25 = vector.shape_cast %get3A_24 : vector<16xi32> to vector<16xi32>
    %swap3A = arith.constant 0 : index
    %swap3A_26 = tpu.vector_load %arg8[%swap3A] {strides = array<i32>} : memref<128xi32, #tpu.memory_space<vmem>>, vector<16xi32>,
    %swap3A_27 = vector.shape_cast %swap3A_26 : vector<16xi32> to vector<16xi32>
    %swap3A_28 = vector.shape_cast %get3A_25 : vector<16xi32> to vector<16xi32>
    tpu.vector_store %arg8[%swap3A], %swap3A_28 {strides = array<i32>} : memref<128xi32, #tpu.memory_space<vmem>>, vector<16xi32>,
    %get3A_29 = arith.constant 0 : index
    %get3A_30 = tpu.vector_load %arg7[%get3A_29] {strides = array<i32>} : memref<20224xi32, #tpu.memory_space<vmem>>, vector<16xi32>,
    %get3A_31 = vector.shape_cast %get3A_30 : vector<16xi32> to vector<16xi32>
    %swap3A_32 = arith.constant 0 : index
    %swap3A_33 = tpu.vector_load %arg10[%swap3A_32] {strides = array<i32>} : memref<128xi32, #tpu.memory_space<vmem>>, vector<16xi32>,
    %swap3A_34 = vector.shape_cast %swap3A_33 : vector<16xi32> to vector<16xi32>
    %swap3A_35 = vector.shape_cast %get3A_31 : vector<16xi32> to vector<16xi32>
    tpu.vector_store %arg10[%swap3A_32], %swap3A_35 {strides = array<i32>} : memref<128xi32, #tpu.memory_space<vmem>>, vector<16xi32>,
    %get3A_36 = arith.constant 16 : index
    %get3A_37 = tpu.vector_load %arg6[%get3A_36] {strides = array<i32>} : memref<20224xi32, #tpu.memory_space<vmem>>, vector<16xi32>,
    %get3A_38 = vector.shape_cast %get3A_37 : vector<16xi32> to vector<16xi32>
    %swap3A_39 = arith.constant 16 : index
    %swap3A_40 = tpu.vector_load %arg8[%swap3A_39] {strides = array<i32>} : memref<128xi32, #tpu.memory_space<vmem>>, vector<16xi32>,
    %swap3A_41 = vector.shape_cast %swap3A_40 : vector<16xi32> to vector<16xi32>
    %swap3A_42 = vector.shape_cast %get3A_38 : vector<16xi32> to vector<16xi32>
    tpu.vector_store %arg8[%swap3A_39], %swap3A_42 {strides = array<i32>} : memref<128xi32, #tpu.memory_space<vmem>>, vector<16xi32>,
    %get3A_43 = arith.constant 16 : index
    %get3A_44 = tpu.vector_load %arg7[%get3A_43] {strides = array<i32>} : memref<20224xi32, #tpu.memory_space<vmem>>, vector<16xi32>,
    %get3A_45 = vector.shape_cast %get3A_44 : vector<16xi32> to vector<16xi32>
    %swap3A_46 = arith.constant 16 : index
    %swap3A_47 = tpu.vector_load %arg10[%swap3A_46] {strides = array<i32>} : memref<128xi32, #tpu.memory_space<vmem>>, vector<16xi32>,
    %swap3A_48 = vector.shape_cast %swap3A_47 : vector<16xi32> to vector<16xi32>
    %swap3A_49 = vector.shape_cast %get3A_45 : vector<16xi32> to vector<16xi32>
    tpu.vector_store %arg10[%swap3A_46], %swap3A_49 {strides = array<i32>} : memref<128xi32, #tpu.memory_space<vmem>>, vector<16xi32>,
    %get3A_50 = arith.constant 32 : index
    %get3A_51 = tpu.vector_load %arg6[%get3A_50] {strides = array<i32>} : memref<20224xi32, #tpu.memory_space<vmem>>, vector<16xi32>,
    %get3A_52 = vector.shape_cast %get3A_51 : vector<16xi32> to vector<16xi32>
    %swap3A_53 = arith.constant 32 : index
    %swap3A_54 = tpu.vector_load %arg8[%swap3A_53] {strides = array<i32>} : memref<128xi32, #tpu.memory_space<vmem>>, vector<16xi32>,
    %swap3A_55 = vector.shape_cast %swap3A_54 : vector<16xi32> to vector<16xi32>
    %swap3A_56 = vector.shape_cast %get3A_52 : vector<16xi32> to vector<16xi32>
    tpu.vector_store %arg8[%swap3A_53], %swap3A_56 {strides = array<i32>} : memref<128xi32, #tpu.memory_space<vmem>>, vector<16xi32>,
    %get3A_57 = arith.constant 32 : index
    %get3A_58 = tpu.vector_load %arg7[%get3A_57] {strides = array<i32>} : memref<20224xi32, #tpu.memory_space<vmem>>, vector<16xi32>,
    %get3A_59 = vector.shape_cast %get3A_58 : vector<16xi32> to vector<16xi32>
    %swap3A_60 = arith.constant 32 : index
    %swap3A_61 = tpu.vector_load %arg10[%swap3A_60] {strides = array<i32>} : memref<128xi32, #tpu.memory_space<vmem>>, vector<16xi32>,
    %swap3A_62 = vector.shape_cast %swap3A_61 : vector<16xi32> to vector<16xi32>
    %swap3A_63 = vector.shape_cast %get3A_59 : vector<16xi32> to vector<16xi32>
    tpu.vector_store %arg10[%swap3A_60], %swap3A_63 {strides = array<i32>} : memref<128xi32, #tpu.memory_space<vmem>>, vector<16xi32>,
    %get3A_64 = arith.constant 48 : index
    %get3A_65 = tpu.vector_load %arg6[%get3A_64] {strides = array<i32>} : memref<20224xi32, #tpu.memory_space<vmem>>, vector<16xi32>,
    %get3A_66 = vector.shape_cast %get3A_65 : vector<16xi32> to vector<16xi32>
    %swap3A_67 = arith.constant 48 : index
    %swap3A_68 = tpu.vector_load %arg8[%swap3A_67] {strides = array<i32>} : memref<128xi32, #tpu.memory_space<vmem>>, vector<16xi32>,
    %swap3A_69 = vector.shape_cast %swap3A_68 : vector<16xi32> to vector<16xi32>
    %swap3A_70 = vector.shape_cast %get3A_66 : vector<16xi32> to vector<16xi32>
    tpu.vector_store %arg8[%swap3A_67], %swap3A_70 {strides = array<i32>} : memref<128xi32, #tpu.memory_space<vmem>>, vector<16xi32>,
    %get3A_71 = arith.constant 48 : index
    %get3A_72 = tpu.vector_load %arg7[%get3A_71] {strides = array<i32>} : memref<20224xi32, #tpu.memory_space<vmem>>, vector<16xi32>,
    %get3A_73 = vector.shape_cast %get3A_72 : vector<16xi32> to vector<16xi32>
    %swap3A_74 = arith.constant 48 : index
    %swap3A_75 = tpu.vector_load %arg10[%swap3A_74] {strides = array<i32>} : memref<128xi32, #tpu.memory_space<vmem>>, vector<16xi32>,
    %swap3A_76 = vector.shape_cast %swap3A_75 : vector<16xi32> to vector<16xi32>
    %swap3A_77 = vector.shape_cast %get3A_73 : vector<16xi32> to vector<16xi32>
    tpu.vector_store %arg10[%swap3A_74], %swap3A_77 {strides = array<i32>} : memref<128xi32, #tpu.memory_space<vmem>>, vector<16xi32>,
    %get3A_78 = arith.constant 64 : index
    %get3A_79 = tpu.vector_load %arg6[%get3A_78] {strides = array<i32>} : memref<20224xi32, #tpu.memory_space<vmem>>, vector<16xi32>,
    %get3A_80 = vector.shape_cast %get3A_79 : vector<16xi32> to vector<16xi32>
    %swap3A_81 = arith.constant 64 : index
    %swap3A_82 = tpu.vector_load %arg8[%swap3A_81] {strides = array<i32>} : memref<128xi32, #tpu.memory_space<vmem>>, vector<16xi32>,
    %swap3A_83 = vector.shape_cast %swap3A_82 : vector<16xi32> to vector<16xi32>
    %swap3A_84 = vector.shape_cast %get3A_80 : vector<16xi32> to vector<16xi32>
    tpu.vector_store %arg8[%swap3A_81], %swap3A_84 {strides = array<i32>} : memref<128xi32, #tpu.memory_space<vmem>>, vector<16xi32>,
    %get3A_85 = arith.constant 64 : index
    %get3A_86 = tpu.vector_load %arg7[%get3A_85] {strides = array<i32>} : memref<20224xi32, #tpu.memory_space<vmem>>, vector<16xi32>,
    %get3A_87 = vector.shape_cast %get3A_86 : vector<16xi32> to vector<16xi32>
    %swap3A_88 = arith.constant 64 : index
    %swap3A_89 = tpu.vector_load %arg10[%swap3A_88] {strides = array<i32>} : memref<128xi32, #tpu.memory_space<vmem>>, vector<16xi32>,
    %swap3A_90 = vector.shape_cast %swap3A_89 : vector<16xi32> to vector<16xi32>
    %swap3A_91 = vector.shape_cast %get3A_87 : vector<16xi32> to vector<16xi32>
    tpu.vector_store %arg10[%swap3A_88], %swap3A_91 {strides = array<i32>} : memref<128xi32, #tpu.memory_space<vmem>>, vector<16xi32>,
    %get3A_92 = arith.constant 80 : index
    %get3A_93 = tpu.vector_load %arg6[%get3A_92] {strides = array<i32>} : memref<20224xi32, #tpu.memory_space<vmem>>, vector<16xi32>,
    %get3A_94 = vector.shape_cast %get3A_93 : vector<16xi32> to vector<16xi32>
    %swap3A_95 = arith.constant 80 : index
    %swap3A_96 = tpu.vector_load %arg8[%swap3A_95] {strides = array<i32>} : memref<128xi32, #tpu.memory_space<vmem>>, vector<16xi32>,
    %swap3A_97 = vector.shape_cast %swap3A_96 : vector<16xi32> to vector<16xi32>
    %swap3A_98 = vector.shape_cast %get3A_94 : vector<16xi32> to vector<16xi32>
    tpu.vector_store %arg8[%swap3A_95], %swap3A_98 {strides = array<i32>} : memref<128xi32, #tpu.memory_space<vmem>>, vector<16xi32>,
    %get3A_99 = arith.constant 80 : index
    %get3A_100 = tpu.vector_load %arg7[%get3A_99] {strides = array<i32>} : memref<20224xi32, #tpu.memory_space<vmem>>, vector<16xi32>,
    %get3A_101 = vector.shape_cast %get3A_100 : vector<16xi32> to vector<16xi32>
    %swap3A_102 = arith.constant 80 : index
    %swap3A_103 = tpu.vector_load %arg10[%swap3A_102] {strides = array<i32>} : memref<128xi32, #tpu.memory_space<vmem>>, vector<16xi32>,
    %swap3A_104 = vector.shape_cast %swap3A_103 : vector<16xi32> to vector<16xi32>
    %swap3A_105 = vector.shape_cast %get3A_101 : vector<16xi32> to vector<16xi32>
    tpu.vector_store %arg10[%swap3A_102], %swap3A_105 {strides = array<i32>} : memref<128xi32, #tpu.memory_space<vmem>>, vector<16xi32>,
    %get3A_106 = arith.constant 96 : index
    %get3A_107 = tpu.vector_load %arg6[%get3A_106] {strides = array<i32>} : memref<20224xi32, #tpu.memory_space<vmem>>, vector<16xi32>,
    %get3A_108 = vector.shape_cast %get3A_107 : vector<16xi32> to vector<16xi32>
    %swap3A_109 = arith.constant 96 : index
    %swap3A_110 = tpu.vector_load %arg8[%swap3A_109] {strides = array<i32>} : memref<128xi32, #tpu.memory_space<vmem>>, vector<16xi32>,
    %swap3A_111 = vector.shape_cast %swap3A_110 : vector<16xi32> to vector<16xi32>
    %swap3A_112 = vector.shape_cast %get3A_108 : vector<16xi32> to vector<16xi32>
    tpu.vector_store %arg8[%swap3A_109], %swap3A_112 {strides = array<i32>} : memref<128xi32, #tpu.memory_space<vmem>>, vector<16xi32>,
    %get3A_113 = arith.constant 96 : index
    %get3A_114 = tpu.vector_load %arg7[%get3A_113] {strides = array<i32>} : memref<20224xi32, #tpu.memory_space<vmem>>, vector<16xi32>,
    %get3A_115 = vector.shape_cast %get3A_114 : vector<16xi32> to vector<16xi32>
    %swap3A_116 = arith.constant 96 : index
    %swap3A_117 = tpu.vector_load %arg10[%swap3A_116] {strides = array<i32>} : memref<128xi32, #tpu.memory_space<vmem>>, vector<16xi32>,
    %swap3A_118 = vector.shape_cast %swap3A_117 : vector<16xi32> to vector<16xi32>
    %swap3A_119 = vector.shape_cast %get3A_115 : vector<16xi32> to vector<16xi32>
    tpu.vector_store %arg10[%swap3A_116], %swap3A_119 {strides = array<i32>} : memref<128xi32, #tpu.memory_space<vmem>>, vector<16xi32>,
    %get3A_120 = arith.constant 112 : index
    %get3A_121 = tpu.vector_load %arg6[%get3A_120] {strides = array<i32>} : memref<20224xi32, #tpu.memory_space<vmem>>, vector<16xi32>,
    %get3A_122 = vector.shape_cast %get3A_121 : vector<16xi32> to vector<16xi32>
    %swap3A_123 = arith.constant 112 : index
    %swap3A_124 = tpu.vector_load %arg8[%swap3A_123] {strides = array<i32>} : memref<128xi32, #tpu.memory_space<vmem>>, vector<16xi32>,
    %swap3A_125 = vector.shape_cast %swap3A_124 : vector<16xi32> to vector<16xi32>
    %swap3A_126 = vector.shape_cast %get3A_122 : vector<16xi32> to vector<16xi32>
    tpu.vector_store %arg8[%swap3A_123], %swap3A_126 {strides = array<i32>} : memref<128xi32, #tpu.memory_space<vmem>>, vector<16xi32>,
    %get3A_127 = arith.constant 112 : index
    %get3A_128 = tpu.vector_load %arg7[%get3A_127] {strides = array<i32>} : memref<20224xi32, #tpu.memory_space<vmem>>, vector<16xi32>,
    %get3A_129 = vector.shape_cast %get3A_128 : vector<16xi32> to vector<16xi32>
    %swap3A_130 = arith.constant 112 : index
    %swap3A_131 = tpu.vector_load %arg10[%swap3A_130] {strides = array<i32>} : memref<128xi32, #tpu.memory_space<vmem>>, vector<16xi32>,
    %swap3A_132 = vector.shape_cast %swap3A_131 : vector<16xi32> to vector<16xi32>
    %swap3A_133 = vector.shape_cast %get3A_129 : vector<16xi32> to vector<16xi32>
    tpu.vector_store %arg10[%swap3A_130], %swap3A_133 {strides = array<i32>} : memref<128xi32, #tpu.memory_space<vmem>>, vector<16xi32>,
    %dma_start3A = arith.constant 0 : i32
    %dma_start3A_134 = arith.constant 0 : i32
    %dma_start3A_135 = tpu.memref_slice %arg2[%dma_start3A, %dma_start3A_134] : memref<10001x64xf32, #tpu.memory_space<hbm>> -> memref<10001x64xf32, #tpu.memory_space<hbm>>
    tpu.enqueue_indirect_dma source(%dma_start3A_135 : memref<10001x64xf32, #tpu.memory_space<hbm>>) target(%arg12 : memref<128x64xf32, #tpu.memory_space<vmem>>) offsets(%arg8 : memref<128xi32, #tpu.memory_space<vmem>>) semaphore(%arg16 : memref<!tpu.dma_semaphore, #tpu.memory_space<semaphore_mem>>)
    %scan3A_136 = arith.constant 0 : i32
    %scan3A_137 = arith.constant 0 : i32
    %scan3A_138 = arith.constant 79 : i32
    %scan3A_139 = arith.addi %scan3A_137, %scan3A_138 : i32
    %scan3A_140 = arith.constant 1 : i32
    %scan3A_141 = scf.for %scan3A_159 = %scan3A_137 to %scan3A_139 step %scan3A_140 iter_args(%scan3A_160 = %scan3A_136) -> (i32)  : i32 {
      %mul3A_161 = arith.constant 2 : i32
      %mul3A_162 = arith.muli %mul3A_161, %scan3A_159 : i32
      %gt3A = arith.constant 0 : i32
      %gt3A_163 = arith.cmpi sgt, %scan3A_159, %gt3A : i32
      %convert_element_type3A = arith.extui %gt3A_163 : i1 to i32
      %cond3A = arith.constant 0 : i32
      %cond3A_164 = arith.cmpi ne, %convert_element_type3A, %cond3A : i32
      scf.if %cond3A_164 {
        %dma_wait3A_335 = arith.constant 0 : i32
        %dma_wait3A_336 = arith.constant 0 : i32
        %dma_wait3A_337 = tpu.memref_slice %arg15[%dma_wait3A_335, %dma_wait3A_336] : memref<10240x64xf32, #tpu.memory_space<vmem_shared>> -> memref<10240x64xf32, #tpu.memory_space<vmem_shared>>
        tpu.wait_indirect_dma semaphore(%arg19 : memref<!tpu.dma_semaphore, #tpu.memory_space<semaphore_mem>>) src(%arg13 : memref<128x64xf32, #tpu.memory_space<vmem>>) dst(%dma_wait3A_337 : memref<10240x64xf32, #tpu.memory_space<vmem_shared>>)
      } else {
      }
      %add3A_165 = arith.constant 1 : i32
      %add3A_166 = arith.addi %mul3A_162, %add3A_165 : i32
      %mul3A_167 = arith.constant 128 : i32
      %mul3A_168 = arith.muli %add3A_166, %mul3A_167 : i32
      %add3A_169 = arith.constant 0 : i32
      %add3A_170 = arith.addi %mul3A_168, %add3A_169 : i32
      %get3A_171 = arith.index_cast %add3A_170 : i32 to index
      %get3A_172 = tpu.vector_load %arg6[%get3A_171] {strides = array<i32>} : memref<20224xi32, #tpu.memory_space<vmem>>, vector<16xi32>,
      %get3A_173 = vector.shape_cast %get3A_172 : vector<16xi32> to vector<16xi32>
      %swap3A_174 = arith.constant 0 : index
      %swap3A_175 = tpu.vector_load %arg9[%swap3A_174] {strides = array<i32>} : memref<128xi32, #tpu.memory_space<vmem>>, vector<16xi32>,
      %swap3A_176 = vector.shape_cast %swap3A_175 : vector<16xi32> to vector<16xi32>
      %swap3A_177 = vector.shape_cast %get3A_173 : vector<16xi32> to vector<16xi32>
      tpu.vector_store %arg9[%swap3A_174], %swap3A_177 {strides = array<i32>} : memref<128xi32, #tpu.memory_space<vmem>>, vector<16xi32>,
      %add3A_178 = arith.constant 0 : i32
      %add3A_179 = arith.addi %mul3A_168, %add3A_178 : i32
      %get3A_180 = arith.index_cast %add3A_179 : i32 to index
      %get3A_181 = tpu.vector_load %arg7[%get3A_180] {strides = array<i32>} : memref<20224xi32, #tpu.memory_space<vmem>>, vector<16xi32>,
      %get3A_182 = vector.shape_cast %get3A_181 : vector<16xi32> to vector<16xi32>
      %swap3A_183 = arith.constant 0 : index
      %swap3A_184 = tpu.vector_load %arg11[%swap3A_183] {strides = array<i32>} : memref<128xi32, #tpu.memory_space<vmem>>, vector<16xi32>,
      %swap3A_185 = vector.shape_cast %swap3A_184 : vector<16xi32> to vector<16xi32>
      %swap3A_186 = vector.shape_cast %get3A_182 : vector<16xi32> to vector<16xi32>
      tpu.vector_store %arg11[%swap3A_183], %swap3A_186 {strides = array<i32>} : memref<128xi32, #tpu.memory_space<vmem>>, vector<16xi32>,
      %add3A_187 = arith.constant 16 : i32
      %add3A_188 = arith.addi %mul3A_168, %add3A_187 : i32
      %get3A_189 = arith.index_cast %add3A_188 : i32 to index
      %get3A_190 = tpu.vector_load %arg6[%get3A_189] {strides = array<i32>} : memref<20224xi32, #tpu.memory_space<vmem>>, vector<16xi32>,
      %get3A_191 = vector.shape_cast %get3A_190 : vector<16xi32> to vector<16xi32>
      %swap3A_192 = arith.constant 16 : index
      %swap3A_193 = tpu.vector_load %arg9[%swap3A_192] {strides = array<i32>} : memref<128xi32, #tpu.memory_space<vmem>>, vector<16xi32>,
      %swap3A_194 = vector.shape_cast %swap3A_193 : vector<16xi32> to vector<16xi32>
      %swap3A_195 = vector.shape_cast %get3A_191 : vector<16xi32> to vector<16xi32>
      tpu.vector_store %arg9[%swap3A_192], %swap3A_195 {strides = array<i32>} : memref<128xi32, #tpu.memory_space<vmem>>, vector<16xi32>,
      %add3A_196 = arith.constant 16 : i32
      %add3A_197 = arith.addi %mul3A_168, %add3A_196 : i32
      %get3A_198 = arith.index_cast %add3A_197 : i32 to index
      %get3A_199 = tpu.vector_load %arg7[%get3A_198] {strides = array<i32>} : memref<20224xi32, #tpu.memory_space<vmem>>, vector<16xi32>,
      %get3A_200 = vector.shape_cast %get3A_199 : vector<16xi32> to vector<16xi32>
      %swap3A_201 = arith.constant 16 : index
      %swap3A_202 = tpu.vector_load %arg11[%swap3A_201] {strides = array<i32>} : memref<128xi32, #tpu.memory_space<vmem>>, vector<16xi32>,
      %swap3A_203 = vector.shape_cast %swap3A_202 : vector<16xi32> to vector<16xi32>
      %swap3A_204 = vector.shape_cast %get3A_200 : vector<16xi32> to vector<16xi32>
      tpu.vector_store %arg11[%swap3A_201], %swap3A_204 {strides = array<i32>} : memref<128xi32, #tpu.memory_space<vmem>>, vector<16xi32>,
      %add3A_205 = arith.constant 32 : i32
      %add3A_206 = arith.addi %mul3A_168, %add3A_205 : i32
      %get3A_207 = arith.index_cast %add3A_206 : i32 to index
      %get3A_208 = tpu.vector_load %arg6[%get3A_207] {strides = array<i32>} : memref<20224xi32, #tpu.memory_space<vmem>>, vector<16xi32>,
      %get3A_209 = vector.shape_cast %get3A_208 : vector<16xi32> to vector<16xi32>
      %swap3A_210 = arith.constant 32 : index
      %swap3A_211 = tpu.vector_load %arg9[%swap3A_210] {strides = array<i32>} : memref<128xi32, #tpu.memory_space<vmem>>, vector<16xi32>,
      %swap3A_212 = vector.shape_cast %swap3A_211 : vector<16xi32> to vector<16xi32>
      %swap3A_213 = vector.shape_cast %get3A_209 : vector<16xi32> to vector<16xi32>
      tpu.vector_store %arg9[%swap3A_210], %swap3A_213 {strides = array<i32>} : memref<128xi32, #tpu.memory_space<vmem>>, vector<16xi32>,
      %add3A_214 = arith.constant 32 : i32
      %add3A_215 = arith.addi %mul3A_168, %add3A_214 : i32
      %get3A_216 = arith.index_cast %add3A_215 : i32 to index
      %get3A_217 = tpu.vector_load %arg7[%get3A_216] {strides = array<i32>} : memref<20224xi32, #tpu.memory_space<vmem>>, vector<16xi32>,
      %get3A_218 = vector.shape_cast %get3A_217 : vector<16xi32> to vector<16xi32>
      %swap3A_219 = arith.constant 32 : index
      %swap3A_220 = tpu.vector_load %arg11[%swap3A_219] {strides = array<i32>} : memref<128xi32, #tpu.memory_space<vmem>>, vector<16xi32>,
      %swap3A_221 = vector.shape_cast %swap3A_220 : vector<16xi32> to vector<16xi32>
      %swap3A_222 = vector.shape_cast %get3A_218 : vector<16xi32> to vector<16xi32>
      tpu.vector_store %arg11[%swap3A_219], %swap3A_222 {strides = array<i32>} : memref<128xi32, #tpu.memory_space<vmem>>, vector<16xi32>,
      %add3A_223 = arith.constant 48 : i32
      %add3A_224 = arith.addi %mul3A_168, %add3A_223 : i32
      %get3A_225 = arith.index_cast %add3A_224 : i32 to index
      %get3A_226 = tpu.vector_load %arg6[%get3A_225] {strides = array<i32>} : memref<20224xi32, #tpu.memory_space<vmem>>, vector<16xi32>,
      %get3A_227 = vector.shape_cast %get3A_226 : vector<16xi32> to vector<16xi32>
      %swap3A_228 = arith.constant 48 : index
      %swap3A_229 = tpu.vector_load %arg9[%swap3A_228] {strides = array<i32>} : memref<128xi32, #tpu.memory_space<vmem>>, vector<16xi32>,
      %swap3A_230 = vector.shape_cast %swap3A_229 : vector<16xi32> to vector<16xi32>
      %swap3A_231 = vector.shape_cast %get3A_227 : vector<16xi32> to vector<16xi32>
      tpu.vector_store %arg9[%swap3A_228], %swap3A_231 {strides = array<i32>} : memref<128xi32, #tpu.memory_space<vmem>>, vector<16xi32>,
      %add3A_232 = arith.constant 48 : i32
      %add3A_233 = arith.addi %mul3A_168, %add3A_232 : i32
      %get3A_234 = arith.index_cast %add3A_233 : i32 to index
      %get3A_235 = tpu.vector_load %arg7[%get3A_234] {strides = array<i32>} : memref<20224xi32, #tpu.memory_space<vmem>>, vector<16xi32>,
      %get3A_236 = vector.shape_cast %get3A_235 : vector<16xi32> to vector<16xi32>
      %swap3A_237 = arith.constant 48 : index
      %swap3A_238 = tpu.vector_load %arg11[%swap3A_237] {strides = array<i32>} : memref<128xi32, #tpu.memory_space<vmem>>, vector<16xi32>,
      %swap3A_239 = vector.shape_cast %swap3A_238 : vector<16xi32> to vector<16xi32>
      %swap3A_240 = vector.shape_cast %get3A_236 : vector<16xi32> to vector<16xi32>
      tpu.vector_store %arg11[%swap3A_237], %swap3A_240 {strides = array<i32>} : memref<128xi32, #tpu.memory_space<vmem>>, vector<16xi32>,
      %add3A_241 = arith.constant 64 : i32
      %add3A_242 = arith.addi %mul3A_168, %add3A_241 : i32
      %get3A_243 = arith.index_cast %add3A_242 : i32 to index
      %get3A_244 = tpu.vector_load %arg6[%get3A_243] {strides = array<i32>} : memref<20224xi32, #tpu.memory_space<vmem>>, vector<16xi32>,
      %get3A_245 = vector.shape_cast %get3A_244 : vector<16xi32> to vector<16xi32>
      %swap3A_246 = arith.constant 64 : index
      %swap3A_247 = tpu.vector_load %arg9[%swap3A_246] {strides = array<i32>} : memref<128xi32, #tpu.memory_space<vmem>>, vector<16xi32>,
      %swap3A_248 = vector.shape_cast %swap3A_247 : vector<16xi32> to vector<16xi32>
      %swap3A_249 = vector.shape_cast %get3A_245 : vector<16xi32> to vector<16xi32>
      tpu.vector_store %arg9[%swap3A_246], %swap3A_249 {strides = array<i32>} : memref<128xi32, #tpu.memory_space<vmem>>, vector<16xi32>,
      %add3A_250 = arith.constant 64 : i32
      %add3A_251 = arith.addi %mul3A_168, %add3A_250 : i32
      %get3A_252 = arith.index_cast %add3A_251 : i32 to index
      %get3A_253 = tpu.vector_load %arg7[%get3A_252] {strides = array<i32>} : memref<20224xi32, #tpu.memory_space<vmem>>, vector<16xi32>,
      %get3A_254 = vector.shape_cast %get3A_253 : vector<16xi32> to vector<16xi32>
      %swap3A_255 = arith.constant 64 : index
      %swap3A_256 = tpu.vector_load %arg11[%swap3A_255] {strides = array<i32>} : memref<128xi32, #tpu.memory_space<vmem>>, vector<16xi32>,
      %swap3A_257 = vector.shape_cast %swap3A_256 : vector<16xi32> to vector<16xi32>
      %swap3A_258 = vector.shape_cast %get3A_254 : vector<16xi32> to vector<16xi32>
      tpu.vector_store %arg11[%swap3A_255], %swap3A_258 {strides = array<i32>} : memref<128xi32, #tpu.memory_space<vmem>>, vector<16xi32>,
      %add3A_259 = arith.constant 80 : i32
      %add3A_260 = arith.addi %mul3A_168, %add3A_259 : i32
      %get3A_261 = arith.index_cast %add3A_260 : i32 to index
      %get3A_262 = tpu.vector_load %arg6[%get3A_261] {strides = array<i32>} : memref<20224xi32, #tpu.memory_space<vmem>>, vector<16xi32>,
      %get3A_263 = vector.shape_cast %get3A_262 : vector<16xi32> to vector<16xi32>
      %swap3A_264 = arith.constant 80 : index
      %swap3A_265 = tpu.vector_load %arg9[%swap3A_264] {strides = array<i32>} : memref<128xi32, #tpu.memory_space<vmem>>, vector<16xi32>,
      %swap3A_266 = vector.shape_cast %swap3A_265 : vector<16xi32> to vector<16xi32>
      %swap3A_267 = vector.shape_cast %get3A_263 : vector<16xi32> to vector<16xi32>
      tpu.vector_store %arg9[%swap3A_264], %swap3A_267 {strides = array<i32>} : memref<128xi32, #tpu.memory_space<vmem>>, vector<16xi32>,
      %add3A_268 = arith.constant 80 : i32
      %add3A_269 = arith.addi %mul3A_168, %add3A_268 : i32
      %get3A_270 = arith.index_cast %add3A_269 : i32 to index
      %get3A_271 = tpu.vector_load %arg7[%get3A_270] {strides = array<i32>} : memref<20224xi32, #tpu.memory_space<vmem>>, vector<16xi32>,
      %get3A_272 = vector.shape_cast %get3A_271 : vector<16xi32> to vector<16xi32>
      %swap3A_273 = arith.constant 80 : index
      %swap3A_274 = tpu.vector_load %arg11[%swap3A_273] {strides = array<i32>} : memref<128xi32, #tpu.memory_space<vmem>>, vector<16xi32>,
      %swap3A_275 = vector.shape_cast %swap3A_274 : vector<16xi32> to vector<16xi32>
      %swap3A_276 = vector.shape_cast %get3A_272 : vector<16xi32> to vector<16xi32>
      tpu.vector_store %arg11[%swap3A_273], %swap3A_276 {strides = array<i32>} : memref<128xi32, #tpu.memory_space<vmem>>, vector<16xi32>,
      %add3A_277 = arith.constant 96 : i32
      %add3A_278 = arith.addi %mul3A_168, %add3A_277 : i32
      %get3A_279 = arith.index_cast %add3A_278 : i32 to index
      %get3A_280 = tpu.vector_load %arg6[%get3A_279] {strides = array<i32>} : memref<20224xi32, #tpu.memory_space<vmem>>, vector<16xi32>,
      %get3A_281 = vector.shape_cast %get3A_280 : vector<16xi32> to vector<16xi32>
      %swap3A_282 = arith.constant 96 : index
      %swap3A_283 = tpu.vector_load %arg9[%swap3A_282] {strides = array<i32>} : memref<128xi32, #tpu.memory_space<vmem>>, vector<16xi32>,
      %swap3A_284 = vector.shape_cast %swap3A_283 : vector<16xi32> to vector<16xi32>
      %swap3A_285 = vector.shape_cast %get3A_281 : vector<16xi32> to vector<16xi32>
      tpu.vector_store %arg9[%swap3A_282], %swap3A_285 {strides = array<i32>} : memref<128xi32, #tpu.memory_space<vmem>>, vector<16xi32>,
      %add3A_286 = arith.constant 96 : i32
      %add3A_287 = arith.addi %mul3A_168, %add3A_286 : i32
      %get3A_288 = arith.index_cast %add3A_287 : i32 to index
      %get3A_289 = tpu.vector_load %arg7[%get3A_288] {strides = array<i32>} : memref<20224xi32, #tpu.memory_space<vmem>>, vector<16xi32>,
      %get3A_290 = vector.shape_cast %get3A_289 : vector<16xi32> to vector<16xi32>
      %swap3A_291 = arith.constant 96 : index
      %swap3A_292 = tpu.vector_load %arg11[%swap3A_291] {strides = array<i32>} : memref<128xi32, #tpu.memory_space<vmem>>, vector<16xi32>,
      %swap3A_293 = vector.shape_cast %swap3A_292 : vector<16xi32> to vector<16xi32>
      %swap3A_294 = vector.shape_cast %get3A_290 : vector<16xi32> to vector<16xi32>
      tpu.vector_store %arg11[%swap3A_291], %swap3A_294 {strides = array<i32>} : memref<128xi32, #tpu.memory_space<vmem>>, vector<16xi32>,
      %add3A_295 = arith.constant 112 : i32
      %add3A_296 = arith.addi %mul3A_168, %add3A_295 : i32
      %get3A_297 = arith.index_cast %add3A_296 : i32 to index
      %get3A_298 = tpu.vector_load %arg6[%get3A_297] {strides = array<i32>} : memref<20224xi32, #tpu.memory_space<vmem>>, vector<16xi32>,
      %get3A_299 = vector.shape_cast %get3A_298 : vector<16xi32> to vector<16xi32>
      %swap3A_300 = arith.constant 112 : index
      %swap3A_301 = tpu.vector_load %arg9[%swap3A_300] {strides = array<i32>} : memref<128xi32, #tpu.memory_space<vmem>>, vector<16xi32>,
      %swap3A_302 = vector.shape_cast %swap3A_301 : vector<16xi32> to vector<16xi32>
      %swap3A_303 = vector.shape_cast %get3A_299 : vector<16xi32> to vector<16xi32>
      tpu.vector_store %arg9[%swap3A_300], %swap3A_303 {strides = array<i32>} : memref<128xi32, #tpu.memory_space<vmem>>, vector<16xi32>,
      %add3A_304 = arith.constant 112 : i32
      %add3A_305 = arith.addi %mul3A_168, %add3A_304 : i32
      %get3A_306 = arith.index_cast %add3A_305 : i32 to index
      %get3A_307 = tpu.vector_load %arg7[%get3A_306] {strides = array<i32>} : memref<20224xi32, #tpu.memory_space<vmem>>, vector<16xi32>,
      %get3A_308 = vector.shape_cast %get3A_307 : vector<16xi32> to vector<16xi32>
      %swap3A_309 = arith.constant 112 : index
      %swap3A_310 = tpu.vector_load %arg11[%swap3A_309] {strides = array<i32>} : memref<128xi32, #tpu.memory_space<vmem>>, vector<16xi32>,
      %swap3A_311 = vector.shape_cast %swap3A_310 : vector<16xi32> to vector<16xi32>
      %swap3A_312 = vector.shape_cast %get3A_308 : vector<16xi32> to vector<16xi32>
      tpu.vector_store %arg11[%swap3A_309], %swap3A_312 {strides = array<i32>} : memref<128xi32, #tpu.memory_space<vmem>>, vector<16xi32>,
      %dma_start3A_313 = arith.constant 0 : i32
      %dma_start3A_314 = arith.constant 0 : i32
      %dma_start3A_315 = tpu.memref_slice %arg2[%dma_start3A_313, %dma_start3A_314] : memref<10001x64xf32, #tpu.memory_space<hbm>> -> memref<10001x64xf32, #tpu.memory_space<hbm>>
      tpu.enqueue_indirect_dma source(%dma_start3A_315 : memref<10001x64xf32, #tpu.memory_space<hbm>>) target(%arg13 : memref<128x64xf32, #tpu.memory_space<vmem>>) offsets(%arg9 : memref<128xi32, #tpu.memory_space<vmem>>) semaphore(%arg17 : memref<!tpu.dma_semaphore, #tpu.memory_space<semaphore_mem>>)
      %dma_wait3A_316 = arith.constant 0 : i32
      %dma_wait3A_317 = arith.constant 0 : i32
      %dma_wait3A_318 = tpu.memref_slice %arg2[%dma_wait3A_316, %dma_wait3A_317] : memref<10001x64xf32, #tpu.memory_space<hbm>> -> memref<10001x64xf32, #tpu.memory_space<hbm>>
      tpu.wait_indirect_dma semaphore(%arg16 : memref<!tpu.dma_semaphore, #tpu.memory_space<semaphore_mem>>) src(%dma_wait3A_318 : memref<10001x64xf32, #tpu.memory_space<hbm>>) dst(%arg12 : memref<128x64xf32, #tpu.memory_space<vmem>>)
      %dma_start3A_319 = arith.constant 0 : i32
      %dma_start3A_320 = arith.constant 0 : i32
      %dma_start3A_321 = tpu.memref_slice %arg15[%dma_start3A_319, %dma_start3A_320] : memref<10240x64xf32, #tpu.memory_space<vmem_shared>> -> memref<10240x64xf32, #tpu.memory_space<vmem_shared>>
      tpu.enqueue_indirect_dma source(%arg12 : memref<128x64xf32, #tpu.memory_space<vmem>>) target(%dma_start3A_321 : memref<10240x64xf32, #tpu.memory_space<vmem_shared>>) offsets(%arg10 : memref<128xi32, #tpu.memory_space<vmem>>) semaphore(%arg18 : memref<!tpu.dma_semaphore, #tpu.memory_space<semaphore_mem>>) {add = true}
      %add3A_322 = arith.constant 2 : i32
      %add3A_323 = arith.addi %mul3A_162, %add3A_322 : i32
      %lt3A = arith.constant 158 : i32
      %lt3A_324 = arith.cmpi slt, %add3A_323, %lt3A : i32
      %convert_element_type3A_325 = arith.extui %lt3A_324 : i1 to i32
      %cond3A_326 = arith.constant 0 : i32
      %cond3A_327 = arith.cmpi ne, %convert_element_type3A_325, %cond3A_326 : i32
      scf.if %cond3A_327 {
        %dma_wait3A_335 = arith.constant 0 : i32
        %dma_wait3A_336 = arith.constant 0 : i32
        %dma_wait3A_337 = tpu.memref_slice %arg15[%dma_wait3A_335, %dma_wait3A_336] : memref<10240x64xf32, #tpu.memory_space<vmem_shared>> -> memref<10240x64xf32, #tpu.memory_space<vmem_shared>>
        tpu.wait_indirect_dma semaphore(%arg18 : memref<!tpu.dma_semaphore, #tpu.memory_space<semaphore_mem>>) src(%arg12 : memref<128x64xf32, #tpu.memory_space<vmem>>) dst(%dma_wait3A_337 : memref<10240x64xf32, #tpu.memory_space<vmem_shared>>)
        %add3A_338 = arith.constant 2 : i32
        %add3A_339 = arith.addi %mul3A_162, %add3A_338 : i32
        %mul3A_340 = arith.constant 128 : i32
        %mul3A_341 = arith.muli %add3A_339, %mul3A_340 : i32
        %add3A_342 = arith.constant 0 : i32
        %add3A_343 = arith.addi %mul3A_341, %add3A_342 : i32
        %get3A_344 = arith.index_cast %add3A_343 : i32 to index
        %get3A_345 = tpu.vector_load %arg6[%get3A_344] {strides = array<i32>} : memref<20224xi32, #tpu.memory_space<vmem>>, vector<16xi32>,
        %get3A_346 = vector.shape_cast %get3A_345 : vector<16xi32> to vector<16xi32>
        %swap3A_347 = arith.constant 0 : index
        %swap3A_348 = tpu.vector_load %arg8[%swap3A_347] {strides = array<i32>} : memref<128xi32, #tpu.memory_space<vmem>>, vector<16xi32>,
        %swap3A_349 = vector.shape_cast %swap3A_348 : vector<16xi32> to vector<16xi32>
        %swap3A_350 = vector.shape_cast %get3A_346 : vector<16xi32> to vector<16xi32>
        tpu.vector_store %arg8[%swap3A_347], %swap3A_350 {strides = array<i32>} : memref<128xi32, #tpu.memory_space<vmem>>, vector<16xi32>,
        %add3A_351 = arith.constant 0 : i32
        %add3A_352 = arith.addi %mul3A_341, %add3A_351 : i32
        %get3A_353 = arith.index_cast %add3A_352 : i32 to index
        %get3A_354 = tpu.vector_load %arg7[%get3A_353] {strides = array<i32>} : memref<20224xi32, #tpu.memory_space<vmem>>, vector<16xi32>,
        %get3A_355 = vector.shape_cast %get3A_354 : vector<16xi32> to vector<16xi32>
        %swap3A_356 = arith.constant 0 : index
        %swap3A_357 = tpu.vector_load %arg10[%swap3A_356] {strides = array<i32>} : memref<128xi32, #tpu.memory_space<vmem>>, vector<16xi32>,
        %swap3A_358 = vector.shape_cast %swap3A_357 : vector<16xi32> to vector<16xi32>
        %swap3A_359 = vector.shape_cast %get3A_355 : vector<16xi32> to vector<16xi32>
        tpu.vector_store %arg10[%swap3A_356], %swap3A_359 {strides = array<i32>} : memref<128xi32, #tpu.memory_space<vmem>>, vector<16xi32>,
        %add3A_360 = arith.constant 16 : i32
        %add3A_361 = arith.addi %mul3A_341, %add3A_360 : i32
        %get3A_362 = arith.index_cast %add3A_361 : i32 to index
        %get3A_363 = tpu.vector_load %arg6[%get3A_362] {strides = array<i32>} : memref<20224xi32, #tpu.memory_space<vmem>>, vector<16xi32>,
        %get3A_364 = vector.shape_cast %get3A_363 : vector<16xi32> to vector<16xi32>
        %swap3A_365 = arith.constant 16 : index
        %swap3A_366 = tpu.vector_load %arg8[%swap3A_365] {strides = array<i32>} : memref<128xi32, #tpu.memory_space<vmem>>, vector<16xi32>,
        %swap3A_367 = vector.shape_cast %swap3A_366 : vector<16xi32> to vector<16xi32>
        %swap3A_368 = vector.shape_cast %get3A_364 : vector<16xi32> to vector<16xi32>
        tpu.vector_store %arg8[%swap3A_365], %swap3A_368 {strides = array<i32>} : memref<128xi32, #tpu.memory_space<vmem>>, vector<16xi32>,
        %add3A_369 = arith.constant 16 : i32
        %add3A_370 = arith.addi %mul3A_341, %add3A_369 : i32
        %get3A_371 = arith.index_cast %add3A_370 : i32 to index
        %get3A_372 = tpu.vector_load %arg7[%get3A_371] {strides = array<i32>} : memref<20224xi32, #tpu.memory_space<vmem>>, vector<16xi32>,
        %get3A_373 = vector.shape_cast %get3A_372 : vector<16xi32> to vector<16xi32>
        %swap3A_374 = arith.constant 16 : index
        %swap3A_375 = tpu.vector_load %arg10[%swap3A_374] {strides = array<i32>} : memref<128xi32, #tpu.memory_space<vmem>>, vector<16xi32>,
        %swap3A_376 = vector.shape_cast %swap3A_375 : vector<16xi32> to vector<16xi32>
        %swap3A_377 = vector.shape_cast %get3A_373 : vector<16xi32> to vector<16xi32>
        tpu.vector_store %arg10[%swap3A_374], %swap3A_377 {strides = array<i32>} : memref<128xi32, #tpu.memory_space<vmem>>, vector<16xi32>,
        %add3A_378 = arith.constant 32 : i32
        %add3A_379 = arith.addi %mul3A_341, %add3A_378 : i32
        %get3A_380 = arith.index_cast %add3A_379 : i32 to index
        %get3A_381 = tpu.vector_load %arg6[%get3A_380] {strides = array<i32>} : memref<20224xi32, #tpu.memory_space<vmem>>, vector<16xi32>,
        %get3A_382 = vector.shape_cast %get3A_381 : vector<16xi32> to vector<16xi32>
        %swap3A_383 = arith.constant 32 : index
        %swap3A_384 = tpu.vector_load %arg8[%swap3A_383] {strides = array<i32>} : memref<128xi32, #tpu.memory_space<vmem>>, vector<16xi32>,
        %swap3A_385 = vector.shape_cast %swap3A_384 : vector<16xi32> to vector<16xi32>
        %swap3A_386 = vector.shape_cast %get3A_382 : vector<16xi32> to vector<16xi32>
        tpu.vector_store %arg8[%swap3A_383], %swap3A_386 {strides = array<i32>} : memref<128xi32, #tpu.memory_space<vmem>>, vector<16xi32>,
        %add3A_387 = arith.constant 32 : i32
        %add3A_388 = arith.addi %mul3A_341, %add3A_387 : i32
        %get3A_389 = arith.index_cast %add3A_388 : i32 to index
        %get3A_390 = tpu.vector_load %arg7[%get3A_389] {strides = array<i32>} : memref<20224xi32, #tpu.memory_space<vmem>>, vector<16xi32>,
        %get3A_391 = vector.shape_cast %get3A_390 : vector<16xi32> to vector<16xi32>
        %swap3A_392 = arith.constant 32 : index
        %swap3A_393 = tpu.vector_load %arg10[%swap3A_392] {strides = array<i32>} : memref<128xi32, #tpu.memory_space<vmem>>, vector<16xi32>,
        %swap3A_394 = vector.shape_cast %swap3A_393 : vector<16xi32> to vector<16xi32>
        %swap3A_395 = vector.shape_cast %get3A_391 : vector<16xi32> to vector<16xi32>
        tpu.vector_store %arg10[%swap3A_392], %swap3A_395 {strides = array<i32>} : memref<128xi32, #tpu.memory_space<vmem>>, vector<16xi32>,
        %add3A_396 = arith.constant 48 : i32
        %add3A_397 = arith.addi %mul3A_341, %add3A_396 : i32
        %get3A_398 = arith.index_cast %add3A_397 : i32 to index
        %get3A_399 = tpu.vector_load %arg6[%get3A_398] {strides = array<i32>} : memref<20224xi32, #tpu.memory_space<vmem>>, vector<16xi32>,
        %get3A_400 = vector.shape_cast %get3A_399 : vector<16xi32> to vector<16xi32>
        %swap3A_401 = arith.constant 48 : index
        %swap3A_402 = tpu.vector_load %arg8[%swap3A_401] {strides = array<i32>} : memref<128xi32, #tpu.memory_space<vmem>>, vector<16xi32>,
        %swap3A_403 = vector.shape_cast %swap3A_402 : vector<16xi32> to vector<16xi32>
        %swap3A_404 = vector.shape_cast %get3A_400 : vector<16xi32> to vector<16xi32>
        tpu.vector_store %arg8[%swap3A_401], %swap3A_404 {strides = array<i32>} : memref<128xi32, #tpu.memory_space<vmem>>, vector<16xi32>,
        %add3A_405 = arith.constant 48 : i32
        %add3A_406 = arith.addi %mul3A_341, %add3A_405 : i32
        %get3A_407 = arith.index_cast %add3A_406 : i32 to index
        %get3A_408 = tpu.vector_load %arg7[%get3A_407] {strides = array<i32>} : memref<20224xi32, #tpu.memory_space<vmem>>, vector<16xi32>,
        %get3A_409 = vector.shape_cast %get3A_408 : vector<16xi32> to vector<16xi32>
        %swap3A_410 = arith.constant 48 : index
        %swap3A_411 = tpu.vector_load %arg10[%swap3A_410] {strides = array<i32>} : memref<128xi32, #tpu.memory_space<vmem>>, vector<16xi32>,
        %swap3A_412 = vector.shape_cast %swap3A_411 : vector<16xi32> to vector<16xi32>
        %swap3A_413 = vector.shape_cast %get3A_409 : vector<16xi32> to vector<16xi32>
        tpu.vector_store %arg10[%swap3A_410], %swap3A_413 {strides = array<i32>} : memref<128xi32, #tpu.memory_space<vmem>>, vector<16xi32>,
        %add3A_414 = arith.constant 64 : i32
        %add3A_415 = arith.addi %mul3A_341, %add3A_414 : i32
        %get3A_416 = arith.index_cast %add3A_415 : i32 to index
        %get3A_417 = tpu.vector_load %arg6[%get3A_416] {strides = array<i32>} : memref<20224xi32, #tpu.memory_space<vmem>>, vector<16xi32>,
        %get3A_418 = vector.shape_cast %get3A_417 : vector<16xi32> to vector<16xi32>
        %swap3A_419 = arith.constant 64 : index
        %swap3A_420 = tpu.vector_load %arg8[%swap3A_419] {strides = array<i32>} : memref<128xi32, #tpu.memory_space<vmem>>, vector<16xi32>,
        %swap3A_421 = vector.shape_cast %swap3A_420 : vector<16xi32> to vector<16xi32>
        %swap3A_422 = vector.shape_cast %get3A_418 : vector<16xi32> to vector<16xi32>
        tpu.vector_store %arg8[%swap3A_419], %swap3A_422 {strides = array<i32>} : memref<128xi32, #tpu.memory_space<vmem>>, vector<16xi32>,
        %add3A_423 = arith.constant 64 : i32
        %add3A_424 = arith.addi %mul3A_341, %add3A_423 : i32
        %get3A_425 = arith.index_cast %add3A_424 : i32 to index
        %get3A_426 = tpu.vector_load %arg7[%get3A_425] {strides = array<i32>} : memref<20224xi32, #tpu.memory_space<vmem>>, vector<16xi32>,
        %get3A_427 = vector.shape_cast %get3A_426 : vector<16xi32> to vector<16xi32>
        %swap3A_428 = arith.constant 64 : index
        %swap3A_429 = tpu.vector_load %arg10[%swap3A_428] {strides = array<i32>} : memref<128xi32, #tpu.memory_space<vmem>>, vector<16xi32>,
        %swap3A_430 = vector.shape_cast %swap3A_429 : vector<16xi32> to vector<16xi32>
        %swap3A_431 = vector.shape_cast %get3A_427 : vector<16xi32> to vector<16xi32>
        tpu.vector_store %arg10[%swap3A_428], %swap3A_431 {strides = array<i32>} : memref<128xi32, #tpu.memory_space<vmem>>, vector<16xi32>,
        %add3A_432 = arith.constant 80 : i32
        %add3A_433 = arith.addi %mul3A_341, %add3A_432 : i32
        %get3A_434 = arith.index_cast %add3A_433 : i32 to index
        %get3A_435 = tpu.vector_load %arg6[%get3A_434] {strides = array<i32>} : memref<20224xi32, #tpu.memory_space<vmem>>, vector<16xi32>,
        %get3A_436 = vector.shape_cast %get3A_435 : vector<16xi32> to vector<16xi32>
        %swap3A_437 = arith.constant 80 : index
        %swap3A_438 = tpu.vector_load %arg8[%swap3A_437] {strides = array<i32>} : memref<128xi32, #tpu.memory_space<vmem>>, vector<16xi32>,
        %swap3A_439 = vector.shape_cast %swap3A_438 : vector<16xi32> to vector<16xi32>
        %swap3A_440 = vector.shape_cast %get3A_436 : vector<16xi32> to vector<16xi32>
        tpu.vector_store %arg8[%swap3A_437], %swap3A_440 {strides = array<i32>} : memref<128xi32, #tpu.memory_space<vmem>>, vector<16xi32>,
        %add3A_441 = arith.constant 80 : i32
        %add3A_442 = arith.addi %mul3A_341, %add3A_441 : i32
        %get3A_443 = arith.index_cast %add3A_442 : i32 to index
        %get3A_444 = tpu.vector_load %arg7[%get3A_443] {strides = array<i32>} : memref<20224xi32, #tpu.memory_space<vmem>>, vector<16xi32>,
        %get3A_445 = vector.shape_cast %get3A_444 : vector<16xi32> to vector<16xi32>
        %swap3A_446 = arith.constant 80 : index
        %swap3A_447 = tpu.vector_load %arg10[%swap3A_446] {strides = array<i32>} : memref<128xi32, #tpu.memory_space<vmem>>, vector<16xi32>,
        %swap3A_448 = vector.shape_cast %swap3A_447 : vector<16xi32> to vector<16xi32>
        %swap3A_449 = vector.shape_cast %get3A_445 : vector<16xi32> to vector<16xi32>
        tpu.vector_store %arg10[%swap3A_446], %swap3A_449 {strides = array<i32>} : memref<128xi32, #tpu.memory_space<vmem>>, vector<16xi32>,
        %add3A_450 = arith.constant 96 : i32
        %add3A_451 = arith.addi %mul3A_341, %add3A_450 : i32
        %get3A_452 = arith.index_cast %add3A_451 : i32 to index
        %get3A_453 = tpu.vector_load %arg6[%get3A_452] {strides = array<i32>} : memref<20224xi32, #tpu.memory_space<vmem>>, vector<16xi32>,
        %get3A_454 = vector.shape_cast %get3A_453 : vector<16xi32> to vector<16xi32>
        %swap3A_455 = arith.constant 96 : index
        %swap3A_456 = tpu.vector_load %arg8[%swap3A_455] {strides = array<i32>} : memref<128xi32, #tpu.memory_space<vmem>>, vector<16xi32>,
        %swap3A_457 = vector.shape_cast %swap3A_456 : vector<16xi32> to vector<16xi32>
        %swap3A_458 = vector.shape_cast %get3A_454 : vector<16xi32> to vector<16xi32>
        tpu.vector_store %arg8[%swap3A_455], %swap3A_458 {strides = array<i32>} : memref<128xi32, #tpu.memory_space<vmem>>, vector<16xi32>,
        %add3A_459 = arith.constant 96 : i32
        %add3A_460 = arith.addi %mul3A_341, %add3A_459 : i32
        %get3A_461 = arith.index_cast %add3A_460 : i32 to index
        %get3A_462 = tpu.vector_load %arg7[%get3A_461] {strides = array<i32>} : memref<20224xi32, #tpu.memory_space<vmem>>, vector<16xi32>,
        %get3A_463 = vector.shape_cast %get3A_462 : vector<16xi32> to vector<16xi32>
        %swap3A_464 = arith.constant 96 : index
        %swap3A_465 = tpu.vector_load %arg10[%swap3A_464] {strides = array<i32>} : memref<128xi32, #tpu.memory_space<vmem>>, vector<16xi32>,
        %swap3A_466 = vector.shape_cast %swap3A_465 : vector<16xi32> to vector<16xi32>
        %swap3A_467 = vector.shape_cast %get3A_463 : vector<16xi32> to vector<16xi32>
        tpu.vector_store %arg10[%swap3A_464], %swap3A_467 {strides = array<i32>} : memref<128xi32, #tpu.memory_space<vmem>>, vector<16xi32>,
        %add3A_468 = arith.constant 112 : i32
        %add3A_469 = arith.addi %mul3A_341, %add3A_468 : i32
        %get3A_470 = arith.index_cast %add3A_469 : i32 to index
        %get3A_471 = tpu.vector_load %arg6[%get3A_470] {strides = array<i32>} : memref<20224xi32, #tpu.memory_space<vmem>>, vector<16xi32>,
        %get3A_472 = vector.shape_cast %get3A_471 : vector<16xi32> to vector<16xi32>
        %swap3A_473 = arith.constant 112 : index
        %swap3A_474 = tpu.vector_load %arg8[%swap3A_473] {strides = array<i32>} : memref<128xi32, #tpu.memory_space<vmem>>, vector<16xi32>,
        %swap3A_475 = vector.shape_cast %swap3A_474 : vector<16xi32> to vector<16xi32>
        %swap3A_476 = vector.shape_cast %get3A_472 : vector<16xi32> to vector<16xi32>
        tpu.vector_store %arg8[%swap3A_473], %swap3A_476 {strides = array<i32>} : memref<128xi32, #tpu.memory_space<vmem>>, vector<16xi32>,
        %add3A_477 = arith.constant 112 : i32
        %add3A_478 = arith.addi %mul3A_341, %add3A_477 : i32
        %get3A_479 = arith.index_cast %add3A_478 : i32 to index
        %get3A_480 = tpu.vector_load %arg7[%get3A_479] {strides = array<i32>} : memref<20224xi32, #tpu.memory_space<vmem>>, vector<16xi32>,
        %get3A_481 = vector.shape_cast %get3A_480 : vector<16xi32> to vector<16xi32>
        %swap3A_482 = arith.constant 112 : index
        %swap3A_483 = tpu.vector_load %arg10[%swap3A_482] {strides = array<i32>} : memref<128xi32, #tpu.memory_space<vmem>>, vector<16xi32>,
        %swap3A_484 = vector.shape_cast %swap3A_483 : vector<16xi32> to vector<16xi32>
        %swap3A_485 = vector.shape_cast %get3A_481 : vector<16xi32> to vector<16xi32>
        tpu.vector_store %arg10[%swap3A_482], %swap3A_485 {strides = array<i32>} : memref<128xi32, #tpu.memory_space<vmem>>, vector<16xi32>,
        %dma_start3A_486 = arith.constant 0 : i32
        %dma_start3A_487 = arith.constant 0 : i32
        %dma_start3A_488 = tpu.memref_slice %arg2[%dma_start3A_486, %dma_start3A_487] : memref<10001x64xf32, #tpu.memory_space<hbm>> -> memref<10001x64xf32, #tpu.memory_space<hbm>>
        tpu.enqueue_indirect_dma source(%dma_start3A_488 : memref<10001x64xf32, #tpu.memory_space<hbm>>) target(%arg12 : memref<128x64xf32, #tpu.memory_space<vmem>>) offsets(%arg8 : memref<128xi32, #tpu.memory_space<vmem>>) semaphore(%arg16 : memref<!tpu.dma_semaphore, #tpu.memory_space<semaphore_mem>>)
      } else {
      }
      %dma_wait3A_328 = arith.constant 0 : i32
      %dma_wait3A_329 = arith.constant 0 : i32
      %dma_wait3A_330 = tpu.memref_slice %arg2[%dma_wait3A_328, %dma_wait3A_329] : memref<10001x64xf32, #tpu.memory_space<hbm>> -> memref<10001x64xf32, #tpu.memory_space<hbm>>
      tpu.wait_indirect_dma semaphore(%arg17 : memref<!tpu.dma_semaphore, #tpu.memory_space<semaphore_mem>>) src(%dma_wait3A_330 : memref<10001x64xf32, #tpu.memory_space<hbm>>) dst(%arg13 : memref<128x64xf32, #tpu.memory_space<vmem>>)
      %dma_start3A_331 = arith.constant 0 : i32
      %dma_start3A_332 = arith.constant 0 : i32
      %dma_start3A_333 = tpu.memref_slice %arg15[%dma_start3A_331, %dma_start3A_332] : memref<10240x64xf32, #tpu.memory_space<vmem_shared>> -> memref<10240x64xf32, #tpu.memory_space<vmem_shared>>
      tpu.enqueue_indirect_dma source(%arg13 : memref<128x64xf32, #tpu.memory_space<vmem>>) target(%dma_start3A_333 : memref<10240x64xf32, #tpu.memory_space<vmem_shared>>) offsets(%arg11 : memref<128xi32, #tpu.memory_space<vmem>>) semaphore(%arg19 : memref<!tpu.dma_semaphore, #tpu.memory_space<semaphore_mem>>) {add = true}
      %scan3A_334 = arith.constant 0 : i32
      scf.yield %scan3A_334 : i32
    }
    %scan3A_142 = arith.constant 79 : i32
    %dma_wait3A = arith.constant 0 : i32
    %dma_wait3A_143 = arith.constant 0 : i32
    %dma_wait3A_144 = tpu.memref_slice %arg15[%dma_wait3A, %dma_wait3A_143] : memref<10240x64xf32, #tpu.memory_space<vmem_shared>> -> memref<10240x64xf32, #tpu.memory_space<vmem_shared>>
    tpu.wait_indirect_dma semaphore(%arg18 : memref<!tpu.dma_semaphore, #tpu.memory_space<semaphore_mem>>) src(%arg12 : memref<128x64xf32, #tpu.memory_space<vmem>>) dst(%dma_wait3A_144 : memref<10240x64xf32, #tpu.memory_space<vmem_shared>>)
    %dma_wait3A_145 = arith.constant 0 : i32
    %dma_wait3A_146 = arith.constant 0 : i32
    %dma_wait3A_147 = tpu.memref_slice %arg15[%dma_wait3A_145, %dma_wait3A_146] : memref<10240x64xf32, #tpu.memory_space<vmem_shared>> -> memref<10240x64xf32, #tpu.memory_space<vmem_shared>>
    tpu.wait_indirect_dma semaphore(%arg19 : memref<!tpu.dma_semaphore, #tpu.memory_space<semaphore_mem>>) src(%arg13 : memref<128x64xf32, #tpu.memory_space<vmem>>) dst(%dma_wait3A_147 : memref<10240x64xf32, #tpu.memory_space<vmem_shared>>)
    %barrier3A_148 = arith.constant 0 : index
    tpu.barrier barrier_id(%barrier3A_148)
    %add3A_149 = arith.constant 0 : i32
    %add3A_150 = arith.addi %mul3A_13, %add3A_149 : i32
    "tpu.region"() ({
      %run_scoped3A = tpu.sem_alloc : memref<!tpu.dma_semaphore, #tpu.memory_space<semaphore_mem>>
      %dma_start3A_159 = arith.constant 0 : i32
      %dma_start3A_160 = tpu.memref_slice %arg5[%arg0, %add3A_150, %dma_start3A_159] : memref<2x10240x64xf32, #tpu.memory_space<hbm>> -> memref<1x128x64xf32, #tpu.memory_space<hbm>>
      %dma_start3A_161 = tpu.memref_squeeze %dma_start3A_160 : memref<1x128x64xf32, #tpu.memory_space<hbm>> -> memref<128x64xf32, #tpu.memory_space<hbm>>
      %dma_start3A_162 = arith.constant 0 : i32
      %dma_start3A_163 = tpu.memref_slice %arg15[%add3A_150, %dma_start3A_162] : memref<10240x64xf32, #tpu.memory_space<vmem_shared>> -> memref<128x64xf32, #tpu.memory_space<vmem_shared>>
      tpu.enqueue_dma source(%dma_start3A_163 : memref<128x64xf32, #tpu.memory_space<vmem_shared>>) target(%dma_start3A_161 : memref<128x64xf32, #tpu.memory_space<hbm>>) target_semaphore(%run_scoped3A : memref<!tpu.dma_semaphore, #tpu.memory_space<semaphore_mem>>)
      %dma_wait3A_164 = arith.constant 0 : i32
      %dma_wait3A_165 = tpu.memref_slice %arg5[%arg0, %add3A_150, %dma_wait3A_164] : memref<2x10240x64xf32, #tpu.memory_space<hbm>> -> memref<1x128x64xf32, #tpu.memory_space<hbm>>
      %dma_wait3A_166 = tpu.memref_squeeze %dma_wait3A_165 : memref<1x128x64xf32, #tpu.memory_space<hbm>> -> memref<128x64xf32, #tpu.memory_space<hbm>>
      %dma_wait3A_167 = arith.constant 0 : i32
      %dma_wait3A_168 = tpu.memref_slice %arg15[%add3A_150, %dma_wait3A_167] : memref<10240x64xf32, #tpu.memory_space<vmem_shared>> -> memref<128x64xf32, #tpu.memory_space<vmem_shared>>
      tpu.wait_dma2 semaphore(%run_scoped3A : memref<!tpu.dma_semaphore, #tpu.memory_space<semaphore_mem>>) src(%dma_wait3A_168 : memref<128x64xf32, #tpu.memory_space<vmem_shared>>) dst(%dma_wait3A_166 : memref<128x64xf32, #tpu.memory_space<hbm>>)
      tpu.yield
    }) : () -> ()
    %add3A_151 = arith.constant 128 : i32
    %add3A_152 = arith.addi %mul3A_13, %add3A_151 : i32
    "tpu.region"() ({
      %run_scoped3A = tpu.sem_alloc : memref<!tpu.dma_semaphore, #tpu.memory_space<semaphore_mem>>
      %dma_start3A_159 = arith.constant 0 : i32
      %dma_start3A_160 = tpu.memref_slice %arg5[%arg0, %add3A_152, %dma_start3A_159] : memref<2x10240x64xf32, #tpu.memory_space<hbm>> -> memref<1x128x64xf32, #tpu.memory_space<hbm>>
      %dma_start3A_161 = tpu.memref_squeeze %dma_start3A_160 : memref<1x128x64xf32, #tpu.memory_space<hbm>> -> memref<128x64xf32, #tpu.memory_space<hbm>>
      %dma_start3A_162 = arith.constant 0 : i32
      %dma_start3A_163 = tpu.memref_slice %arg15[%add3A_152, %dma_start3A_162] : memref<10240x64xf32, #tpu.memory_space<vmem_shared>> -> memref<128x64xf32, #tpu.memory_space<vmem_shared>>
      tpu.enqueue_dma source(%dma_start3A_163 : memref<128x64xf32, #tpu.memory_space<vmem_shared>>) target(%dma_start3A_161 : memref<128x64xf32, #tpu.memory_space<hbm>>) target_semaphore(%run_scoped3A : memref<!tpu.dma_semaphore, #tpu.memory_space<semaphore_mem>>)
      %dma_wait3A_164 = arith.constant 0 : i32
      %dma_wait3A_165 = tpu.memref_slice %arg5[%arg0, %add3A_152, %dma_wait3A_164] : memref<2x10240x64xf32, #tpu.memory_space<hbm>> -> memref<1x128x64xf32, #tpu.memory_space<hbm>>
      %dma_wait3A_166 = tpu.memref_squeeze %dma_wait3A_165 : memref<1x128x64xf32, #tpu.memory_space<hbm>> -> memref<128x64xf32, #tpu.memory_space<hbm>>
      %dma_wait3A_167 = arith.constant 0 : i32
      %dma_wait3A_168 = tpu.memref_slice %arg15[%add3A_152, %dma_wait3A_167] : memref<10240x64xf32, #tpu.memory_space<vmem_shared>> -> memref<128x64xf32, #tpu.memory_space<vmem_shared>>
      tpu.wait_dma2 semaphore(%run_scoped3A : memref<!tpu.dma_semaphore, #tpu.memory_space<semaphore_mem>>) src(%dma_wait3A_168 : memref<128x64xf32, #tpu.memory_space<vmem_shared>>) dst(%dma_wait3A_166 : memref<128x64xf32, #tpu.memory_space<hbm>>)
      tpu.yield
    }) : () -> ()
    %add3A_153 = arith.constant 256 : i32
    %add3A_154 = arith.addi %mul3A_13, %add3A_153 : i32
    "tpu.region"() ({
      %run_scoped3A = tpu.sem_alloc : memref<!tpu.dma_semaphore, #tpu.memory_space<semaphore_mem>>
      %dma_start3A_159 = arith.constant 0 : i32
      %dma_start3A_160 = tpu.memref_slice %arg5[%arg0, %add3A_154, %dma_start3A_159] : memref<2x10240x64xf32, #tpu.memory_space<hbm>> -> memref<1x128x64xf32, #tpu.memory_space<hbm>>
      %dma_start3A_161 = tpu.memref_squeeze %dma_start3A_160 : memref<1x128x64xf32, #tpu.memory_space<hbm>> -> memref<128x64xf32, #tpu.memory_space<hbm>>
      %dma_start3A_162 = arith.constant 0 : i32
      %dma_start3A_163 = tpu.memref_slice %arg15[%add3A_154, %dma_start3A_162] : memref<10240x64xf32, #tpu.memory_space<vmem_shared>> -> memref<128x64xf32, #tpu.memory_space<vmem_shared>>
      tpu.enqueue_dma source(%dma_start3A_163 : memref<128x64xf32, #tpu.memory_space<vmem_shared>>) target(%dma_start3A_161 : memref<128x64xf32, #tpu.memory_space<hbm>>) target_semaphore(%run_scoped3A : memref<!tpu.dma_semaphore, #tpu.memory_space<semaphore_mem>>)
      %dma_wait3A_164 = arith.constant 0 : i32
      %dma_wait3A_165 = tpu.memref_slice %arg5[%arg0, %add3A_154, %dma_wait3A_164] : memref<2x10240x64xf32, #tpu.memory_space<hbm>> -> memref<1x128x64xf32, #tpu.memory_space<hbm>>
      %dma_wait3A_166 = tpu.memref_squeeze %dma_wait3A_165 : memref<1x128x64xf32, #tpu.memory_space<hbm>> -> memref<128x64xf32, #tpu.memory_space<hbm>>
      %dma_wait3A_167 = arith.constant 0 : i32
      %dma_wait3A_168 = tpu.memref_slice %arg15[%add3A_154, %dma_wait3A_167] : memref<10240x64xf32, #tpu.memory_space<vmem_shared>> -> memref<128x64xf32, #tpu.memory_space<vmem_shared>>
      tpu.wait_dma2 semaphore(%run_scoped3A : memref<!tpu.dma_semaphore, #tpu.memory_space<semaphore_mem>>) src(%dma_wait3A_168 : memref<128x64xf32, #tpu.memory_space<vmem_shared>>) dst(%dma_wait3A_166 : memref<128x64xf32, #tpu.memory_space<hbm>>)
      tpu.yield
    }) : () -> ()
    %add3A_155 = arith.constant 384 : i32
    %add3A_156 = arith.addi %mul3A_13, %add3A_155 : i32
    "tpu.region"() ({
      %run_scoped3A = tpu.sem_alloc : memref<!tpu.dma_semaphore, #tpu.memory_space<semaphore_mem>>
      %dma_start3A_159 = arith.constant 0 : i32
      %dma_start3A_160 = tpu.memref_slice %arg5[%arg0, %add3A_156, %dma_start3A_159] : memref<2x10240x64xf32, #tpu.memory_space<hbm>> -> memref<1x128x64xf32, #tpu.memory_space<hbm>>
      %dma_start3A_161 = tpu.memref_squeeze %dma_start3A_160 : memref<1x128x64xf32, #tpu.memory_space<hbm>> -> memref<128x64xf32, #tpu.memory_space<hbm>>
      %dma_start3A_162 = arith.constant 0 : i32
      %dma_start3A_163 = tpu.memref_slice %arg15[%add3A_156, %dma_start3A_162] : memref<10240x64xf32, #tpu.memory_space<vmem_shared>> -> memref<128x64xf32, #tpu.memory_space<vmem_shared>>
      tpu.enqueue_dma source(%dma_start3A_163 : memref<128x64xf32, #tpu.memory_space<vmem_shared>>) target(%dma_start3A_161 : memref<128x64xf32, #tpu.memory_space<hbm>>) target_semaphore(%run_scoped3A : memref<!tpu.dma_semaphore, #tpu.memory_space<semaphore_mem>>)
      %dma_wait3A_164 = arith.constant 0 : i32
      %dma_wait3A_165 = tpu.memref_slice %arg5[%arg0, %add3A_156, %dma_wait3A_164] : memref<2x10240x64xf32, #tpu.memory_space<hbm>> -> memref<1x128x64xf32, #tpu.memory_space<hbm>>
      %dma_wait3A_166 = tpu.memref_squeeze %dma_wait3A_165 : memref<1x128x64xf32, #tpu.memory_space<hbm>> -> memref<128x64xf32, #tpu.memory_space<hbm>>
      %dma_wait3A_167 = arith.constant 0 : i32
      %dma_wait3A_168 = tpu.memref_slice %arg15[%add3A_156, %dma_wait3A_167] : memref<10240x64xf32, #tpu.memory_space<vmem_shared>> -> memref<128x64xf32, #tpu.memory_space<vmem_shared>>
      tpu.wait_dma2 semaphore(%run_scoped3A : memref<!tpu.dma_semaphore, #tpu.memory_space<semaphore_mem>>) src(%dma_wait3A_168 : memref<128x64xf32, #tpu.memory_space<vmem_shared>>) dst(%dma_wait3A_166 : memref<128x64xf32, #tpu.memory_space<hbm>>)
      tpu.yield
    }) : () -> ()
    %add3A_157 = arith.constant 512 : i32
    %add3A_158 = arith.addi %mul3A_13, %add3A_157 : i32
    "tpu.region"() ({
      %run_scoped3A = tpu.sem_alloc : memref<!tpu.dma_semaphore, #tpu.memory_space<semaphore_mem>>
      %dma_start3A_159 = arith.constant 0 : i32
      %dma_start3A_160 = tpu.memref_slice %arg5[%arg0, %add3A_158, %dma_start3A_159] : memref<2x10240x64xf32, #tpu.memory_space<hbm>> -> memref<1x128x64xf32, #tpu.memory_space<hbm>>
      %dma_start3A_161 = tpu.memref_squeeze %dma_start3A_160 : memref<1x128x64xf32, #tpu.memory_space<hbm>> -> memref<128x64xf32, #tpu.memory_space<hbm>>
      %dma_start3A_162 = arith.constant 0 : i32
      %dma_start3A_163 = tpu.memref_slice %arg15[%add3A_158, %dma_start3A_162] : memref<10240x64xf32, #tpu.memory_space<vmem_shared>> -> memref<128x64xf32, #tpu.memory_space<vmem_shared>>
      tpu.enqueue_dma source(%dma_start3A_163 : memref<128x64xf32, #tpu.memory_space<vmem_shared>>) target(%dma_start3A_161 : memref<128x64xf32, #tpu.memory_space<hbm>>) target_semaphore(%run_scoped3A : memref<!tpu.dma_semaphore, #tpu.memory_space<semaphore_mem>>)
      %dma_wait3A_164 = arith.constant 0 : i32
      %dma_wait3A_165 = tpu.memref_slice %arg5[%arg0, %add3A_158, %dma_wait3A_164] : memref<2x10240x64xf32, #tpu.memory_space<hbm>> -> memref<1x128x64xf32, #tpu.memory_space<hbm>>
      %dma_wait3A_166 = tpu.memref_squeeze %dma_wait3A_165 : memref<1x128x64xf32, #tpu.memory_space<hbm>> -> memref<128x64xf32, #tpu.memory_space<hbm>>
      %dma_wait3A_167 = arith.constant 0 : i32
      %dma_wait3A_168 = tpu.memref_slice %arg15[%add3A_158, %dma_wait3A_167] : memref<10240x64xf32, #tpu.memory_space<vmem_shared>> -> memref<128x64xf32, #tpu.memory_space<vmem_shared>>
      tpu.wait_dma2 semaphore(%run_scoped3A : memref<!tpu.dma_semaphore, #tpu.memory_space<semaphore_mem>>) src(%dma_wait3A_168 : memref<128x64xf32, #tpu.memory_space<vmem_shared>>) dst(%dma_wait3A_166 : memref<128x64xf32, #tpu.memory_space<hbm>>)
      tpu.yield
    }) : () -> ()
    return
  }
}

module attributes {stable_mosaic.version = 14 : i64} {
  func.func @_dense1_body(%arg0: memref<10000x128xf32, #tpu.memory_space<vmem>>, %arg1: memref<128x64xf32, #tpu.memory_space<vmem>>, %arg2: memref<1x64xf32, #tpu.memory_space<vmem>>, %arg3: memref<64x64xf32, #tpu.memory_space<vmem>>, %arg4: memref<10000x1xf32, #tpu.memory_space<vmem>>, %arg5: memref<10000x64xf32, #tpu.memory_space<vmem>>, %arg6: memref<10000x1xf32, #tpu.memory_space<vmem>>) attributes {dimension_semantics = [], scalar_prefetch = 0 : i64, scratch_operands = 0 : i64, tpu.core_type = #tpu.core_type<tc>} {
    %get3A = arith.constant 0 : index
    %get3A_0 = arith.constant 0 : index
    %get3A_1 = vector.load %arg0[%get3A, %get3A_0] : memref<10000x128xf32, #tpu.memory_space<vmem>>, vector<10000x128xf32>
    %get3A_2 = arith.constant 0 : index
    %get3A_3 = arith.constant 0 : index
    %get3A_4 = vector.load %arg1[%get3A_2, %get3A_3] : memref<128x64xf32, #tpu.memory_space<vmem>>, vector<128x64xf32>
    %dot_general3A = arith.constant dense<0.000000e+00> : vector<10000x64xf32>
    %dot_general3A_5 = tpu.matmul %get3A_1, %get3A_4, %dot_general3A {dimension_numbers = #tpu.dot_dimension_numbers<[1], [0], [0], [1], [0, 0, 1, 1], [], []>, transpose_lhs_hint = false} : vector<10000x128xf32>, vector<128x64xf32>, vector<10000x64xf32> -> vector<10000x64xf32>
    %get3A_6 = arith.constant 0 : index
    %get3A_7 = arith.constant 0 : index
    %get3A_8 = vector.load %arg2[%get3A_6, %get3A_7] : memref<1x64xf32, #tpu.memory_space<vmem>>, vector<1x64xf32>
    %add3A = vector.broadcast %get3A_8 : vector<1x64xf32> to vector<10000x64xf32>
    %add3A_9 = arith.addf %dot_general3A_5, %add3A : vector<10000x64xf32>
    %max3A = arith.constant 0.000000e+00 : f32
    %max3A_10 = vector.broadcast %max3A : f32 to vector<10000x64xf32>
    %max3A_11 = arith.maximumf %add3A_9, %max3A_10 : vector<10000x64xf32>
    %get3A_12 = arith.constant 0 : index
    %get3A_13 = arith.constant 0 : index
    %get3A_14 = vector.load %arg3[%get3A_12, %get3A_13] : memref<64x64xf32, #tpu.memory_space<vmem>>, vector<64x64xf32>
    %dot_general3A_15 = arith.constant dense<0.000000e+00> : vector<10000x64xf32>
    %dot_general3A_16 = tpu.matmul %max3A_11, %get3A_14, %dot_general3A_15 {dimension_numbers = #tpu.dot_dimension_numbers<[1], [0], [0], [1], [0, 0, 1, 1], [], []>, transpose_lhs_hint = false} : vector<10000x64xf32>, vector<64x64xf32>, vector<10000x64xf32> -> vector<10000x64xf32>
    %get3A_17 = arith.constant 0 : index
    %get3A_18 = arith.constant 0 : index
    %get3A_19 = vector.load %arg4[%get3A_17, %get3A_18] : memref<10000x1xf32, #tpu.memory_space<vmem>>, vector<10000x1xf32>
    %max3A_20 = arith.constant 1.000000e+00 : f32
    %max3A_21 = vector.broadcast %max3A_20 : f32 to vector<10000x1xf32>
    %max3A_22 = arith.maximumf %get3A_19, %max3A_21 : vector<10000x1xf32>
    %rsqrt3A = math.rsqrt %max3A_22 : vector<10000x1xf32>
    %mul3A = vector.broadcast %rsqrt3A : vector<10000x1xf32> to vector<10000x64xf32>
    %mul3A_23 = arith.mulf %mul3A, %dot_general3A_16 : vector<10000x64xf32>
    %swap3A = arith.constant 0 : index
    %swap3A_24 = arith.constant 0 : index
    %swap3A_25 = vector.load %arg5[%swap3A, %swap3A_24] : memref<10000x64xf32, #tpu.memory_space<vmem>>, vector<10000x64xf32>
    tpu.vector_store %arg5[%swap3A, %swap3A_24], %mul3A_23 {strides = array<i32>} : memref<10000x64xf32, #tpu.memory_space<vmem>>, vector<10000x64xf32>,
    %swap3A_26 = arith.constant 0 : index
    %swap3A_27 = arith.constant 0 : index
    %swap3A_28 = vector.load %arg6[%swap3A_26, %swap3A_27] : memref<10000x1xf32, #tpu.memory_space<vmem>>, vector<10000x1xf32>
    tpu.vector_store %arg6[%swap3A_26, %swap3A_27], %rsqrt3A {strides = array<i32>} : memref<10000x1xf32, #tpu.memory_space<vmem>>, vector<10000x1xf32>,
    return
  }
}

module attributes {stable_mosaic.version = 14 : i64} {
  func.func @_dense2_body(%arg0: memref<2x10240x64xf32, #tpu.memory_space<vmem>>, %arg1: memref<10000x64xf32, #tpu.memory_space<vmem>>, %arg2: memref<10000x1xf32, #tpu.memory_space<vmem>>, %arg3: memref<1x64xf32, #tpu.memory_space<vmem>>, %arg4: memref<64x64xf32, #tpu.memory_space<vmem>>, %arg5: memref<10000x64xf32, #tpu.memory_space<vmem>>) attributes {dimension_semantics = [], scalar_prefetch = 0 : i64, scratch_operands = 0 : i64, tpu.core_type = #tpu.core_type<tc>} {
    %get3A = arith.constant 0 : index
    %get3A_0 = arith.constant 0 : index
    %get3A_1 = arith.constant 0 : index
    %get3A_2 = vector.load %arg0[%get3A, %get3A_0, %get3A_1] : memref<2x10240x64xf32, #tpu.memory_space<vmem>>, vector<1x10000x64xf32>
    %get3A_3 = vector.shape_cast %get3A_2 : vector<1x10000x64xf32> to vector<10000x64xf32>
    %get3A_4 = arith.constant 1 : index
    %get3A_5 = arith.constant 0 : index
    %get3A_6 = arith.constant 0 : index
    %get3A_7 = vector.load %arg0[%get3A_4, %get3A_5, %get3A_6] : memref<2x10240x64xf32, #tpu.memory_space<vmem>>, vector<1x10000x64xf32>
    %get3A_8 = vector.shape_cast %get3A_7 : vector<1x10000x64xf32> to vector<10000x64xf32>
    %add3A = arith.addf %get3A_3, %get3A_8 : vector<10000x64xf32>
    %get3A_9 = arith.constant 0 : index
    %get3A_10 = arith.constant 0 : index
    %get3A_11 = vector.load %arg1[%get3A_9, %get3A_10] : memref<10000x64xf32, #tpu.memory_space<vmem>>, vector<10000x64xf32>
    %add3A_12 = arith.addf %add3A, %get3A_11 : vector<10000x64xf32>
    %get3A_13 = arith.constant 0 : index
    %get3A_14 = arith.constant 0 : index
    %get3A_15 = vector.load %arg2[%get3A_13, %get3A_14] : memref<10000x1xf32, #tpu.memory_space<vmem>>, vector<10000x1xf32>
    %mul3A = vector.broadcast %get3A_15 : vector<10000x1xf32> to vector<10000x64xf32>
    %mul3A_16 = arith.mulf %mul3A, %add3A_12 : vector<10000x64xf32>
    %get3A_17 = arith.constant 0 : index
    %get3A_18 = arith.constant 0 : index
    %get3A_19 = vector.load %arg3[%get3A_17, %get3A_18] : memref<1x64xf32, #tpu.memory_space<vmem>>, vector<1x64xf32>
    %add3A_20 = vector.broadcast %get3A_19 : vector<1x64xf32> to vector<10000x64xf32>
    %add3A_21 = arith.addf %mul3A_16, %add3A_20 : vector<10000x64xf32>
    %max3A = arith.constant 0.000000e+00 : f32
    %max3A_22 = vector.broadcast %max3A : f32 to vector<10000x64xf32>
    %max3A_23 = arith.maximumf %add3A_21, %max3A_22 : vector<10000x64xf32>
    %get3A_24 = arith.constant 0 : index
    %get3A_25 = arith.constant 0 : index
    %get3A_26 = vector.load %arg4[%get3A_24, %get3A_25] : memref<64x64xf32, #tpu.memory_space<vmem>>, vector<64x64xf32>
    %dot_general3A = arith.constant dense<0.000000e+00> : vector<10000x64xf32>
    %dot_general3A_27 = tpu.matmul %max3A_23, %get3A_26, %dot_general3A {dimension_numbers = #tpu.dot_dimension_numbers<[1], [0], [0], [1], [0, 0, 1, 1], [], []>, transpose_lhs_hint = false} : vector<10000x64xf32>, vector<64x64xf32>, vector<10000x64xf32> -> vector<10000x64xf32>
    %get3A_28 = arith.constant 0 : index
    %get3A_29 = arith.constant 0 : index
    %get3A_30 = vector.load %arg2[%get3A_28, %get3A_29] : memref<10000x1xf32, #tpu.memory_space<vmem>>, vector<10000x1xf32>
    %mul3A_31 = vector.broadcast %get3A_30 : vector<10000x1xf32> to vector<10000x64xf32>
    %mul3A_32 = arith.mulf %mul3A_31, %dot_general3A_27 : vector<10000x64xf32>
    %swap3A = arith.constant 0 : index
    %swap3A_33 = arith.constant 0 : index
    %swap3A_34 = vector.load %arg5[%swap3A, %swap3A_33] : memref<10000x64xf32, #tpu.memory_space<vmem>>, vector<10000x64xf32>
    tpu.vector_store %arg5[%swap3A, %swap3A_33], %mul3A_32 {strides = array<i32>} : memref<10000x64xf32, #tpu.memory_space<vmem>>, vector<10000x64xf32>,
    return
  }
}

module attributes {stable_mosaic.version = 14 : i64} {
  func.func @_dense3_body(%arg0: memref<2x10240x64xf32, #tpu.memory_space<vmem>>, %arg1: memref<10000x64xf32, #tpu.memory_space<vmem>>, %arg2: memref<10000x1xf32, #tpu.memory_space<vmem>>, %arg3: memref<1x64xf32, #tpu.memory_space<vmem>>, %arg4: memref<10000x1xi32, #tpu.memory_space<vmem>>, %arg5: memref<64x32xf32, #tpu.memory_space<vmem>>, %arg6: memref<1x32xf32, #tpu.memory_space<vmem>>, %arg7: memref<32x2xf32, #tpu.memory_space<vmem>>, %arg8: memref<1x2xf32, #tpu.memory_space<vmem>>, %arg9: memref<64x2xf32, #tpu.memory_space<vmem>>) attributes {dimension_semantics = [], scalar_prefetch = 0 : i64, scratch_operands = 0 : i64, tpu.core_type = #tpu.core_type<tc>} {
    %get3A = arith.constant 0 : index
    %get3A_0 = arith.constant 0 : index
    %get3A_1 = arith.constant 0 : index
    %get3A_2 = vector.load %arg0[%get3A, %get3A_0, %get3A_1] : memref<2x10240x64xf32, #tpu.memory_space<vmem>>, vector<1x10000x64xf32>
    %get3A_3 = vector.shape_cast %get3A_2 : vector<1x10000x64xf32> to vector<10000x64xf32>
    %get3A_4 = arith.constant 1 : index
    %get3A_5 = arith.constant 0 : index
    %get3A_6 = arith.constant 0 : index
    %get3A_7 = vector.load %arg0[%get3A_4, %get3A_5, %get3A_6] : memref<2x10240x64xf32, #tpu.memory_space<vmem>>, vector<1x10000x64xf32>
    %get3A_8 = vector.shape_cast %get3A_7 : vector<1x10000x64xf32> to vector<10000x64xf32>
    %add3A = arith.addf %get3A_3, %get3A_8 : vector<10000x64xf32>
    %get3A_9 = arith.constant 0 : index
    %get3A_10 = arith.constant 0 : index
    %get3A_11 = vector.load %arg1[%get3A_9, %get3A_10] : memref<10000x64xf32, #tpu.memory_space<vmem>>, vector<10000x64xf32>
    %add3A_12 = arith.addf %add3A, %get3A_11 : vector<10000x64xf32>
    %get3A_13 = arith.constant 0 : index
    %get3A_14 = arith.constant 0 : index
    %get3A_15 = vector.load %arg2[%get3A_13, %get3A_14] : memref<10000x1xf32, #tpu.memory_space<vmem>>, vector<10000x1xf32>
    %mul3A = vector.broadcast %get3A_15 : vector<10000x1xf32> to vector<10000x64xf32>
    %mul3A_16 = arith.mulf %mul3A, %add3A_12 : vector<10000x64xf32>
    %get3A_17 = arith.constant 0 : index
    %get3A_18 = arith.constant 0 : index
    %get3A_19 = vector.load %arg3[%get3A_17, %get3A_18] : memref<1x64xf32, #tpu.memory_space<vmem>>, vector<1x64xf32>
    %add3A_20 = vector.broadcast %get3A_19 : vector<1x64xf32> to vector<10000x64xf32>
    %add3A_21 = arith.addf %mul3A_16, %add3A_20 : vector<10000x64xf32>
    %max3A = arith.constant 0.000000e+00 : f32
    %max3A_22 = vector.broadcast %max3A : f32 to vector<10000x64xf32>
    %max3A_23 = arith.maximumf %add3A_21, %max3A_22 : vector<10000x64xf32>
    %iota3A = tpu.iota {dimensions = array<i32: 1>} : vector<1x64xi32>
    %get3A_24 = arith.constant 0 : index
    %get3A_25 = arith.constant 0 : index
    %get3A_26 = vector.load %arg4[%get3A_24, %get3A_25] : memref<10000x1xi32, #tpu.memory_space<vmem>>, vector<10000x1xi32>
    %eq3A = vector.broadcast %get3A_26 : vector<10000x1xi32> to vector<10000x64xi32>
    %eq3A_27 = vector.broadcast %iota3A : vector<1x64xi32> to vector<10000x64xi32>
    %eq3A_28 = arith.cmpi eq, %eq3A, %eq3A_27 : vector<10000x64xi32>
    %convert_element_type3A = arith.extui %eq3A_28 : vector<10000x64xi1> to vector<10000x64xi32>
    %convert_element_type3A_29 = arith.sitofp %convert_element_type3A : vector<10000x64xi32> to vector<10000x64xf32>
    %dot_general3A = arith.constant dense<0.000000e+00> : vector<64x64xf32>
    %dot_general3A_30 = tpu.matmul %convert_element_type3A_29, %max3A_23, %dot_general3A {dimension_numbers = #tpu.dot_dimension_numbers<[0], [0], [1], [1], [0, 1, 1, 1], [], []>, transpose_lhs_hint = false} : vector<10000x64xf32>, vector<10000x64xf32>, vector<64x64xf32> -> vector<64x64xf32>
    %broadcast_in_dim3A = arith.constant 1.000000e+00 : f32
    %broadcast_in_dim3A_31 = vector.broadcast %broadcast_in_dim3A : f32 to vector<10000x1xf32>
    %dot_general3A_32 = arith.constant dense<0.000000e+00> : vector<64x1xf32>
    %dot_general3A_33 = tpu.matmul %convert_element_type3A_29, %broadcast_in_dim3A_31, %dot_general3A_32 {dimension_numbers = #tpu.dot_dimension_numbers<[0], [0], [1], [1], [0, 1, 1, 1], [], []>, transpose_lhs_hint = false} : vector<10000x64xf32>, vector<10000x1xf32>, vector<64x1xf32> -> vector<64x1xf32>
    %max3A_34 = arith.constant 1.000000e+00 : f32
    %max3A_35 = vector.broadcast %max3A_34 : f32 to vector<64x1xf32>
    %max3A_36 = arith.maximumf %dot_general3A_33, %max3A_35 : vector<64x1xf32>
    %div3A = vector.broadcast %max3A_36 : vector<64x1xf32> to vector<64x64xf32>
    %div3A_37 = arith.divf %dot_general3A_30, %div3A : vector<64x64xf32>
    %get3A_38 = arith.constant 0 : index
    %get3A_39 = arith.constant 0 : index
    %get3A_40 = vector.load %arg5[%get3A_38, %get3A_39] : memref<64x32xf32, #tpu.memory_space<vmem>>, vector<64x32xf32>
    %dot_general3A_41 = arith.constant dense<0.000000e+00> : vector<64x32xf32>
    %dot_general3A_42 = tpu.matmul %div3A_37, %get3A_40, %dot_general3A_41 {dimension_numbers = #tpu.dot_dimension_numbers<[1], [0], [0], [1], [0, 0, 1, 1], [], []>, transpose_lhs_hint = false} : vector<64x64xf32>, vector<64x32xf32>, vector<64x32xf32> -> vector<64x32xf32>
    %get3A_43 = arith.constant 0 : index
    %get3A_44 = arith.constant 0 : index
    %get3A_45 = vector.load %arg6[%get3A_43, %get3A_44] : memref<1x32xf32, #tpu.memory_space<vmem>>, vector<1x32xf32>
    %add3A_46 = vector.broadcast %get3A_45 : vector<1x32xf32> to vector<64x32xf32>
    %add3A_47 = arith.addf %dot_general3A_42, %add3A_46 : vector<64x32xf32>
    %max3A_48 = arith.constant 0.000000e+00 : f32
    %max3A_49 = vector.broadcast %max3A_48 : f32 to vector<64x32xf32>
    %max3A_50 = arith.maximumf %add3A_47, %max3A_49 : vector<64x32xf32>
    %get3A_51 = arith.constant 0 : index
    %get3A_52 = arith.constant 0 : index
    %get3A_53 = vector.load %arg7[%get3A_51, %get3A_52] : memref<32x2xf32, #tpu.memory_space<vmem>>, vector<32x2xf32>
    %dot_general3A_54 = arith.constant dense<0.000000e+00> : vector<64x2xf32>
    %dot_general3A_55 = tpu.matmul %max3A_50, %get3A_53, %dot_general3A_54 {dimension_numbers = #tpu.dot_dimension_numbers<[1], [0], [0], [1], [0, 0, 1, 1], [], []>, transpose_lhs_hint = false} : vector<64x32xf32>, vector<32x2xf32>, vector<64x2xf32> -> vector<64x2xf32>
    %get3A_56 = arith.constant 0 : index
    %get3A_57 = arith.constant 0 : index
    %get3A_58 = vector.load %arg8[%get3A_56, %get3A_57] : memref<1x2xf32, #tpu.memory_space<vmem>>, vector<1x2xf32>
    %add3A_59 = vector.broadcast %get3A_58 : vector<1x2xf32> to vector<64x2xf32>
    %add3A_60 = arith.addf %dot_general3A_55, %add3A_59 : vector<64x2xf32>
    %reduce_max3A = arith.constant dense<0xFF800000> : vector<64xf32>
    %reduce_max3A_61 = vector.multi_reduction <maximumf>, %add3A_60, %reduce_max3A [1] : vector<64x2xf32> to vector<64xf32>
    %broadcast_in_dim3A_62 = vector.shape_cast %reduce_max3A_61 : vector<64xf32> to vector<64x1xf32>
    %sub3A = vector.broadcast %broadcast_in_dim3A_62 : vector<64x1xf32> to vector<64x2xf32>
    %sub3A_63 = arith.subf %add3A_60, %sub3A : vector<64x2xf32>
    %exp3A = math.exp %sub3A_63 : vector<64x2xf32>
    %reduce_sum3A = arith.constant dense<0.000000e+00> : vector<64xf32>
    %reduce_sum3A_64 = vector.multi_reduction <add>, %exp3A, %reduce_sum3A [1] : vector<64x2xf32> to vector<64xf32>
    %broadcast_in_dim3A_65 = vector.shape_cast %reduce_sum3A_64 : vector<64xf32> to vector<64x1xf32>
    %log3A = math.log %broadcast_in_dim3A_65 : vector<64x1xf32>
    %add3A_66 = arith.addf %log3A, %broadcast_in_dim3A_62 : vector<64x1xf32>
    %sub3A_67 = vector.broadcast %add3A_66 : vector<64x1xf32> to vector<64x2xf32>
    %sub3A_68 = arith.subf %add3A_60, %sub3A_67 : vector<64x2xf32>
    %swap3A = arith.constant 0 : index
    %swap3A_69 = arith.constant 0 : index
    %swap3A_70 = vector.load %arg9[%swap3A, %swap3A_69] : memref<64x2xf32, #tpu.memory_space<vmem>>, vector<64x2xf32>
    tpu.vector_store %arg9[%swap3A, %swap3A_69], %sub3A_68 {strides = array<i32>} : memref<64x2xf32, #tpu.memory_space<vmem>>, vector<64x2xf32>,
    return
  }
}

</mosaic_0001>

<sc_bundles>
// kernel: gather_offload_async_start.1
scs
__scs_entry_jumppad:
0x0: {  	(pc) =	sbr.rel $0x88, $3  }
0x1: {  	(tag) =	ssettag $0x0;
	lr =	simm.s32 $0x1  }
0x2: {  	[smem:$0x3F94] =	sst lr;
	_ =	strace $0xD0000000  }
0x3: {  	_ = 	snop  }
0x4: {  	_ = 	snop  }
0x5: {  	_ = 	snop  }
0x6: {  	_ = 	snop  }
0x7: {  	_ = 	snop  }
__scs_overlays_trampoline_lowered:
0x8: {  	[smem:$0x3FA3] =	sst s0  }
0x9: {  	[smem:$0x3FA4] =	sst s1  }
0xa: {  	[smem:$0x3FA5] =	sst s2  }
0xb: {  	[smem:$0x3FA6] =	sst s3  }
0xc: {  	[smem:$0x3FA7] =	sst s4  }
0xd: {  	[smem:$0x3FA8] =	sst s5  }
0xe: {  	[smem:$0x3FA9] =	sst s6  }
0xf: {  	[smem:$0x3FAA] =	sst s7  }
0x10: {  	[smem:$0x3FAB] =	sst s8  }
0x11: {  	[smem:$0x3FAC] =	sst s9;
	s0 =	simm.s32 @!p0 $0x0  }
0x12: {  	s1 =	sld [smem:$0x3F92];
	s0 =	simm.s32 @p0 $0x1  }
0x13: {  	[smem:$0x3FAD] =	sst s0;
	s0 =	simm.s32 @!p1 $0x0  }
0x14: {  	s2 =	sld [smem:$0x3F91];
	s0 =	simm.s32 @p1 $0x1  }
0x15: {  	[smem:$0x3FAE] =	sst s0;
	s0 =	simm.s32 @!p2 $0x0  }
0x16: {  	s3 =	sld [smem:$0x3FDB];
	s0 =	simm.s32 @p2 $0x1  }
0x17: {  	s4 =	simm.s32 $0x1BF5;
	[smem:$0x3FB0] =	sst s0  }
0x18: {  	s0 =	sld [smem:$0x3F93];
	_ =	swait.ge [sflag:s4], $0x0  }
0x19: {  	s7 =	sld [smem:$0x3F94]  }
0x1a: {  	s8 =	sadd.s32 $0xFFFFE003, lr  }
0x1b: {  	s9 =	sadd.s32 $0xFFFFFEF7, lr;
	s5 =	simm.s32 $0xFFFFFFFF;
	p2 =	slt.u32 s8, $0xFFFFF086  }
0x1c: {  	p1 =	slt.u32 s9, $0xF7A;
	s5 =	simm.s32 @!p2 $0x0  }
0x1d: {  	s5 =	simm.s32 @p1 $0x1;
	p0 =	seq.s32 s7, s2  }
0x1e: {  	s7 =	smul.u32 @!p0 $0xF7A, s2;
	p2 =	seq.s32 @!p0 s5, $0x0  }
0x1f: {  	s9 =	smul.u32 $0xF7A, s1;
	s8 =	simm.s32 @!p0 $0x1BF5;
	p2 =	por !p2, p0  }
0x20: {  	[sflag:s8] =	ssyncset.s32 @!p0 $0xFFFFF086;
	s6 =	sadd.s32 @!p0 s3, s7;
	s7 =	simm.s32 @!p0 $0x108  }
0x21: {  	s3 =	sadd.s32 s3, s9;
	s6 =	sadd.s32 @!p0 $0x88, s6;
	s7 =	simm.s32 @p2 $0x1082  }
0x22: {  	[simem:s7], [sflag:s8] =	dma.local @!p0 [hbm:s6], $0xF7A  }
0x23: {  	s9 =	sor.u32 $0xD0000000, s2;
	s6 =	simm.s32 $0x108;
	_ =	swait.ge @!p0 [sflag:s8], $0x0  }
0x24: {  	s3 =	sadd.s32 $0x88, s3;
	s6 =	simm.s32 @!p1 $0x1082;
	[sflag:s4] =	ssyncset.s32 $0xFFFFF086  }
0x25: {  	[simem:s6], [sflag:s4] =	dma.local [hbm:s3], $0xF7A  }
0x26: {  	[smem:$0x3F94] =	sst s1;
	(tag) =	ssettag s2;
	_ =	strace s9  }
0x27: {  	s1 =	sld [smem:$0x3FA4]  }
0x28: {  	s2 =	sld [smem:$0x3FA5]  }
0x29: {  	s4 =	sld [smem:$0x3FA7]  }
0x2a: {  	p0 =	seq.s32 s5, $0x0;
	s5 =	sld [smem:$0x3FA8]  }
0x2b: {  	s6 =	sld [smem:$0x3FA9]  }
0x2c: {  	s7 =	sld [smem:$0x3FAA]  }
0x2d: {  	s3 =	simm.s32 $0x108;
	s8 =	sld [smem:$0x3FAB]  }
0x2e: {  	s3 =	simm.s32 @!p0 $0x1082;
	s9 =	sld [smem:$0x3FAC]  }
0x2f: {  	lr =	sadd.s32 s0, s3;
	s0 =	sld [smem:$0x3FA3]  }
0x30: {  	s3 =	sld [smem:$0x3FA6]  }
0x31: {  	[smem:$0x3FAF] =	sst s10  }
0x32: {  	s10 =	sld [smem:$0x3FAD];
	_ =	sdelay $0x3  }
0x33: {  	p0 =	seq.s32 s10, $0x1;
	s10 =	sld [smem:$0x3FAF];
	_ =	sdelay $0x3  }
0x34: {  	[smem:$0x3FAF] =	sst s10  }
0x35: {  	s10 =	sld [smem:$0x3FAE];
	_ =	sdelay $0x3  }
0x36: {  	p1 =	seq.s32 s10, $0x1;
	s10 =	sld [smem:$0x3FAF];
	_ =	sdelay $0x3  }
0x37: {  	[smem:$0x3FAF] =	sst s10  }
0x38: {  	s10 =	sld [smem:$0x3FB0]  }
0x39: {  	_ = 	snop;
	(pc) =	sbr.ind lr, $3  }
0x3a: {  	_ = 	snop  }
0x3b: {  	_ = 	snop  }
0x3c: {  	p2 =	seq.s32 s10, $0x1;
	s10 =	sld [smem:$0x3FAF]  }
0x3d: {  	_ =	shalt  }
0x3e: {  	_ =	shalt  }
0x3f: {  	_ =	shalt  }
0x40: {  	_ =	shalt  }
0x41: {  	_ =	shalt  }
0x42: {  	_ =	shalt  }
0x43: {  	_ =	shalt  }
0x44: {  	_ =	shalt  }
0x45: {  	_ =	shalt  }
0x46: {  	_ =	shalt  }
0x47: {  	_ =	shalt  }
0x48: {  	_ =	shalt  }
0x49: {  	_ =	shalt  }
0x4a: {  	_ =	shalt  }
0x4b: {  	_ =	shalt  }
0x4c: {  	_ =	shalt  }
0x4d: {  	_ =	shalt  }
0x4e: {  	_ =	shalt  }
0x4f: {  	_ =	shalt  }
0x50: {  	_ =	shalt  }
0x51: {  	_ =	shalt  }
0x52: {  	_ =	shalt  }
0x53: {  	_ =	shalt  }
0x54: {  	_ =	shalt  }
0x55: {  	_ =	shalt  }
0x56: {  	_ =	shalt  }
0x57: {  	_ =	shalt  }
0x58: {  	_ =	shalt  }
0x59: {  	_ =	shalt  }
0x5a: {  	_ =	shalt  }
0x5b: {  	_ =	shalt  }
0x5c: {  	_ =	shalt  }
0x5d: {  	_ =	shalt  }
0x5e: {  	_ =	shalt  }
0x5f: {  	_ =	shalt  }
0x60: {  	_ =	shalt  }
0x61: {  	_ =	shalt  }
0x62: {  	_ =	shalt  }
0x63: {  	_ =	shalt  }
0x64: {  	_ =	shalt  }
0x65: {  	_ =	shalt  }
0x66: {  	_ =	shalt  }
0x67: {  	_ =	shalt  }
0x68: {  	_ =	shalt  }
0x69: {  	_ =	shalt  }
0x6a: {  	_ =	shalt  }
0x6b: {  	_ =	shalt  }
0x6c: {  	_ =	shalt  }
0x6d: {  	_ =	shalt  }
0x6e: {  	_ =	shalt  }
0x6f: {  	_ =	shalt  }
0x70: {  	_ =	shalt  }
0x71: {  	_ =	shalt  }
0x72: {  	_ =	shalt  }
0x73: {  	_ =	shalt  }
0x74: {  	_ =	shalt  }
0x75: {  	_ =	shalt  }
0x76: {  	_ =	shalt  }
0x77: {  	_ =	shalt  }
0x78: {  	_ =	shalt  }
0x79: {  	_ =	shalt  }
0x7a: {  	_ =	shalt  }
0x7b: {  	_ =	shalt  }
0x7c: {  	_ =	shalt  }
0x7d: {  	_ =	shalt  }
0x7e: {  	_ =	shalt  }
0x7f: {  	_ =	shalt  }
0x80: {  	_ =	shalt  }
0x81: {  	_ =	shalt  }
0x82: {  	_ =	shalt  }
0x83: {  	_ =	shalt  }
0x84: {  	_ =	shalt  }
0x85: {  	_ =	shalt  }
0x86: {  	_ =	shalt  }
0x87: {  	_ =	shalt  }
.Lfunc_end0:
.L_simem_size_0:
called_computation.1_lowered:
.L_overlay_start_0:
0x88: {  	s0 =	sld [smem:$0x3FD9]  }
0x89: {  	s1 =	sld [smem:$0x3FFE];
	_ =	sdelay $0x3  }
0x8a: {  	s0 =	sadd.s32 s1, s0  }
0x8b: {  	[smem:$0x3FBB] =	sst s0  }
0x8c: {  	_ = 	snop  }
0x8d: {  	(tm) =	ssettm $0x1  }
0x8e: {  	s15 =	sld [smem:$0x3FFB];
	_ =	sdelay $0x3  }
0x8f: {  	_ =	strace s15  }
0x90: {  	s0 =	sld [smem:$0x3FFC];
	_ =	sdelay $0x3  }
0x91: {  	_ =	strace s0  }
0x92: {  	s0 =	sld [smem:$0x3FFD];
	_ =	sdelay $0x3  }
0x93: {  	_ =	strace s0  }
0x94: {  	_ =	strace $0x8FFFFFFF  }
0x95: {  	s16 =	sld [smem:$0x3FDB];
	_ =	sdelay $0x1  }
0x96: {  	s17 =	simm.s32 $_scs_section_size  }
0x97: {  	s2 =	simm.s32 $_size__tile_overlayer_lowered;
	s3 =	simm.s32 $_tile_overlayer_lowered  }
0x98: {  	s20 =	simm.s32 $0x1BFF;
	s19 =	sshll.u32 s3, $0x1;
	s0 =	sadd.s32 s17, s16  }
0x99: {  	s4 =	simm.s32 $0x0;
	s18 =	sshll.u32 s2, $0x1;
	s2 =	sadd.s32 s19, s0  }
0x9a: {  	[timem:s4], [sflag:s20] =	dma.local [hbm:s2], s18  }
0x9b: {  	_ =	swait.ge [sflag:s20], s18  }
0x9c: {  	s1 =	ssub.s32 $0x0, s18;
	[sflag:s20] =	ssyncset.done $0x0  }
0x9d: {  	[sflag:s20] =	ssyncadd.s32 s1;
	_ =	sdelay $0x1  }
0x9e: {  	s21 =	simm.s32 $0x1B8B  }
0x9f: {  	_ =	swait.ge [sflag:s21], $0x1  }
0xa0: {  	[sflag:s21] =	ssyncset.done $0x0  }
0xa1: {  	s23 =	simm.s32 $0x1B8E;
	s22 =	sld [smem:$0x3FFE];
	[sflag:s21] =	ssyncadd.s32 $0xFFFFFFFF  }
0xa2: {  	s24 =	simm.s32 $execute0_lowered;
	[smem:$0x3FD2] =	sst s23  }
0xa3: {  	s2 =	sshll.u32 s24, $0x1;
	_ =	strace $0x80000046;
	[dreg:$0x1] =	wrdreg $0xFFFFFFFF  }
0xa4: {  	s25 =	simm.s32 $_size_execute0_lowered;
	s0 =	sadd.s32 s0, s2;
	[dreg:$0x0] =	wrdreg $0x0  }
0xa5: {  	s2 =	sshll.u32 s25, $0x1;
	[dreg:$0x2] =	wrdreg s0  }
0xa6: {  	[dreg:$0x3] =	wrdreg s2  }
0xa7: {  	[dreg:$0x4] =	wrdreg $0xC0  }
0xa8: {  	_ =	task [dreg:s4], $0x5FFFF  }
0xa9: {  	[dreg:$0x1] =	wrdreg $0xFFFFFFFF  }
0xaa: {  	[dreg:$0x0] =	wrdreg $0x60  }
0xab: {  	[dreg:$0x2] =	wrdreg s22  }
0xac: {  	[dreg:$0x3] =	wrdreg $0xA  }
0xad: {  	_ =	task.clear_ibuf [dreg:s4], $0x4FFFF;
	_ =	strace $0x90000046  }
0xae: {  	s26 =	simm.s32 $0xA;
	_ =	strace $0x80000048  }
0xaf: {  	_ =	swait.ge [sflag:s26], $0x1  }
0xb0: {  	[sflag:s26] =	ssyncadd.s32 $0xFFFFFFFF  }
0xb1: {  	_ =	strace $0x90000048  }
0xb2: {  	_ =	sfence  }
0xb3: {  	s28 =	sld [smem:$0x0];
	_ =	sdelay $0x1  }
0xb4: {  	s29 =	srdreg.scid  }
0xb5: {  	s30 =	sshll.u32 s29, $0xD;
	s31 =	sshrl.u32 s29, $0x2  }
0xb6: {  	s1 =	sand.u32 $0x1, s29;
	s2 =	sand.u32 $0x4000, s30;
	s0 =	sadd.s32 s31, s28  }
0xb7: {  	s1 =	sor.u32 s2, s1;
	s0 =	sshll.u32 s0, $0x11  }
0xb8: {  	s0 =	sor.u32 s0, s1  }
0xb9: {  	s0 =	sadd.s32 $0x8F2B, s0  }
0xba: {  	[sflag:s0] =	ssyncadd.remote.s32 $0x1  }
0xbb: {  	_ =	sfence.sel $0xFFFF  }
0xbc: {  	[dreg:$0x0] =	wrdreg $0xFFFFFFFF;
	(pc) =	sbr.abs _section_cstart, $3  }
0xbd: {  	[dreg:$0x1] =	wrdreg $0xFFFFFFFF  }
0xbe: {  	_ =	task.clear_ibuf [dreg:s4], $0x2FFFF;
	_ =	strace $0x9FFFFFFF  }
0xbf: {  	(tm) =	ssettm $0x7FFFFFFF  }
tec
execute0_lowered:
.L_overlay_start_1:
0x0: {  	(tag) =	ssettag $0x1  }
0x1: {  	s8 =	rddreg [dreg:$0x0]  }
0x2: {  	s0 =	rddreg [dreg:$0x1];
	_ =	strace $0x80000047  }
0x3: {  	s4 =	simm.s32 $0x1;
	s1 =	stileid.u32;
	s7 =	simm.s32 $0x1  }
0x4: {  	s9 =	simm.s32 $0x1;
	s6 =	simm.s32 $0x2;
	s10 =	simm.s32 $0x3  }
0x5: {  	s13 =	simm.s32 $0x0;
	s12 =	simm.s32 $0x0;
	s2 =	sadd.s32 $0x15200, s8  }
.Ltmp0:
0x6: {  	s3 =	sadd.s32 $0x14600, s8;
	p0 =	slt.u32 s1, $0xA;
	(pc) =	sbr.rel .LBB2_1-.Ltmp0, $4  }
0x7: {  	[sflag:s4] =	ssyncpa.u1 $0x0;
	s7 =	simm.s32 @!p0 $0x0;
	p0 =	sne.s32 s1, $0x9  }
0x8: {  	s5 =	smul.u32 $0x190, s1;
	[sflag:s6] =	ssyncpa.u1 $0x0;
	s9 =	simm.s32 @!p0 $0x0  }
0x9: {  	s8 =	sadd.s32 $0x3C800, s8;
	[sflag:s10] =	ssyncpa.u1 $0x0;
	s7 =	sadd.s32 s9, s7  }
0xa: {  	vm0 =	vmmov $0xffff;
	s10 =	simm.s32 $0x0;
	s11 =	smov.u32 s5;
	s9 =	sadd.s32 $0x1, s7  }
.LBB2_4:
0xb: {  	v2 =	vnsel vm1, $0x0, v2  }
0xc: {  	vm1 =	vgt.s32 v0, $0x0;
	v2 =	vmin.u32 v2, $0x9C400  }
0xd: {  	v0 =	vnsel vm1, $0x0, v0  }
0xe: {  	v0 =	vmin.u32 v0, $0x9C400  }
0xf: {  	[tilespmem:s18], [sflag:$0x1] =	stream.indirect_vreg.gather [hbm4b:s2+s10], $0x1, v1, vm0, $0x4038;
	[tilespmem:$0x640] =	vst v63  }
0x10: {  	(ifvalue) =	ssetifvalue $0x7FFFFFFF  }
0x11: {  	[tilespmem:s15], [sflag:$0x1] =	stream.indirect_vreg.gather [hbm4b:s2+s10], $0x1, v2, vm0, $0x4038;
	[tilespmem:$0x640] =	vst v63  }
0x12: {  	s29 =	sadd.s32 $0x10, s15;
	(ifvalue) =	ssetifvalue $0x7FFFFFFF  }
0x13: {  	[tilespmem:s29], [sflag:$0x1] =	stream.indirect_vreg.gather [hbm4b:s2+s10], $0x1, v0, vm0, $0x4038;
	[tilespmem:$0x640] =	vst v63  }
0x14: {  	_ =	swait.ge [sflag:s4], $0x190  }
0x15: {  	s30 =	sshrl.u32 s13, $0x3;
	[sflag:s4] =	ssyncset.done $0x0  }
0x16: {  	s31 =	sand.u32 $0x7, s13;
	s15 =	sadd.s32 s8, s30;
	[sflag:s4] =	ssyncadd.s32 $0xFFFFFE70  }
0x17: {  	[hbm4b:s15+s31] =	stream.linear.scatter [tilespmem:s14], [sflag:$0x3], $0x190, $0x38;
	[tilespmem:$0x640] =	vst v63  }
.LBB2_5:
0x18: {  	s15 =	sadd.s32 $0x1900, s11  }
0x19: {  	p1 =	sgt.s32 s15, $0x270F  }
0x1a: {  	s15 =	smov.u32 @p1 s5;
	p1 =	sne.s32 s12, s9  }
.Ltmp1:
0x1b: {  	p0 =	slt.u32 s12, $0x2;
	(pc) =	sbr.rel @!p1 .LBB2_6-.Ltmp1, $4  }
0x1c: {  	s14 =	simm.s32 @!p0 $0x3  }
0x1d: {  	_ =	swait.ge @!p0 [sflag:s14], $0x190  }
0x1e: {  	s16 =	sadd.s32 $0x1, s12;
	s13 =	smov.u32 s11;
	[sflag:s14] =	ssyncset.done @!p0 $0x0  }
0x1f: {  	s12 =	smov.u32 s16;
	s11 =	smov.u32 s15;
	[sflag:s14] =	ssyncadd.s32 @!p0 $0xFFFFFE70  }
.LBB2_1:
0x20: {  	p0 =	sge.u32 s12, s7  }
0x21: {  	s14 =	sxor.u32 @!p0 $0x1, s12  }
0x22: {  	s14 =	smul.u32 @!p0 $0x640, s14  }
0x23: {  	s31 =	sadd.s32 $0xFFFFFFFF, s12;
	s15 =	sshrl.u32 @!p0 s11, $0x3  }
0x24: {  	s16 =	sand.u32 @!p0 $0x7, s11;
	s15 =	sadd.s32 @!p0 s3, s15;
	s14 =	sshra.s32 @!p0 s14, $0x2  }
0x25: {  	[tilespmem:s14], [sflag:$0x2] =	stream.linear.gather @!p0 [hbm4b:s15+s16], $0x190, $0x38;
	[tilespmem:$0x640] =	vst v63  }
0x26: {  	p0 =	sge.u32 s31, s7  }
.Ltmp2:
0x27: {  	_ = 	snop;
	(pc) =	sbr.rel @p0 .LBB2_5-.Ltmp2, $1  }
0x28: {  	_ =	sdelay $0x3  }
0x29: {  	s14 =	sand.u32 $0x1, s12  }
0x2a: {  	_ =	swait.ge [sflag:s6], $0x190;
	p0 =	seq.s32 s14, $0x1;
	s14 =	simm.s32 $0x190  }
0x2b: {  	[sflag:s6] =	ssyncset.done $0x0;
	s14 =	simm.s32 @!p0 $0x0  }
0x2c: {  	[sflag:s6] =	ssyncadd.s32 $0xFFFFFE70;
	(ifvalue) =	ssetifvalue $0x7FFFFFFF;
	v0 =	vld.msk [tilespmem:s14+$0x0 ss:$0x1], $0xffff;
	_ =	sdelay $0x4  }
0x2d: {  	s15 =	sadd.s32 $0x10, s14;
	vm1 =	vgt.s32 v0, $0x0  }
0x2e: {  	v2 =	vld.msk [tilespmem:s15+$0x0 ss:$0x1], $0xffff;
	v1 =	vnsel vm1, $0x0, v0  }
0x2f: {  	v1 =	vmin.u32 v1, $0x9C400;
	_ =	sdelay $0x2  }
0x30: {  	s17 =	simm.s32 $0x20;
	s14 =	sadd.s32 $0x320, s14;
	s16 =	sadd.s32 $0x10, s15  }
0x31: {  	s15 =	sadd.s32 $0x10, s14;
	s18 =	smov.u32 s14;
	v0 =	vld.msk [tilespmem:s16+$0x0 ss:$0x1], $0xffff;
	vm1 =	vgt.s32 v2, $0x0;
	(ifvalue) =	ssetifvalue $0x7FFFFFFF  }
.LBB2_3:
0x32: {  	[tilespmem:s18], [sflag:$0x1] =	stream.indirect_vreg.gather [hbm4b:s2+s10], $0x1, v1, vm0, $0x4038;
	[tilespmem:$0x640] =	vst v63  }
0x33: {  	s17 =	sadd.s32 $0x10, s17  }
0x34: {  	v2 =	vnsel vm1, $0x0, v2;
	p0 =	slt.u32 s17, $0x180  }
.Ltmp3:
0x35: {  	s18 =	smov.u32 s15;
	v1 =	vmin.u32 v2, $0x9C400;
	(pc) =	sbr.rel @p0 .LBB2_3-.Ltmp3, $3  }
0x36: {  	_ =	sdelay $0x1  }
0x37: {  	s16 =	sadd.s32 $0x10, s16  }
0x38: {  	vm1 =	vgt.s32 v0, $0x0;
	s15 =	sadd.s32 $0x10, s15;
	v2 =	vmov v0;
	(ifvalue) =	ssetifvalue $0x7FFFFFFF;
	v0 =	vld.msk [tilespmem:s16+$0x0 ss:$0x1], $0xffff  }
.Ltmp4:
0x39: {  	_ = 	snop;
	(pc) =	sbr.rel .LBB2_4-.Ltmp4, $1  }
0x3a: {  	_ =	sdelay $0x3  }
.LBB2_6:
0x3b: {  	_ =	sfence.sel $0x180000  }
0x3c: {  	s2 =	simm.s32 $0x2;
	[bflag:$0x0] =	sbarrier.arrive $0xFFFF  }
0x3d: {  	s30 =	simm.s32 $0x3;
	[sflag:s2] =	ssyncpa.u1 $0x1  }
0x3e: {  	s31 =	simm.s32 $0x1;
	[sflag:s30] =	ssyncpa.u1 $0x1  }
0x3f: {  	[sflag:s31] =	ssyncpa.u1 $0x1  }
0x40: {  	p0 =	sne.s32 s1, $0x0;
	_ =	strace $0x90000047  }
0x41: {  	s0 =	sadd.s32 @!p0 $0x100000, s0;
	[bflag:$0x2] =	sbarrier.arrive $0xFFFF  }
0x42: {  	[sflag:s0] =	ssyncadd.tile.s32 @!p0 $0x1;
	_ =	shalt  }
.Lfunc_end2:
_tile_overlayer_lowered:
.L_overlay_start_2:
0x43: {  	(tag) =	ssettag $0x2  }
0x44: {  	s0 =	rddreg [dreg:$0x0];
	s2 =	stileid.u32  }
0x45: {  	s1 =	rddreg [dreg:$0x1];
	p0 =	sne.s32 s2, $0x0  }
0x46: {  	s3 =	rddreg [dreg:$0x2];
	[bflag:$0x3] =	sbarrier.arrive $0xFFFF;
	s2 =	simm.s32 @!p0 $0x1C01  }
0x47: {  	[timem:s3], [sflag:s2] =	dma.local @!p0 [hbm:s0], s1  }
0x48: {  	s0 =	simm.s32 @!p0 $0x1  }
0x49: {  	_ =	swait.ge @!p0 [sflag:s0], s1  }
0x4a: {  	s1 =	ssub.s32 @!p0 $0x0, s1;
	[sflag:s0] =	ssyncset.done @!p0 $0x0  }
0x4b: {  	[sflag:s0] =	ssyncadd.s32 @!p0 s1  }
0x4c: {  	[bflag:$0x3] =	sbarrier.arrive $0xFFFF  }
0x4d: {  	_ =	shalt  }

// kernel: gather_offload_async_start
scs
__scs_entry_jumppad:
0x0: {  	(pc) =	sbr.rel $0x88, $3  }
0x1: {  	(tag) =	ssettag $0x0;
	lr =	simm.s32 $0x1  }
0x2: {  	[smem:$0x3F94] =	sst lr;
	_ =	strace $0xD0000000  }
0x3: {  	_ = 	snop  }
0x4: {  	_ = 	snop  }
0x5: {  	_ = 	snop  }
0x6: {  	_ = 	snop  }
0x7: {  	_ = 	snop  }
__scs_overlays_trampoline_lowered:
0x8: {  	[smem:$0x3FA3] =	sst s0  }
0x9: {  	[smem:$0x3FA4] =	sst s1  }
0xa: {  	[smem:$0x3FA5] =	sst s2  }
0xb: {  	[smem:$0x3FA6] =	sst s3  }
0xc: {  	[smem:$0x3FA7] =	sst s4  }
0xd: {  	[smem:$0x3FA8] =	sst s5  }
0xe: {  	[smem:$0x3FA9] =	sst s6  }
0xf: {  	[smem:$0x3FAA] =	sst s7  }
0x10: {  	[smem:$0x3FAB] =	sst s8  }
0x11: {  	[smem:$0x3FAC] =	sst s9;
	s0 =	simm.s32 @!p0 $0x0  }
0x12: {  	s1 =	sld [smem:$0x3F92];
	s0 =	simm.s32 @p0 $0x1  }
0x13: {  	[smem:$0x3FAD] =	sst s0;
	s0 =	simm.s32 @!p1 $0x0  }
0x14: {  	s2 =	sld [smem:$0x3F91];
	s0 =	simm.s32 @p1 $0x1  }
0x15: {  	[smem:$0x3FAE] =	sst s0;
	s0 =	simm.s32 @!p2 $0x0  }
0x16: {  	s3 =	sld [smem:$0x3FDB];
	s0 =	simm.s32 @p2 $0x1  }
0x17: {  	s4 =	simm.s32 $0x1BF5;
	[smem:$0x3FB0] =	sst s0  }
0x18: {  	s0 =	sld [smem:$0x3F93];
	_ =	swait.ge [sflag:s4], $0x0  }
0x19: {  	s7 =	sld [smem:$0x3F94]  }
0x1a: {  	s8 =	sadd.s32 $0xFFFFE003, lr  }
0x1b: {  	s9 =	sadd.s32 $0xFFFFFEF7, lr;
	s5 =	simm.s32 $0xFFFFFFFF;
	p2 =	slt.u32 s8, $0xFFFFF086  }
0x1c: {  	p1 =	slt.u32 s9, $0xF7A;
	s5 =	simm.s32 @!p2 $0x0  }
0x1d: {  	s5 =	simm.s32 @p1 $0x1;
	p0 =	seq.s32 s7, s2  }
0x1e: {  	s7 =	smul.u32 @!p0 $0xF7A, s2;
	p2 =	seq.s32 @!p0 s5, $0x0  }
0x1f: {  	s9 =	smul.u32 $0xF7A, s1;
	s8 =	simm.s32 @!p0 $0x1BF5;
	p2 =	por !p2, p0  }
0x20: {  	[sflag:s8] =	ssyncset.s32 @!p0 $0xFFFFF086;
	s6 =	sadd.s32 @!p0 s3, s7;
	s7 =	simm.s32 @!p0 $0x108  }
0x21: {  	s3 =	sadd.s32 s3, s9;
	s6 =	sadd.s32 @!p0 $0x88, s6;
	s7 =	simm.s32 @p2 $0x1082  }
0x22: {  	[simem:s7], [sflag:s8] =	dma.local @!p0 [hbm:s6], $0xF7A  }
0x23: {  	s9 =	sor.u32 $0xD0000000, s2;
	s6 =	simm.s32 $0x108;
	_ =	swait.ge @!p0 [sflag:s8], $0x0  }
0x24: {  	s3 =	sadd.s32 $0x88, s3;
	s6 =	simm.s32 @!p1 $0x1082;
	[sflag:s4] =	ssyncset.s32 $0xFFFFF086  }
0x25: {  	[simem:s6], [sflag:s4] =	dma.local [hbm:s3], $0xF7A  }
0x26: {  	[smem:$0x3F94] =	sst s1;
	(tag) =	ssettag s2;
	_ =	strace s9  }
0x27: {  	s1 =	sld [smem:$0x3FA4]  }
0x28: {  	s2 =	sld [smem:$0x3FA5]  }
0x29: {  	s4 =	sld [smem:$0x3FA7]  }
0x2a: {  	p0 =	seq.s32 s5, $0x0;
	s5 =	sld [smem:$0x3FA8]  }
0x2b: {  	s6 =	sld [smem:$0x3FA9]  }
0x2c: {  	s7 =	sld [smem:$0x3FAA]  }
0x2d: {  	s3 =	simm.s32 $0x108;
	s8 =	sld [smem:$0x3FAB]  }
0x2e: {  	s3 =	simm.s32 @!p0 $0x1082;
	s9 =	sld [smem:$0x3FAC]  }
0x2f: {  	lr =	sadd.s32 s0, s3;
	s0 =	sld [smem:$0x3FA3]  }
0x30: {  	s3 =	sld [smem:$0x3FA6]  }
0x31: {  	[smem:$0x3FAF] =	sst s10  }
0x32: {  	s10 =	sld [smem:$0x3FAD];
	_ =	sdelay $0x3  }
0x33: {  	p0 =	seq.s32 s10, $0x1;
	s10 =	sld [smem:$0x3FAF];
	_ =	sdelay $0x3  }
0x34: {  	[smem:$0x3FAF] =	sst s10  }
0x35: {  	s10 =	sld [smem:$0x3FAE];
	_ =	sdelay $0x3  }
0x36: {  	p1 =	seq.s32 s10, $0x1;
	s10 =	sld [smem:$0x3FAF];
	_ =	sdelay $0x3  }
0x37: {  	[smem:$0x3FAF] =	sst s10  }
0x38: {  	s10 =	sld [smem:$0x3FB0]  }
0x39: {  	_ = 	snop;
	(pc) =	sbr.ind lr, $3  }
0x3a: {  	_ = 	snop  }
0x3b: {  	_ = 	snop  }
0x3c: {  	p2 =	seq.s32 s10, $0x1;
	s10 =	sld [smem:$0x3FAF]  }
0x3d: {  	_ =	shalt  }
0x3e: {  	_ =	shalt  }
0x3f: {  	_ =	shalt  }
0x40: {  	_ =	shalt  }
0x41: {  	_ =	shalt  }
0x42: {  	_ =	shalt  }
0x43: {  	_ =	shalt  }
0x44: {  	_ =	shalt  }
0x45: {  	_ =	shalt  }
0x46: {  	_ =	shalt  }
0x47: {  	_ =	shalt  }
0x48: {  	_ =	shalt  }
0x49: {  	_ =	shalt  }
0x4a: {  	_ =	shalt  }
0x4b: {  	_ =	shalt  }
0x4c: {  	_ =	shalt  }
0x4d: {  	_ =	shalt  }
0x4e: {  	_ =	shalt  }
0x4f: {  	_ =	shalt  }
0x50: {  	_ =	shalt  }
0x51: {  	_ =	shalt  }
0x52: {  	_ =	shalt  }
0x53: {  	_ =	shalt  }
0x54: {  	_ =	shalt  }
0x55: {  	_ =	shalt  }
0x56: {  	_ =	shalt  }
0x57: {  	_ =	shalt  }
0x58: {  	_ =	shalt  }
0x59: {  	_ =	shalt  }
0x5a: {  	_ =	shalt  }
0x5b: {  	_ =	shalt  }
0x5c: {  	_ =	shalt  }
0x5d: {  	_ =	shalt  }
0x5e: {  	_ =	shalt  }
0x5f: {  	_ =	shalt  }
0x60: {  	_ =	shalt  }
0x61: {  	_ =	shalt  }
0x62: {  	_ =	shalt  }
0x63: {  	_ =	shalt  }
0x64: {  	_ =	shalt  }
0x65: {  	_ =	shalt  }
0x66: {  	_ =	shalt  }
0x67: {  	_ =	shalt  }
0x68: {  	_ =	shalt  }
0x69: {  	_ =	shalt  }
0x6a: {  	_ =	shalt  }
0x6b: {  	_ =	shalt  }
0x6c: {  	_ =	shalt  }
0x6d: {  	_ =	shalt  }
0x6e: {  	_ =	shalt  }
0x6f: {  	_ =	shalt  }
0x70: {  	_ =	shalt  }
0x71: {  	_ =	shalt  }
0x72: {  	_ =	shalt  }
0x73: {  	_ =	shalt  }
0x74: {  	_ =	shalt  }
0x75: {  	_ =	shalt  }
0x76: {  	_ =	shalt  }
0x77: {  	_ =	shalt  }
0x78: {  	_ =	shalt  }
0x79: {  	_ =	shalt  }
0x7a: {  	_ =	shalt  }
0x7b: {  	_ =	shalt  }
0x7c: {  	_ =	shalt  }
0x7d: {  	_ =	shalt  }
0x7e: {  	_ =	shalt  }
0x7f: {  	_ =	shalt  }
0x80: {  	_ =	shalt  }
0x81: {  	_ =	shalt  }
0x82: {  	_ =	shalt  }
0x83: {  	_ =	shalt  }
0x84: {  	_ =	shalt  }
0x85: {  	_ =	shalt  }
0x86: {  	_ =	shalt  }
0x87: {  	_ =	shalt  }
.Lfunc_end0:
.L_simem_size_0:
called_computation_lowered:
.L_overlay_start_0:
0x88: {  	s0 =	sld [smem:$0x3FD9]  }
0x89: {  	s1 =	sld [smem:$0x3FFE];
	_ =	sdelay $0x3  }
0x8a: {  	s0 =	sadd.s32 s1, s0  }
0x8b: {  	[smem:$0x3FBB] =	sst s0  }
0x8c: {  	_ = 	snop  }
0x8d: {  	(tm) =	ssettm $0x1  }
0x8e: {  	s15 =	sld [smem:$0x3FFB];
	_ =	sdelay $0x3  }
0x8f: {  	_ =	strace s15  }
0x90: {  	s0 =	sld [smem:$0x3FFC];
	_ =	sdelay $0x3  }
0x91: {  	_ =	strace s0  }
0x92: {  	s0 =	sld [smem:$0x3FFD];
	_ =	sdelay $0x3  }
0x93: {  	_ =	strace s0  }
0x94: {  	_ =	strace $0x8FFFFFFF  }
0x95: {  	s16 =	sld [smem:$0x3FDB];
	_ =	sdelay $0x1  }
0x96: {  	s17 =	simm.s32 $_scs_section_size  }
0x97: {  	s2 =	simm.s32 $_size__tile_overlayer_lowered;
	s3 =	simm.s32 $_tile_overlayer_lowered  }
0x98: {  	s20 =	simm.s32 $0x1BFF;
	s19 =	sshll.u32 s3, $0x1;
	s0 =	sadd.s32 s17, s16  }
0x99: {  	s4 =	simm.s32 $0x0;
	s18 =	sshll.u32 s2, $0x1;
	s2 =	sadd.s32 s19, s0  }
0x9a: {  	[timem:s4], [sflag:s20] =	dma.local [hbm:s2], s18  }
0x9b: {  	_ =	swait.ge [sflag:s20], s18  }
0x9c: {  	s1 =	ssub.s32 $0x0, s18;
	[sflag:s20] =	ssyncset.done $0x0  }
0x9d: {  	[sflag:s20] =	ssyncadd.s32 s1;
	_ =	sdelay $0x1  }
0x9e: {  	s21 =	simm.s32 $0x1B8B  }
0x9f: {  	_ =	swait.ge [sflag:s21], $0x1  }
0xa0: {  	[sflag:s21] =	ssyncset.done $0x0  }
0xa1: {  	s23 =	simm.s32 $0x1B8E;
	s22 =	sld [smem:$0x3FFE];
	[sflag:s21] =	ssyncadd.s32 $0xFFFFFFFF  }
0xa2: {  	s24 =	simm.s32 $execute0_lowered;
	[smem:$0x3FD2] =	sst s23  }
0xa3: {  	s2 =	sshll.u32 s24, $0x1;
	_ =	strace $0x80000049;
	[dreg:$0x1] =	wrdreg $0xFFFFFFFF  }
0xa4: {  	s25 =	simm.s32 $_size_execute0_lowered;
	s0 =	sadd.s32 s0, s2;
	[dreg:$0x0] =	wrdreg $0x0  }
0xa5: {  	s2 =	sshll.u32 s25, $0x1;
	[dreg:$0x2] =	wrdreg s0  }
0xa6: {  	[dreg:$0x3] =	wrdreg s2  }
0xa7: {  	[dreg:$0x4] =	wrdreg $0xC0  }
0xa8: {  	_ =	task [dreg:s4], $0x5FFFF  }
0xa9: {  	[dreg:$0x1] =	wrdreg $0xFFFFFFFF  }
0xaa: {  	[dreg:$0x0] =	wrdreg $0x60  }
0xab: {  	[dreg:$0x2] =	wrdreg s22  }
0xac: {  	[dreg:$0x3] =	wrdreg $0x9  }
0xad: {  	_ =	task.clear_ibuf [dreg:s4], $0x4FFFF;
	_ =	strace $0x90000049  }
0xae: {  	s26 =	simm.s32 $0x9;
	_ =	strace $0x8000004B  }
0xaf: {  	_ =	swait.ge [sflag:s26], $0x1  }
0xb0: {  	[sflag:s26] =	ssyncadd.s32 $0xFFFFFFFF  }
0xb1: {  	_ =	strace $0x9000004B  }
0xb2: {  	_ =	sfence  }
0xb3: {  	s28 =	sld [smem:$0x0];
	_ =	sdelay $0x1  }
0xb4: {  	s29 =	srdreg.scid  }
0xb5: {  	s30 =	sshll.u32 s29, $0xD;
	s31 =	sshrl.u32 s29, $0x2  }
0xb6: {  	s1 =	sand.u32 $0x1, s29;
	s2 =	sand.u32 $0x4000, s30;
	s0 =	sadd.s32 s31, s28  }
0xb7: {  	s1 =	sor.u32 s2, s1;
	s0 =	sshll.u32 s0, $0x11  }
0xb8: {  	s0 =	sor.u32 s0, s1  }
0xb9: {  	s0 =	sadd.s32 $0x8F2B, s0  }
0xba: {  	[sflag:s0] =	ssyncadd.remote.s32 $0x1  }
0xbb: {  	_ =	sfence.sel $0xFFFF  }
0xbc: {  	[dreg:$0x0] =	wrdreg $0xFFFFFFFF;
	(pc) =	sbr.abs _section_cstart, $3  }
0xbd: {  	[dreg:$0x1] =	wrdreg $0xFFFFFFFF  }
0xbe: {  	_ =	task.clear_ibuf [dreg:s4], $0x2FFFF;
	_ =	strace $0x9FFFFFFF  }
0xbf: {  	(tm) =	ssettm $0x7FFFFFFF  }
tec
execute0_lowered:
.L_overlay_start_1:
0x0: {  	(tag) =	ssettag $0x1  }
0x1: {  	s8 =	rddreg [dreg:$0x0]  }
0x2: {  	s0 =	rddreg [dreg:$0x1];
	_ =	strace $0x8000004A  }
0x3: {  	s4 =	simm.s32 $0x1;
	s1 =	stileid.u32;
	s7 =	simm.s32 $0x1  }
0x4: {  	s9 =	simm.s32 $0x1;
	s6 =	simm.s32 $0x2;
	s10 =	simm.s32 $0x3  }
0x5: {  	s13 =	simm.s32 $0x0;
	s12 =	simm.s32 $0x0;
	s2 =	sadd.s32 $0x15200, s8  }
.Ltmp0:
0x6: {  	s3 =	sadd.s32 $0x14C00, s8;
	p0 =	slt.u32 s1, $0xA;
	(pc) =	sbr.rel .LBB2_1-.Ltmp0, $4  }
0x7: {  	[sflag:s4] =	ssyncpa.u1 $0x0;
	s7 =	simm.s32 @!p0 $0x0;
	p0 =	sne.s32 s1, $0x9  }
0x8: {  	s5 =	smul.u32 $0x190, s1;
	[sflag:s6] =	ssyncpa.u1 $0x0;
	s9 =	simm.s32 @!p0 $0x0  }
0x9: {  	s8 =	sadd.s32 $0x3CE00, s8;
	[sflag:s10] =	ssyncpa.u1 $0x0;
	s7 =	sadd.s32 s9, s7  }
0xa: {  	vm0 =	vmmov $0xffff;
	s10 =	simm.s32 $0x0;
	s11 =	smov.u32 s5;
	s9 =	sadd.s32 $0x1, s7  }
.LBB2_4:
0xb: {  	v2 =	vnsel vm1, $0x0, v2  }
0xc: {  	vm1 =	vgt.s32 v0, $0x0;
	v2 =	vmin.u32 v2, $0x9C400  }
0xd: {  	v0 =	vnsel vm1, $0x0, v0  }
0xe: {  	v0 =	vmin.u32 v0, $0x9C400  }
0xf: {  	[tilespmem:s18], [sflag:$0x1] =	stream.indirect_vreg.gather [hbm4b:s2+s10], $0x1, v1, vm0, $0x4038;
	[tilespmem:$0x640] =	vst v63  }
0x10: {  	(ifvalue) =	ssetifvalue $0x7FFFFFFF  }
0x11: {  	[tilespmem:s15], [sflag:$0x1] =	stream.indirect_vreg.gather [hbm4b:s2+s10], $0x1, v2, vm0, $0x4038;
	[tilespmem:$0x640] =	vst v63  }
0x12: {  	s29 =	sadd.s32 $0x10, s15;
	(ifvalue) =	ssetifvalue $0x7FFFFFFF  }
0x13: {  	[tilespmem:s29], [sflag:$0x1] =	stream.indirect_vreg.gather [hbm4b:s2+s10], $0x1, v0, vm0, $0x4038;
	[tilespmem:$0x640] =	vst v63  }
0x14: {  	_ =	swait.ge [sflag:s4], $0x190  }
0x15: {  	s30 =	sshrl.u32 s13, $0x3;
	[sflag:s4] =	ssyncset.done $0x0  }
0x16: {  	s31 =	sand.u32 $0x7, s13;
	s15 =	sadd.s32 s8, s30;
	[sflag:s4] =	ssyncadd.s32 $0xFFFFFE70  }
0x17: {  	[hbm4b:s15+s31] =	stream.linear.scatter [tilespmem:s14], [sflag:$0x3], $0x190, $0x38;
	[tilespmem:$0x640] =	vst v63  }
.LBB2_5:
0x18: {  	s15 =	sadd.s32 $0x1900, s11  }
0x19: {  	p1 =	sgt.s32 s15, $0x270F  }
0x1a: {  	s15 =	smov.u32 @p1 s5;
	p1 =	sne.s32 s12, s9  }
.Ltmp1:
0x1b: {  	p0 =	slt.u32 s12, $0x2;
	(pc) =	sbr.rel @!p1 .LBB2_6-.Ltmp1, $4  }
0x1c: {  	s14 =	simm.s32 @!p0 $0x3  }
0x1d: {  	_ =	swait.ge @!p0 [sflag:s14], $0x190  }
0x1e: {  	s16 =	sadd.s32 $0x1, s12;
	s13 =	smov.u32 s11;
	[sflag:s14] =	ssyncset.done @!p0 $0x0  }
0x1f: {  	s12 =	smov.u32 s16;
	s11 =	smov.u32 s15;
	[sflag:s14] =	ssyncadd.s32 @!p0 $0xFFFFFE70  }
.LBB2_1:
0x20: {  	p0 =	sge.u32 s12, s7  }
0x21: {  	s14 =	sxor.u32 @!p0 $0x1, s12  }
0x22: {  	s14 =	smul.u32 @!p0 $0x640, s14  }
0x23: {  	s31 =	sadd.s32 $0xFFFFFFFF, s12;
	s15 =	sshrl.u32 @!p0 s11, $0x3  }
0x24: {  	s16 =	sand.u32 @!p0 $0x7, s11;
	s15 =	sadd.s32 @!p0 s3, s15;
	s14 =	sshra.s32 @!p0 s14, $0x2  }
0x25: {  	[tilespmem:s14], [sflag:$0x2] =	stream.linear.gather @!p0 [hbm4b:s15+s16], $0x190, $0x38;
	[tilespmem:$0x640] =	vst v63  }
0x26: {  	p0 =	sge.u32 s31, s7  }
.Ltmp2:
0x27: {  	_ = 	snop;
	(pc) =	sbr.rel @p0 .LBB2_5-.Ltmp2, $1  }
0x28: {  	_ =	sdelay $0x3  }
0x29: {  	s14 =	sand.u32 $0x1, s12  }
0x2a: {  	_ =	swait.ge [sflag:s6], $0x190;
	p0 =	seq.s32 s14, $0x1;
	s14 =	simm.s32 $0x190  }
0x2b: {  	[sflag:s6] =	ssyncset.done $0x0;
	s14 =	simm.s32 @!p0 $0x0  }
0x2c: {  	[sflag:s6] =	ssyncadd.s32 $0xFFFFFE70;
	(ifvalue) =	ssetifvalue $0x7FFFFFFF;
	v0 =	vld.msk [tilespmem:s14+$0x0 ss:$0x1], $0xffff;
	_ =	sdelay $0x4  }
0x2d: {  	s15 =	sadd.s32 $0x10, s14;
	vm1 =	vgt.s32 v0, $0x0  }
0x2e: {  	v2 =	vld.msk [tilespmem:s15+$0x0 ss:$0x1], $0xffff;
	v1 =	vnsel vm1, $0x0, v0  }
0x2f: {  	v1 =	vmin.u32 v1, $0x9C400;
	_ =	sdelay $0x2  }
0x30: {  	s17 =	simm.s32 $0x20;
	s14 =	sadd.s32 $0x320, s14;
	s16 =	sadd.s32 $0x10, s15  }
0x31: {  	s15 =	sadd.s32 $0x10, s14;
	s18 =	smov.u32 s14;
	v0 =	vld.msk [tilespmem:s16+$0x0 ss:$0x1], $0xffff;
	vm1 =	vgt.s32 v2, $0x0;
	(ifvalue) =	ssetifvalue $0x7FFFFFFF  }
.LBB2_3:
0x32: {  	[tilespmem:s18], [sflag:$0x1] =	stream.indirect_vreg.gather [hbm4b:s2+s10], $0x1, v1, vm0, $0x4038;
	[tilespmem:$0x640] =	vst v63  }
0x33: {  	s17 =	sadd.s32 $0x10, s17  }
0x34: {  	v2 =	vnsel vm1, $0x0, v2;
	p0 =	slt.u32 s17, $0x180  }
.Ltmp3:
0x35: {  	s18 =	smov.u32 s15;
	v1 =	vmin.u32 v2, $0x9C400;
	(pc) =	sbr.rel @p0 .LBB2_3-.Ltmp3, $3  }
0x36: {  	_ =	sdelay $0x1  }
0x37: {  	s16 =	sadd.s32 $0x10, s16  }
0x38: {  	vm1 =	vgt.s32 v0, $0x0;
	s15 =	sadd.s32 $0x10, s15;
	v2 =	vmov v0;
	(ifvalue) =	ssetifvalue $0x7FFFFFFF;
	v0 =	vld.msk [tilespmem:s16+$0x0 ss:$0x1], $0xffff  }
.Ltmp4:
0x39: {  	_ = 	snop;
	(pc) =	sbr.rel .LBB2_4-.Ltmp4, $1  }
0x3a: {  	_ =	sdelay $0x3  }
.LBB2_6:
0x3b: {  	_ =	sfence.sel $0x180000  }
0x3c: {  	s2 =	simm.s32 $0x2;
	[bflag:$0x0] =	sbarrier.arrive $0xFFFF  }
0x3d: {  	s30 =	simm.s32 $0x3;
	[sflag:s2] =	ssyncpa.u1 $0x1  }
0x3e: {  	s31 =	simm.s32 $0x1;
	[sflag:s30] =	ssyncpa.u1 $0x1  }
0x3f: {  	[sflag:s31] =	ssyncpa.u1 $0x1  }
0x40: {  	p0 =	sne.s32 s1, $0x0;
	_ =	strace $0x9000004A  }
0x41: {  	s0 =	sadd.s32 @!p0 $0x100000, s0;
	[bflag:$0x2] =	sbarrier.arrive $0xFFFF  }
0x42: {  	[sflag:s0] =	ssyncadd.tile.s32 @!p0 $0x1;
	_ =	shalt  }
.Lfunc_end2:
_tile_overlayer_lowered:
.L_overlay_start_2:
0x43: {  	(tag) =	ssettag $0x2  }
0x44: {  	s0 =	rddreg [dreg:$0x0];
	s2 =	stileid.u32  }
0x45: {  	s1 =	rddreg [dreg:$0x1];
	p0 =	sne.s32 s2, $0x0  }
0x46: {  	s3 =	rddreg [dreg:$0x2];
	[bflag:$0x3] =	sbarrier.arrive $0xFFFF;
	s2 =	simm.s32 @!p0 $0x1C01  }
0x47: {  	[timem:s3], [sflag:s2] =	dma.local @!p0 [hbm:s0], s1  }
0x48: {  	s0 =	simm.s32 @!p0 $0x1  }
0x49: {  	_ =	swait.ge @!p0 [sflag:s0], s1  }
0x4a: {  	s1 =	ssub.s32 @!p0 $0x0, s1;
	[sflag:s0] =	ssyncset.done @!p0 $0x0  }
0x4b: {  	[sflag:s0] =	ssyncadd.s32 @!p0 s1  }
0x4c: {  	[bflag:$0x3] =	sbarrier.arrive $0xFFFF  }
0x4d: {  	_ =	shalt  }

// kernel: kernel.10.cloned.1.call-start
scs
__scs_entry_jumppad:
0x0: {  	(pc) =	sbr.rel $0x88, $3  }
0x1: {  	(tag) =	ssettag $0x0;
	lr =	simm.s32 $0x1  }
0x2: {  	[smem:$0x3F94] =	sst lr;
	_ =	strace $0xD0000000  }
0x3: {  	_ = 	snop  }
0x4: {  	_ = 	snop  }
0x5: {  	_ = 	snop  }
0x6: {  	_ = 	snop  }
0x7: {  	_ = 	snop  }
__scs_overlays_trampoline_lowered:
0x8: {  	[smem:$0x3FA3] =	sst s0  }
0x9: {  	[smem:$0x3FA4] =	sst s1  }
0xa: {  	[smem:$0x3FA5] =	sst s2  }
0xb: {  	[smem:$0x3FA6] =	sst s3  }
0xc: {  	[smem:$0x3FA7] =	sst s4  }
0xd: {  	[smem:$0x3FA8] =	sst s5  }
0xe: {  	[smem:$0x3FA9] =	sst s6  }
0xf: {  	[smem:$0x3FAA] =	sst s7  }
0x10: {  	[smem:$0x3FAB] =	sst s8  }
0x11: {  	[smem:$0x3FAC] =	sst s9;
	s0 =	simm.s32 @!p0 $0x0  }
0x12: {  	s1 =	sld [smem:$0x3F92];
	s0 =	simm.s32 @p0 $0x1  }
0x13: {  	[smem:$0x3FAD] =	sst s0;
	s0 =	simm.s32 @!p1 $0x0  }
0x14: {  	s2 =	sld [smem:$0x3F91];
	s0 =	simm.s32 @p1 $0x1  }
0x15: {  	[smem:$0x3FAE] =	sst s0;
	s0 =	simm.s32 @!p2 $0x0  }
0x16: {  	s3 =	sld [smem:$0x3FDB];
	s0 =	simm.s32 @p2 $0x1  }
0x17: {  	s4 =	simm.s32 $0x1BF5;
	[smem:$0x3FB0] =	sst s0  }
0x18: {  	s0 =	sld [smem:$0x3F93];
	_ =	swait.ge [sflag:s4], $0x0  }
0x19: {  	s7 =	sld [smem:$0x3F94]  }
0x1a: {  	s8 =	sadd.s32 $0xFFFFE003, lr  }
0x1b: {  	s9 =	sadd.s32 $0xFFFFFEF7, lr;
	s5 =	simm.s32 $0xFFFFFFFF;
	p2 =	slt.u32 s8, $0xFFFFF086  }
0x1c: {  	p1 =	slt.u32 s9, $0xF7A;
	s5 =	simm.s32 @!p2 $0x0  }
0x1d: {  	s5 =	simm.s32 @p1 $0x1;
	p0 =	seq.s32 s7, s2  }
0x1e: {  	s7 =	smul.u32 @!p0 $0xF7A, s2;
	p2 =	seq.s32 @!p0 s5, $0x0  }
0x1f: {  	s9 =	smul.u32 $0xF7A, s1;
	s8 =	simm.s32 @!p0 $0x1BF5;
	p2 =	por !p2, p0  }
0x20: {  	[sflag:s8] =	ssyncset.s32 @!p0 $0xFFFFF086;
	s6 =	sadd.s32 @!p0 s3, s7;
	s7 =	simm.s32 @!p0 $0x108  }
0x21: {  	s3 =	sadd.s32 s3, s9;
	s6 =	sadd.s32 @!p0 $0x88, s6;
	s7 =	simm.s32 @p2 $0x1082  }
0x22: {  	[simem:s7], [sflag:s8] =	dma.local @!p0 [hbm:s6], $0xF7A  }
0x23: {  	s9 =	sor.u32 $0xD0000000, s2;
	s6 =	simm.s32 $0x108;
	_ =	swait.ge @!p0 [sflag:s8], $0x0  }
0x24: {  	s3 =	sadd.s32 $0x88, s3;
	s6 =	simm.s32 @!p1 $0x1082;
	[sflag:s4] =	ssyncset.s32 $0xFFFFF086  }
0x25: {  	[simem:s6], [sflag:s4] =	dma.local [hbm:s3], $0xF7A  }
0x26: {  	[smem:$0x3F94] =	sst s1;
	(tag) =	ssettag s2;
	_ =	strace s9  }
0x27: {  	s1 =	sld [smem:$0x3FA4]  }
0x28: {  	s2 =	sld [smem:$0x3FA5]  }
0x29: {  	s4 =	sld [smem:$0x3FA7]  }
0x2a: {  	p0 =	seq.s32 s5, $0x0;
	s5 =	sld [smem:$0x3FA8]  }
0x2b: {  	s6 =	sld [smem:$0x3FA9]  }
0x2c: {  	s7 =	sld [smem:$0x3FAA]  }
0x2d: {  	s3 =	simm.s32 $0x108;
	s8 =	sld [smem:$0x3FAB]  }
0x2e: {  	s3 =	simm.s32 @!p0 $0x1082;
	s9 =	sld [smem:$0x3FAC]  }
0x2f: {  	lr =	sadd.s32 s0, s3;
	s0 =	sld [smem:$0x3FA3]  }
0x30: {  	s3 =	sld [smem:$0x3FA6]  }
0x31: {  	[smem:$0x3FAF] =	sst s10  }
0x32: {  	s10 =	sld [smem:$0x3FAD];
	_ =	sdelay $0x3  }
0x33: {  	p0 =	seq.s32 s10, $0x1;
	s10 =	sld [smem:$0x3FAF];
	_ =	sdelay $0x3  }
0x34: {  	[smem:$0x3FAF] =	sst s10  }
0x35: {  	s10 =	sld [smem:$0x3FAE];
	_ =	sdelay $0x3  }
0x36: {  	p1 =	seq.s32 s10, $0x1;
	s10 =	sld [smem:$0x3FAF];
	_ =	sdelay $0x3  }
0x37: {  	[smem:$0x3FAF] =	sst s10  }
0x38: {  	s10 =	sld [smem:$0x3FB0]  }
0x39: {  	_ = 	snop;
	(pc) =	sbr.ind lr, $3  }
0x3a: {  	_ = 	snop  }
0x3b: {  	_ = 	snop  }
0x3c: {  	p2 =	seq.s32 s10, $0x1;
	s10 =	sld [smem:$0x3FAF]  }
0x3d: {  	_ =	shalt  }
0x3e: {  	_ =	shalt  }
0x3f: {  	_ =	shalt  }
0x40: {  	_ =	shalt  }
0x41: {  	_ =	shalt  }
0x42: {  	_ =	shalt  }
0x43: {  	_ =	shalt  }
0x44: {  	_ =	shalt  }
0x45: {  	_ =	shalt  }
0x46: {  	_ =	shalt  }
0x47: {  	_ =	shalt  }
0x48: {  	_ =	shalt  }
0x49: {  	_ =	shalt  }
0x4a: {  	_ =	shalt  }
0x4b: {  	_ =	shalt  }
0x4c: {  	_ =	shalt  }
0x4d: {  	_ =	shalt  }
0x4e: {  	_ =	shalt  }
0x4f: {  	_ =	shalt  }
0x50: {  	_ =	shalt  }
0x51: {  	_ =	shalt  }
0x52: {  	_ =	shalt  }
0x53: {  	_ =	shalt  }
0x54: {  	_ =	shalt  }
0x55: {  	_ =	shalt  }
0x56: {  	_ =	shalt  }
0x57: {  	_ =	shalt  }
0x58: {  	_ =	shalt  }
0x59: {  	_ =	shalt  }
0x5a: {  	_ =	shalt  }
0x5b: {  	_ =	shalt  }
0x5c: {  	_ =	shalt  }
0x5d: {  	_ =	shalt  }
0x5e: {  	_ =	shalt  }
0x5f: {  	_ =	shalt  }
0x60: {  	_ =	shalt  }
0x61: {  	_ =	shalt  }
0x62: {  	_ =	shalt  }
0x63: {  	_ =	shalt  }
0x64: {  	_ =	shalt  }
0x65: {  	_ =	shalt  }
0x66: {  	_ =	shalt  }
0x67: {  	_ =	shalt  }
0x68: {  	_ =	shalt  }
0x69: {  	_ =	shalt  }
0x6a: {  	_ =	shalt  }
0x6b: {  	_ =	shalt  }
0x6c: {  	_ =	shalt  }
0x6d: {  	_ =	shalt  }
0x6e: {  	_ =	shalt  }
0x6f: {  	_ =	shalt  }
0x70: {  	_ =	shalt  }
0x71: {  	_ =	shalt  }
0x72: {  	_ =	shalt  }
0x73: {  	_ =	shalt  }
0x74: {  	_ =	shalt  }
0x75: {  	_ =	shalt  }
0x76: {  	_ =	shalt  }
0x77: {  	_ =	shalt  }
0x78: {  	_ =	shalt  }
0x79: {  	_ =	shalt  }
0x7a: {  	_ =	shalt  }
0x7b: {  	_ =	shalt  }
0x7c: {  	_ =	shalt  }
0x7d: {  	_ =	shalt  }
0x7e: {  	_ =	shalt  }
0x7f: {  	_ =	shalt  }
0x80: {  	_ =	shalt  }
0x81: {  	_ =	shalt  }
0x82: {  	_ =	shalt  }
0x83: {  	_ =	shalt  }
0x84: {  	_ =	shalt  }
0x85: {  	_ =	shalt  }
0x86: {  	_ =	shalt  }
0x87: {  	_ =	shalt  }
.Lfunc_end0:
.L_simem_size_0:
called_computation.3_lowered:
.L_overlay_start_0:
0x88: {  	s2 =	sld [smem:$0x3FD9]  }
0x89: {  	s3 =	sld [smem:$0x3FFE];
	_ =	sdelay $0x1  }
0x8a: {  	s1 =	srdreg.scid  }
0x8b: {  	s0 =	sand.u32 $0x1, s1  }
0x8c: {  	s16 =	sshll.u32 s0, $0xA;
	s2 =	sadd.s32 s3, s2  }
0x8d: {  	s2 =	sadd.s32 s2, s16  }
0x8e: {  	[smem:$0x3FBB] =	sst s2  }
0x8f: {  	_ = 	snop  }
0x90: {  	(tm) =	ssettm $0x1  }
0x91: {  	s17 =	sld [smem:$0x3FFB];
	_ =	sdelay $0x3  }
0x92: {  	_ =	strace s17  }
0x93: {  	s2 =	sld [smem:$0x3FFC];
	_ =	sdelay $0x3  }
0x94: {  	_ =	strace s2  }
0x95: {  	s2 =	sld [smem:$0x3FFD];
	_ =	sdelay $0x3  }
0x96: {  	_ =	strace s2  }
0x97: {  	_ =	strace $0x8FFFFFFF  }
0x98: {  	s18 =	sld [smem:$0x3FDB];
	_ =	sdelay $0x1  }
0x99: {  	s19 =	simm.s32 $_scs_section_size  }
0x9a: {  	s4 =	simm.s32 $_size__tile_overlayer_lowered;
	s5 =	simm.s32 $_tile_overlayer_lowered  }
0x9b: {  	s22 =	simm.s32 $0x1BFF;
	s21 =	sshll.u32 s5, $0x1;
	s2 =	sadd.s32 s19, s18  }
0x9c: {  	s6 =	simm.s32 $0x0;
	s20 =	sshll.u32 s4, $0x1;
	s4 =	sadd.s32 s21, s2  }
0x9d: {  	[timem:s6], [sflag:s22] =	dma.local [hbm:s4], s20  }
0x9e: {  	_ =	swait.ge [sflag:s22], s20  }
0x9f: {  	s3 =	ssub.s32 $0x0, s20;
	[sflag:s22] =	ssyncset.done $0x0  }
0xa0: {  	[sflag:s22] =	ssyncadd.s32 s3;
	_ =	sdelay $0x1  }
0xa1: {  	s23 =	simm.s32 $0x1B8B  }
0xa2: {  	_ =	swait.ge [sflag:s23], $0x1  }
0xa3: {  	[sflag:s23] =	ssyncset.done $0x0  }
0xa4: {  	s25 =	simm.s32 $0x1B8E;
	s24 =	sld [smem:$0x3FFE];
	[sflag:s23] =	ssyncadd.s32 $0xFFFFFFFF  }
0xa5: {  	s26 =	simm.s32 $execute0_lowered;
	[smem:$0x3FD2] =	sst s25  }
0xa6: {  	s4 =	sshll.u32 s26, $0x1;
	_ =	strace $0x8000004F;
	[dreg:$0x1] =	wrdreg $0xFFFFFFFF  }
0xa7: {  	s28 =	simm.s32 $_size_execute0_lowered;
	s2 =	sadd.s32 s2, s4;
	[dreg:$0x0] =	wrdreg $0x0  }
0xa8: {  	s4 =	sshll.u32 s28, $0x1;
	[dreg:$0x2] =	wrdreg s2  }
0xa9: {  	[dreg:$0x3] =	wrdreg s4  }
0xaa: {  	[dreg:$0x4] =	wrdreg $0xC0  }
0xab: {  	_ =	task [dreg:s6], $0x5FFFF  }
0xac: {  	[dreg:$0x1] =	wrdreg $0xFFFFFFFF  }
0xad: {  	[dreg:$0x0] =	wrdreg $0x60  }
0xae: {  	[dreg:$0x2] =	wrdreg s24  }
0xaf: {  	[dreg:$0x3] =	wrdreg $0x100000  }
0xb0: {  	[dreg:$0x4] =	wrdreg $0x9  }
0xb1: {  	_ =	task.clear_ibuf [dreg:s6], $0x5FFFF;
	_ =	strace $0x9000004F  }
0xb2: {  	s29 =	simm.s32 $0x9;
	_ =	strace $0x80000051  }
0xb3: {  	_ =	swait.ge [sflag:s29], $0x1  }
0xb4: {  	[sflag:s29] =	ssyncadd.s32 $0xFFFFFFFF  }
0xb5: {  	_ =	strace $0x90000051  }
0xb6: {  	_ =	sfence  }
0xb7: {  	s30 =	sld [smem:$0x0];
	_ =	sdelay $0x2  }
0xb8: {  	s31 =	sshll.u32 s1, $0xD;
	s1 =	sshrl.u32 s1, $0x2  }
0xb9: {  	s3 =	sand.u32 $0x4000, s31;
	s1 =	sadd.s32 s1, s30  }
0xba: {  	s0 =	sor.u32 s3, s0;
	s1 =	sshll.u32 s1, $0x11  }
0xbb: {  	s0 =	sor.u32 s1, s0  }
0xbc: {  	s0 =	sadd.s32 $0x8F2B, s0  }
0xbd: {  	[sflag:s0] =	ssyncadd.remote.s32 $0x1  }
0xbe: {  	_ =	sfence.sel $0xFFFF  }
0xbf: {  	[dreg:$0x0] =	wrdreg $0xFFFFFFFF;
	(pc) =	sbr.abs _section_cstart, $3  }
0xc0: {  	[dreg:$0x1] =	wrdreg $0xFFFFFFFF  }
0xc1: {  	_ =	task.clear_ibuf [dreg:s6], $0x2FFFF;
	_ =	strace $0x9FFFFFFF  }
0xc2: {  	(tm) =	ssettm $0x7FFFFFFF  }
0xc3: {  	_ =	shalt  }
tec
execute0_lowered:
.L_overlay_start_1:
0x0: {  	(tag) =	ssettag $0x1  }
0x1: {  	s0 =	rddreg [dreg:$0x0];
	s1 =	srdreg.scid  }
0x2: {  	s8 =	stileid.u32;
	s2 =	rddreg [dreg:$0x1];
	s3 =	simm.s32 $0x0  }
0x3: {  	s18 =	simm.s32 $0x5;
	s20 =	simm.s32 $0xE000;
	s21 =	simm.s32 $0x80  }
0x4: {  	s28 =	simm.s32 $0x9F00;
	s29 =	simm.s32 $0x2;
	s30 =	simm.s32 $0x9F80  }
0x5: {  	s31 =	simm.s32 $0x3;
	s19 =	simm.s32 $0x0;
	s1 =	sand.u32 $0x1, s1  }
0x6: {  	s4 =	sshll.u32 s8, $0x1;
	[smem:$0x7FF] =	sst s3;
	s11 =	smul.u32 $0xA000, s8  }
0x7: {  	s4 =	sor.u32 s1, s4;
	s6 =	ssub.s32 $0x2, s1;
	s1 =	smul.u32 $0xA0000, s1  }
0x8: {  	_ =	strace $0x80000050;
	s5 =	smul.u32 $0x9E0, s4;
	s4 =	sadd.s32 $0x14600, s0  }
0x9: {  	s7 =	sshrl.u32 s6, $0x1;
	s24 =	sadd.s32 $0x2000, s11;
	s14 =	sadd.s32 $0x4000, s11  }
0xa: {  	s15 =	sadd.s32 $0x6000, s11;
	s16 =	sadd.s32 $0x8000, s11;
	s6 =	ssub.s32 s6, s7  }
0xb: {  	s7 =	sadd.s32 s11, s2;
	s8 =	sadd.s32 s24, s2;
	s9 =	sadd.s32 s14, s2  }
0xc: {  	s10 =	sadd.s32 s15, s2;
	s12 =	sadd.s32 s11, s1;
	s11 =	sadd.s32 s16, s2  }
0xd: {  	s25 =	sadd.s32 s1, s14;
	s15 =	sadd.s32 s1, s15;
	s5 =	sadd.s32 s5, s0  }
0xe: {  	s0 =	sadd.s32 $0x3C800, s0;
	s12 =	sshrl.u32 s12, $0x3;
	s26 =	sshrl.u32 s15, $0x3  }
0xf: {  	s17 =	smax.u32 s6, $0x1;
	s23 =	sadd.s32 $0x28C00, s5;
	s5 =	sadd.s32 $0xA00, s5  }
0x10: {  	s12 =	sadd.s32 s0, s12;
	s15 =	sadd.s32 s0, s26;
	[dreg:$0x3] =	wrdreg s23  }
0x11: {  	s26 =	simm.s32 $0x1;
	[dreg:$0x4] =	wrdreg s5;
	s5 =	sadd.s32 s1, s24  }
0x12: {  	[dreg:$0x5] =	wrdreg s12;
	s1 =	sadd.s32 s1, s16;
	s23 =	simm.s32 $0xA000  }
0x13: {  	s24 =	simm.s32 $0x9E80;
	s5 =	sshrl.u32 s5, $0x3;
	s1 =	sshrl.u32 s1, $0x3  }
0x14: {  	s13 =	sadd.s32 s0, s5;
	s5 =	sshrl.u32 s25, $0x3;
	s16 =	sadd.s32 s0, s1  }
0x15: {  	v0 =	vimm.f32 $0.0e+00;
	s25 =	simm.s32 $0xC000;
	s1 =	simm.s32 $0x4;
	s14 =	sadd.s32 s0, s5  }
.LBB2_1:
0x16: {  	s0 =	rddreg [dreg:$0x3]  }
0x17: {  	[tilespmem:s3], [sflag:$0x5] =	stream.linear.gather [hbm4b:s0+s3], $0x4F00, $0x38;
	[tilespmem:$0x1A000] =	vst v63  }
0x18: {  	_ =	swait.ge [sflag:s18], $0x4F00  }
0x19: {  	[sflag:s18] =	ssyncset.done $0x0  }
0x1a: {  	s5 =	simm.s32 $0x4F00;
	s6 =	rddreg [dreg:$0x4];
	[sflag:s18] =	ssyncadd.s32 $0xFFFFB100  }
0x1b: {  	[tilespmem:s5], [sflag:$0x5] =	stream.linear.gather [hbm4b:s6+s3], $0x4F00, $0x38;
	[tilespmem:$0x1A000] =	vst v63  }
0x1c: {  	s12 =	sand.u32 $0x7F00, s3;
	s22 =	sand.u32 $0x30, s3;
	_ =	swait.ge [sflag:s18], $0x4F00  }
0x1d: {  	s0 =	simm.s32 $0x40;
	s6 =	sshrl.u32 s12, $0x2;
	[sflag:s18] =	ssyncset.done $0x0  }
0x1e: {  	s5 =	simm.s32 $0x0;
	s6 =	sor.u32 s22, s6;
	[sflag:s18] =	ssyncadd.s32 $0xFFFFB100  }
.LBB2_2:
0x1f: {  	p0 =	sne.s32 s0, $0x7FC0  }
0x20: {  	[tilespmem:s6+$0xE000] =	vst v0;
	s5 =	sadd.s32 $0x10, s5;
	s6 =	smov.u32 s0;
	s0 =	sadd.s32 $0x40, s0  }
.Ltmp0:
0x21: {  	(pc) =	sbr.rel @p0 .LBB2_2-.Ltmp0, $4  }
0x22: {  	_ = 	snop  }
0x23: {  	s6 =	sand.u32 $0x7F00, s6  }
0x24: {  	s22 =	sand.u32 $0x30, s5;
	s6 =	sshrl.u32 s6, $0x2  }
0x25: {  	s6 =	sor.u32 s22, s6  }
0x26: {  	[tilespmem:s6+$0xE000] =	vst v0  }
0x27: {  	[spmem:s7] =	stream.linear.scatter [tilespmem:s20], [sflag:$0x5], $0x2000, $0x38;
	[tilespmem:$0x1A000] =	vst v63  }
0x28: {  	_ =	swait.ge [sflag:s18], $0x2000  }
0x29: {  	[sflag:s18] =	ssyncset.done $0x0  }
0x2a: {  	[sflag:s18] =	ssyncadd.s32 $0xFFFFE000  }
0x2b: {  	[spmem:s8] =	stream.linear.scatter [tilespmem:s20], [sflag:$0x5], $0x2000, $0x38;
	[tilespmem:$0x1A000] =	vst v63  }
0x2c: {  	_ =	swait.ge [sflag:s18], $0x2000  }
0x2d: {  	[sflag:s18] =	ssyncset.done $0x0  }
0x2e: {  	[sflag:s18] =	ssyncadd.s32 $0xFFFFE000  }
0x2f: {  	[spmem:s9] =	stream.linear.scatter [tilespmem:s20], [sflag:$0x5], $0x2000, $0x38;
	[tilespmem:$0x1A000] =	vst v63  }
0x30: {  	_ =	swait.ge [sflag:s18], $0x2000  }
0x31: {  	[sflag:s18] =	ssyncset.done $0x0  }
0x32: {  	[sflag:s18] =	ssyncadd.s32 $0xFFFFE000  }
0x33: {  	[spmem:s10] =	stream.linear.scatter [tilespmem:s20], [sflag:$0x5], $0x2000, $0x38;
	[tilespmem:$0x1A000] =	vst v63  }
0x34: {  	_ =	swait.ge [sflag:s18], $0x2000  }
0x35: {  	[sflag:s18] =	ssyncset.done $0x0  }
0x36: {  	[sflag:s18] =	ssyncadd.s32 $0xFFFFE000  }
0x37: {  	[spmem:s11] =	stream.linear.scatter [tilespmem:s20], [sflag:$0x5], $0x2000, $0x38;
	[tilespmem:$0x1A000] =	vst v63  }
0x38: {  	_ =	swait.ge [sflag:s18], $0x2000  }
0x39: {  	[sflag:s18] =	ssyncset.done $0x0  }
0x3a: {  	[sflag:s18] =	ssyncadd.s32 $0xFFFFE000  }
0x3b: {  	[bflag:$0x0] =	sbarrier.arrive $0xFFFF  }
0x3c: {  	v1 =	vld [tilespmem:$0x0]  }
0x3d: {  	v2 =	vld [tilespmem:$0x4F00]  }
0x3e: {  	v3 =	vld [tilespmem:$0x10]  }
0x3f: {  	v4 =	vld [tilespmem:$0x4F10]  }
0x40: {  	v5 =	vld [tilespmem:$0x20]  }
0x41: {  	[tilespmem:$0x9E00] =	vst v1;
	v1 =	vld [tilespmem:$0x4F20]  }
0x42: {  	v60 =	vld [tilespmem:$0x40];
	[tilespmem:$0x9F00] =	vst v2  }
0x43: {  	v61 =	vld [tilespmem:$0x4F40];
	[tilespmem:$0x9E10] =	vst v3  }
0x44: {  	v2 =	vld [tilespmem:$0x30];
	[tilespmem:$0x9F10] =	vst v4  }
0x45: {  	v3 =	vld [tilespmem:$0x4F30];
	[tilespmem:$0x9E20] =	vst v5  }
0x46: {  	[tilespmem:$0x9F20] =	vst v1;
	v1 =	vld [tilespmem:$0x50]  }
0x47: {  	v62 =	vld [tilespmem:$0x4F60];
	[tilespmem:$0x9E40] =	vst v60  }
0x48: {  	v63 =	vld [tilespmem:$0x70];
	[tilespmem:$0x9F40] =	vst v61  }
0x49: {  	[tilespmem:$0x9E30] =	vst v2;
	v2 =	vld [tilespmem:$0x4F50]  }
0x4a: {  	[tilespmem:$0x9F30] =	vst v3;
	v3 =	vld [tilespmem:$0x60]  }
0x4b: {  	[tilespmem:$0x9E50] =	vst v1;
	v1 =	vld [tilespmem:$0x4F70]  }
0x4c: {  	[tilespmem:$0x9F60] =	vst v62  }
0x4d: {  	[tilespmem:$0x9E70] =	vst v63  }
0x4e: {  	[tilespmem:$0x9F50] =	vst v2  }
0x4f: {  	[tilespmem:$0x9E60] =	vst v3  }
0x50: {  	s0 =	simm.s32 $0x9E00;
	p0 =	por $0x1, $0x1;
	[tilespmem:$0x9F70] =	vst v1  }
0x51: {  	[tilespmem:s23], [sflag:$0x1] =	stream.indirect.gather [hbm4b:s4+s21], $0x40, s0, s21, $0xb8;
	[tilespmem:$0x1A000] =	vst v63  }
0x52: {  	s0 =	simm.s32 @!p0 $0x4  }
0x53: {  	_ =	swait.ge @!p0 [sflag:s0], $0x2000  }
0x54: {  	[sflag:s0] =	ssyncset.done @!p0 $0x0  }
0x55: {  	s5 =	simm.s32 $0x0;
	[sflag:s0] =	ssyncadd.s32 @!p0 $0xFFFFE000  }
0x56: {  	v1 =	vld [tilespmem:s5+$0x80];
	_ =	sdelay $0x4  }
0x57: {  	[tilespmem:$0x9E80] =	vst v1  }
0x58: {  	v1 =	vld [tilespmem:s5+$0x4F80];
	_ =	sdelay $0x4  }
0x59: {  	[tilespmem:$0x9F80] =	vst v1  }
0x5a: {  	v1 =	vld [tilespmem:s5+$0x90];
	_ =	sdelay $0x4  }
0x5b: {  	[tilespmem:$0x9E90] =	vst v1  }
0x5c: {  	v1 =	vld [tilespmem:s5+$0x4F90];
	_ =	sdelay $0x4  }
0x5d: {  	[tilespmem:$0x9F90] =	vst v1  }
0x5e: {  	v1 =	vld [tilespmem:s5+$0xA0];
	_ =	sdelay $0x4  }
0x5f: {  	[tilespmem:$0x9EA0] =	vst v1  }
0x60: {  	v1 =	vld [tilespmem:s5+$0x4FA0];
	_ =	sdelay $0x4  }
0x61: {  	[tilespmem:$0x9FA0] =	vst v1  }
0x62: {  	v1 =	vld [tilespmem:s5+$0xB0];
	_ =	sdelay $0x4  }
0x63: {  	[tilespmem:$0x9EB0] =	vst v1  }
0x64: {  	v1 =	vld [tilespmem:s5+$0x4FB0];
	_ =	sdelay $0x4  }
0x65: {  	[tilespmem:$0x9FB0] =	vst v1  }
0x66: {  	v1 =	vld [tilespmem:s5+$0xC0];
	_ =	sdelay $0x4  }
0x67: {  	[tilespmem:$0x9EC0] =	vst v1  }
0x68: {  	v1 =	vld [tilespmem:s5+$0x4FC0];
	_ =	sdelay $0x4  }
0x69: {  	[tilespmem:$0x9FC0] =	vst v1  }
0x6a: {  	v1 =	vld [tilespmem:s5+$0xD0];
	_ =	sdelay $0x4  }
0x6b: {  	[tilespmem:$0x9ED0] =	vst v1  }
0x6c: {  	v1 =	vld [tilespmem:s5+$0x4FD0];
	_ =	sdelay $0x4  }
0x6d: {  	[tilespmem:$0x9FD0] =	vst v1  }
0x6e: {  	v1 =	vld [tilespmem:s5+$0xE0];
	_ =	sdelay $0x4  }
0x6f: {  	[tilespmem:$0x9EE0] =	vst v1  }
0x70: {  	v1 =	vld [tilespmem:s5+$0x4FE0];
	_ =	sdelay $0x4  }
0x71: {  	[tilespmem:$0x9FE0] =	vst v1  }
0x72: {  	v1 =	vld [tilespmem:s5+$0xF0];
	_ =	sdelay $0x4  }
0x73: {  	[tilespmem:$0x9EF0] =	vst v1  }
0x74: {  	v1 =	vld [tilespmem:s5+$0x4FF0];
	_ =	sdelay $0x4  }
0x75: {  	[tilespmem:$0x9FF0] =	vst v1  }
0x76: {  	[tilespmem:s25], [sflag:$0x2] =	stream.indirect.gather [hbm4b:s4+s21], $0x40, s24, s21, $0xb8;
	[tilespmem:$0x1A000] =	vst v63  }
0x77: {  	_ =	swait.ge [sflag:s26], $0x2000  }
0x78: {  	p0 =	por $0x0, $0x0;
	[sflag:s26] =	ssyncset.done $0x0  }
0x79: {  	s0 =	simm.s32 @!p0 $0x3;
	[sflag:s26] =	ssyncadd.s32 $0xFFFFE000  }
0x7a: {  	[spmem:s2] =	stream.indirect.scatter.add.f32 [tilespmem:s23], [sflag:$0x3], $0x40, s28, s21, $0xb8;
	[tilespmem:$0x1A000] =	vst v63  }
0x7b: {  	_ =	swait.ge @!p0 [sflag:s0], $0x2000  }
0x7c: {  	[sflag:s0] =	ssyncset.done @!p0 $0x0  }
0x7d: {  	s5 =	simm.s32 @!p0 $0x0;
	[sflag:s0] =	ssyncadd.s32 @!p0 $0xFFFFE000  }
0x7e: {  	v1 =	vld @!p0 [tilespmem:s5+$0x100];
	_ =	sdelay $0x4  }
0x7f: {  	[tilespmem:$0x9E00] =	vst @!p0 v1  }
0x80: {  	v1 =	vld @!p0 [tilespmem:s5+$0x5000];
	_ =	sdelay $0x4  }
0x81: {  	[tilespmem:$0x9F00] =	vst @!p0 v1  }
0x82: {  	v1 =	vld @!p0 [tilespmem:s5+$0x110];
	_ =	sdelay $0x4  }
0x83: {  	[tilespmem:$0x9E10] =	vst @!p0 v1  }
0x84: {  	v1 =	vld @!p0 [tilespmem:s5+$0x5010];
	_ =	sdelay $0x4  }
0x85: {  	[tilespmem:$0x9F10] =	vst @!p0 v1  }
0x86: {  	v1 =	vld @!p0 [tilespmem:s5+$0x120];
	_ =	sdelay $0x4  }
0x87: {  	[tilespmem:$0x9E20] =	vst @!p0 v1  }
0x88: {  	v1 =	vld @!p0 [tilespmem:s5+$0x5020];
	_ =	sdelay $0x4  }
0x89: {  	[tilespmem:$0x9F20] =	vst @!p0 v1  }
0x8a: {  	v1 =	vld @!p0 [tilespmem:s5+$0x130];
	_ =	sdelay $0x4  }
0x8b: {  	[tilespmem:$0x9E30] =	vst @!p0 v1  }
0x8c: {  	v1 =	vld @!p0 [tilespmem:s5+$0x5030];
	_ =	sdelay $0x4  }
0x8d: {  	[tilespmem:$0x9F30] =	vst @!p0 v1  }
0x8e: {  	v1 =	vld @!p0 [tilespmem:s5+$0x140];
	_ =	sdelay $0x4  }
0x8f: {  	[tilespmem:$0x9E40] =	vst @!p0 v1  }
0x90: {  	v1 =	vld @!p0 [tilespmem:s5+$0x5040];
	_ =	sdelay $0x4  }
0x91: {  	[tilespmem:$0x9F40] =	vst @!p0 v1  }
0x92: {  	v1 =	vld @!p0 [tilespmem:s5+$0x150];
	_ =	sdelay $0x4  }
0x93: {  	[tilespmem:$0x9E50] =	vst @!p0 v1  }
0x94: {  	v1 =	vld @!p0 [tilespmem:s5+$0x5050];
	_ =	sdelay $0x4  }
0x95: {  	[tilespmem:$0x9F50] =	vst @!p0 v1  }
0x96: {  	v1 =	vld @!p0 [tilespmem:s5+$0x160];
	_ =	sdelay $0x4  }
0x97: {  	[tilespmem:$0x9E60] =	vst @!p0 v1  }
0x98: {  	v1 =	vld @!p0 [tilespmem:s5+$0x5060];
	_ =	sdelay $0x4  }
0x99: {  	[tilespmem:$0x9F60] =	vst @!p0 v1  }
0x9a: {  	v1 =	vld @!p0 [tilespmem:s5+$0x170];
	_ =	sdelay $0x4  }
0x9b: {  	[tilespmem:$0x9E70] =	vst @!p0 v1  }
0x9c: {  	v1 =	vld @!p0 [tilespmem:s5+$0x5070];
	_ =	sdelay $0x3  }
0x9d: {  	s22 =	simm.s32 $0x400  }
0x9e: {  	s6 =	simm.s32 @!p0 $0xA000;
	s0 =	simm.s32 @!p0 $0x80;
	s5 =	simm.s32 @!p0 $0x9E00;
	[tilespmem:$0x9F70] =	vst @!p0 v1  }
0x9f: {  	[tilespmem:s6], [sflag:$0x1] =	stream.indirect.gather @!p0 [hbm4b:s4+s0], $0x40, s5, s0, $0xb8;
	[tilespmem:$0x1A000] =	vst v63  }
0xa0: {  	p1 =	por $0x0, $0x0;
	s0 =	simm.s32 $0x800;
	_ =	swait.ge [sflag:s29], $0x2000  }
.LBB2_4:
0xa1: {  	s12 =	simm.s32 @!p1 $0x4  }
0xa2: {  	[sflag:s29] =	ssyncset.done $0x0;
	s5 =	smov.u32 s0;
	s0 =	sadd.s32 $0x400, s0  }
0xa3: {  	p0 =	sne.s32 s0, $0x13C00;
	[sflag:s29] =	ssyncadd.s32 $0xFFFFE000  }
0xa4: {  	[spmem:s2] =	stream.indirect.scatter.add.f32 [tilespmem:s25], [sflag:$0x4], $0x40, s30, s21, $0xb8;
	[tilespmem:$0x1A000] =	vst v63  }
0xa5: {  	_ =	swait.ge @!p1 [sflag:s12], $0x2000  }
0xa6: {  	s6 =	sshra.s32 s22, $0x2;
	[sflag:s12] =	ssyncset.done @!p1 $0x0  }
0xa7: {  	[sflag:s12] =	ssyncadd.s32 @!p1 $0xFFFFE000  }
0xa8: {  	v1 =	vld [tilespmem:s6+$0x80];
	_ =	sdelay $0x4  }
0xa9: {  	[tilespmem:$0x9E80] =	vst v1  }
0xaa: {  	v1 =	vld [tilespmem:s6+$0x4F80];
	_ =	sdelay $0x4  }
0xab: {  	[tilespmem:$0x9F80] =	vst v1  }
0xac: {  	v1 =	vld [tilespmem:s6+$0x90];
	_ =	sdelay $0x4  }
0xad: {  	[tilespmem:$0x9E90] =	vst v1  }
0xae: {  	v1 =	vld [tilespmem:s6+$0x4F90];
	_ =	sdelay $0x4  }
0xaf: {  	[tilespmem:$0x9F90] =	vst v1  }
0xb0: {  	v1 =	vld [tilespmem:s6+$0xA0];
	_ =	sdelay $0x4  }
0xb1: {  	[tilespmem:$0x9EA0] =	vst v1  }
0xb2: {  	v1 =	vld [tilespmem:s6+$0x4FA0];
	_ =	sdelay $0x4  }
0xb3: {  	[tilespmem:$0x9FA0] =	vst v1  }
0xb4: {  	v1 =	vld [tilespmem:s6+$0xB0];
	_ =	sdelay $0x4  }
0xb5: {  	[tilespmem:$0x9EB0] =	vst v1  }
0xb6: {  	v1 =	vld [tilespmem:s6+$0x4FB0];
	_ =	sdelay $0x4  }
0xb7: {  	[tilespmem:$0x9FB0] =	vst v1  }
0xb8: {  	v1 =	vld [tilespmem:s6+$0xC0];
	_ =	sdelay $0x4  }
0xb9: {  	[tilespmem:$0x9EC0] =	vst v1  }
0xba: {  	v1 =	vld [tilespmem:s6+$0x4FC0];
	_ =	sdelay $0x4  }
0xbb: {  	[tilespmem:$0x9FC0] =	vst v1  }
0xbc: {  	v1 =	vld [tilespmem:s6+$0xD0];
	_ =	sdelay $0x4  }
0xbd: {  	[tilespmem:$0x9ED0] =	vst v1  }
0xbe: {  	v1 =	vld [tilespmem:s6+$0x4FD0];
	_ =	sdelay $0x4  }
0xbf: {  	[tilespmem:$0x9FD0] =	vst v1  }
0xc0: {  	v1 =	vld [tilespmem:s6+$0xE0];
	_ =	sdelay $0x4  }
0xc1: {  	[tilespmem:$0x9EE0] =	vst v1  }
0xc2: {  	v1 =	vld [tilespmem:s6+$0x4FE0];
	_ =	sdelay $0x4  }
0xc3: {  	[tilespmem:$0x9FE0] =	vst v1  }
0xc4: {  	v1 =	vld [tilespmem:s6+$0xF0];
	_ =	sdelay $0x4  }
0xc5: {  	[tilespmem:$0x9EF0] =	vst v1  }
0xc6: {  	v1 =	vld [tilespmem:s6+$0x4FF0];
	_ =	sdelay $0x4  }
0xc7: {  	[tilespmem:$0x9FF0] =	vst v1  }
0xc8: {  	[tilespmem:s25], [sflag:$0x2] =	stream.indirect.gather [hbm4b:s4+s21], $0x40, s24, s21, $0xb8;
	[tilespmem:$0x1A000] =	vst v63  }
0xc9: {  	_ =	swait.ge [sflag:s26], $0x2000  }
0xca: {  	p1 =	seq.s32 s22, $0x13800;
	[sflag:s26] =	ssyncset.done $0x0  }
0xcb: {  	s12 =	simm.s32 @!p1 $0x3;
	[sflag:s26] =	ssyncadd.s32 $0xFFFFE000  }
0xcc: {  	[spmem:s2] =	stream.indirect.scatter.add.f32 [tilespmem:s23], [sflag:$0x3], $0x40, s28, s21, $0xb8;
	[tilespmem:$0x1A000] =	vst v63  }
0xcd: {  	_ =	swait.ge @!p1 [sflag:s12], $0x2000  }
0xce: {  	s6 =	sshra.s32 @!p1 s22, $0x2;
	s22 =	smov.u32 s5;
	[sflag:s12] =	ssyncset.done @!p1 $0x0  }
0xcf: {  	[sflag:s12] =	ssyncadd.s32 @!p1 $0xFFFFE000  }
0xd0: {  	v1 =	vld @!p1 [tilespmem:s6+$0x100];
	_ =	sdelay $0x4  }
0xd1: {  	[tilespmem:$0x9E00] =	vst @!p1 v1  }
0xd2: {  	v1 =	vld @!p1 [tilespmem:s6+$0x5000];
	_ =	sdelay $0x4  }
0xd3: {  	[tilespmem:$0x9F00] =	vst @!p1 v1  }
0xd4: {  	v1 =	vld @!p1 [tilespmem:s6+$0x110];
	_ =	sdelay $0x4  }
0xd5: {  	[tilespmem:$0x9E10] =	vst @!p1 v1  }
0xd6: {  	v1 =	vld @!p1 [tilespmem:s6+$0x5010];
	_ =	sdelay $0x4  }
0xd7: {  	[tilespmem:$0x9F10] =	vst @!p1 v1  }
0xd8: {  	v1 =	vld @!p1 [tilespmem:s6+$0x120];
	_ =	sdelay $0x4  }
0xd9: {  	[tilespmem:$0x9E20] =	vst @!p1 v1  }
0xda: {  	v1 =	vld @!p1 [tilespmem:s6+$0x5020];
	_ =	sdelay $0x4  }
0xdb: {  	[tilespmem:$0x9F20] =	vst @!p1 v1  }
0xdc: {  	v1 =	vld @!p1 [tilespmem:s6+$0x130];
	_ =	sdelay $0x4  }
0xdd: {  	[tilespmem:$0x9E30] =	vst @!p1 v1  }
0xde: {  	v1 =	vld @!p1 [tilespmem:s6+$0x5030];
	_ =	sdelay $0x4  }
0xdf: {  	[tilespmem:$0x9F30] =	vst @!p1 v1  }
0xe0: {  	v1 =	vld @!p1 [tilespmem:s6+$0x140];
	_ =	sdelay $0x4  }
0xe1: {  	[tilespmem:$0x9E40] =	vst @!p1 v1  }
0xe2: {  	v1 =	vld @!p1 [tilespmem:s6+$0x5040];
	_ =	sdelay $0x4  }
0xe3: {  	[tilespmem:$0x9F40] =	vst @!p1 v1  }
0xe4: {  	v1 =	vld @!p1 [tilespmem:s6+$0x150];
	_ =	sdelay $0x4  }
0xe5: {  	[tilespmem:$0x9E50] =	vst @!p1 v1  }
0xe6: {  	v1 =	vld @!p1 [tilespmem:s6+$0x5050];
	_ =	sdelay $0x4  }
0xe7: {  	[tilespmem:$0x9F50] =	vst @!p1 v1  }
0xe8: {  	v1 =	vld @!p1 [tilespmem:s6+$0x160];
	_ =	sdelay $0x4  }
0xe9: {  	[tilespmem:$0x9E60] =	vst @!p1 v1  }
0xea: {  	v1 =	vld @!p1 [tilespmem:s6+$0x5060];
	_ =	sdelay $0x4  }
0xeb: {  	[tilespmem:$0x9F60] =	vst @!p1 v1  }
0xec: {  	v1 =	vld @!p1 [tilespmem:s6+$0x170];
	_ =	sdelay $0x4  }
0xed: {  	[tilespmem:$0x9E70] =	vst @!p1 v1  }
0xee: {  	v1 =	vld @!p1 [tilespmem:s6+$0x5070];
	_ =	sdelay $0x2  }
.Ltmp1:
0xef: {  	(pc) =	sbr.rel @p0 .LBB2_4-.Ltmp1, $4  }
0xf0: {  	s5 =	simm.s32 @!p1 $0x80;
	s12 =	simm.s32 @!p1 $0xA000;
	s6 =	simm.s32 @!p1 $0x9E00  }
0xf1: {  	[tilespmem:$0x9F70] =	vst @!p1 v1  }
0xf2: {  	[tilespmem:s12], [sflag:$0x1] =	stream.indirect.gather @!p1 [hbm4b:s4+s5], $0x40, s6, s5, $0xb8;
	[tilespmem:$0x1A000] =	vst v63  }
0xf3: {  	p1 =	seq.s32 s22, $0x0;
	_ =	swait.ge [sflag:s29], $0x2000  }
0xf4: {  	[sflag:s29] =	ssyncset.done $0x0  }
0xf5: {  	s0 =	simm.s32 @!p1 $0x4;
	[sflag:s29] =	ssyncadd.s32 $0xFFFFE000  }
0xf6: {  	[spmem:s2] =	stream.indirect.scatter.add.f32 [tilespmem:s25], [sflag:$0x4], $0x40, s30, s21, $0xb8;
	[tilespmem:$0x1A000] =	vst v63  }
0xf7: {  	_ =	swait.ge @!p1 [sflag:s0], $0x2000  }
0xf8: {  	[sflag:s0] =	ssyncset.done @!p1 $0x0  }
0xf9: {  	s5 =	sshra.s32 s22, $0x2;
	[sflag:s0] =	ssyncadd.s32 @!p1 $0xFFFFE000  }
0xfa: {  	v1 =	vld [tilespmem:s5+$0x80];
	_ =	sdelay $0x4  }
0xfb: {  	[tilespmem:$0x9E80] =	vst v1  }
0xfc: {  	v1 =	vld [tilespmem:s5+$0x4F80];
	_ =	sdelay $0x4  }
0xfd: {  	[tilespmem:$0x9F80] =	vst v1  }
0xfe: {  	v1 =	vld [tilespmem:s5+$0x90];
	_ =	sdelay $0x4  }
0xff: {  	[tilespmem:$0x9E90] =	vst v1  }
0x100: {  	v1 =	vld [tilespmem:s5+$0x4F90];
	_ =	sdelay $0x4  }
0x101: {  	[tilespmem:$0x9F90] =	vst v1  }
0x102: {  	v1 =	vld [tilespmem:s5+$0xA0];
	_ =	sdelay $0x4  }
0x103: {  	[tilespmem:$0x9EA0] =	vst v1  }
0x104: {  	v1 =	vld [tilespmem:s5+$0x4FA0];
	_ =	sdelay $0x4  }
0x105: {  	[tilespmem:$0x9FA0] =	vst v1  }
0x106: {  	v1 =	vld [tilespmem:s5+$0xB0];
	_ =	sdelay $0x4  }
0x107: {  	[tilespmem:$0x9EB0] =	vst v1  }
0x108: {  	v1 =	vld [tilespmem:s5+$0x4FB0];
	_ =	sdelay $0x4  }
0x109: {  	[tilespmem:$0x9FB0] =	vst v1  }
0x10a: {  	v1 =	vld [tilespmem:s5+$0xC0];
	_ =	sdelay $0x4  }
0x10b: {  	[tilespmem:$0x9EC0] =	vst v1  }
0x10c: {  	v1 =	vld [tilespmem:s5+$0x4FC0];
	_ =	sdelay $0x4  }
0x10d: {  	[tilespmem:$0x9FC0] =	vst v1  }
0x10e: {  	v1 =	vld [tilespmem:s5+$0xD0];
	_ =	sdelay $0x4  }
0x10f: {  	[tilespmem:$0x9ED0] =	vst v1  }
0x110: {  	v1 =	vld [tilespmem:s5+$0x4FD0];
	_ =	sdelay $0x4  }
0x111: {  	[tilespmem:$0x9FD0] =	vst v1  }
0x112: {  	v1 =	vld [tilespmem:s5+$0xE0];
	_ =	sdelay $0x4  }
0x113: {  	[tilespmem:$0x9EE0] =	vst v1  }
0x114: {  	v1 =	vld [tilespmem:s5+$0x4FE0];
	_ =	sdelay $0x4  }
0x115: {  	[tilespmem:$0x9FE0] =	vst v1  }
0x116: {  	v1 =	vld [tilespmem:s5+$0xF0];
	_ =	sdelay $0x4  }
0x117: {  	[tilespmem:$0x9EF0] =	vst v1  }
0x118: {  	v1 =	vld [tilespmem:s5+$0x4FF0];
	_ =	sdelay $0x4  }
0x119: {  	[tilespmem:$0x9FF0] =	vst v1  }
0x11a: {  	[tilespmem:s25], [sflag:$0x2] =	stream.indirect.gather [hbm4b:s4+s21], $0x40, s24, s21, $0xb8;
	[tilespmem:$0x1A000] =	vst v63  }
0x11b: {  	_ =	swait.ge [sflag:s26], $0x2000  }
0x11c: {  	p0 =	seq.s32 s22, $0x13800;
	[sflag:s26] =	ssyncset.done $0x0  }
0x11d: {  	s0 =	simm.s32 @!p0 $0x3;
	[sflag:s26] =	ssyncadd.s32 $0xFFFFE000  }
0x11e: {  	[spmem:s2] =	stream.indirect.scatter.add.f32 [tilespmem:s23], [sflag:$0x3], $0x40, s28, s21, $0xb8;
	[tilespmem:$0x1A000] =	vst v63  }
0x11f: {  	_ =	swait.ge @!p0 [sflag:s0], $0x2000  }
0x120: {  	[sflag:s0] =	ssyncset.done @!p0 $0x0  }
0x121: {  	s5 =	sshra.s32 @!p0 s22, $0x2;
	[sflag:s0] =	ssyncadd.s32 @!p0 $0xFFFFE000  }
0x122: {  	v1 =	vld @!p0 [tilespmem:s5+$0x100];
	_ =	sdelay $0x4  }
0x123: {  	[tilespmem:$0x9E00] =	vst @!p0 v1  }
0x124: {  	v1 =	vld @!p0 [tilespmem:s5+$0x5000];
	_ =	sdelay $0x4  }
0x125: {  	[tilespmem:$0x9F00] =	vst @!p0 v1  }
0x126: {  	v1 =	vld @!p0 [tilespmem:s5+$0x110];
	_ =	sdelay $0x4  }
0x127: {  	[tilespmem:$0x9E10] =	vst @!p0 v1  }
0x128: {  	v1 =	vld @!p0 [tilespmem:s5+$0x5010];
	_ =	sdelay $0x4  }
0x129: {  	[tilespmem:$0x9F10] =	vst @!p0 v1  }
0x12a: {  	v1 =	vld @!p0 [tilespmem:s5+$0x120];
	_ =	sdelay $0x4  }
0x12b: {  	[tilespmem:$0x9E20] =	vst @!p0 v1  }
0x12c: {  	v1 =	vld @!p0 [tilespmem:s5+$0x5020];
	_ =	sdelay $0x4  }
0x12d: {  	[tilespmem:$0x9F20] =	vst @!p0 v1  }
0x12e: {  	v1 =	vld @!p0 [tilespmem:s5+$0x130];
	_ =	sdelay $0x4  }
0x12f: {  	[tilespmem:$0x9E30] =	vst @!p0 v1  }
0x130: {  	v1 =	vld @!p0 [tilespmem:s5+$0x5030];
	_ =	sdelay $0x4  }
0x131: {  	[tilespmem:$0x9F30] =	vst @!p0 v1  }
0x132: {  	v1 =	vld @!p0 [tilespmem:s5+$0x140];
	_ =	sdelay $0x4  }
0x133: {  	[tilespmem:$0x9E40] =	vst @!p0 v1  }
0x134: {  	v1 =	vld @!p0 [tilespmem:s5+$0x5040];
	_ =	sdelay $0x4  }
0x135: {  	[tilespmem:$0x9F40] =	vst @!p0 v1  }
0x136: {  	v1 =	vld @!p0 [tilespmem:s5+$0x150];
	_ =	sdelay $0x4  }
0x137: {  	[tilespmem:$0x9E50] =	vst @!p0 v1  }
0x138: {  	v1 =	vld @!p0 [tilespmem:s5+$0x5050];
	_ =	sdelay $0x4  }
0x139: {  	[tilespmem:$0x9F50] =	vst @!p0 v1  }
0x13a: {  	v1 =	vld @!p0 [tilespmem:s5+$0x160];
	_ =	sdelay $0x4  }
0x13b: {  	[tilespmem:$0x9E60] =	vst @!p0 v1  }
0x13c: {  	v1 =	vld @!p0 [tilespmem:s5+$0x5060];
	_ =	sdelay $0x4  }
0x13d: {  	[tilespmem:$0x9F60] =	vst @!p0 v1  }
0x13e: {  	v1 =	vld @!p0 [tilespmem:s5+$0x170];
	_ =	sdelay $0x4  }
0x13f: {  	[tilespmem:$0x9E70] =	vst @!p0 v1  }
0x140: {  	v1 =	vld @!p0 [tilespmem:s5+$0x5070];
	_ =	sdelay $0x4  }
0x141: {  	s6 =	simm.s32 @!p0 $0xA000;
	s0 =	simm.s32 @!p0 $0x80;
	s5 =	simm.s32 @!p0 $0x9E00;
	[tilespmem:$0x9F70] =	vst @!p0 v1  }
0x142: {  	[tilespmem:s6], [sflag:$0x1] =	stream.indirect.gather @!p0 [hbm4b:s4+s0], $0x40, s5, s0, $0xb8;
	[tilespmem:$0x1A000] =	vst v63  }
0x143: {  	_ =	swait.ge [sflag:s29], $0x2000  }
0x144: {  	[sflag:s29] =	ssyncset.done $0x0  }
0x145: {  	[sflag:s29] =	ssyncadd.s32 $0xFFFFE000  }
0x146: {  	[spmem:s2] =	stream.indirect.scatter.add.f32 [tilespmem:s25], [sflag:$0x4], $0x40, s30, s21, $0xb8;
	[tilespmem:$0x1A000] =	vst v63  }
0x147: {  	_ =	swait.ge [sflag:s31], $0x2000  }
0x148: {  	[sflag:s31] =	ssyncset.done $0x0  }
0x149: {  	[sflag:s31] =	ssyncadd.s32 $0xFFFFE000  }
0x14a: {  	_ =	swait.ge [sflag:s1], $0x2000  }
0x14b: {  	[sflag:s1] =	ssyncset.done $0x0  }
0x14c: {  	s5 =	stileid.u32;
	[sflag:s1] =	ssyncadd.s32 $0xFFFFE000  }
0x14d: {  	s0 =	sshll.u32 s5, $0x6;
	[bflag:$0x0] =	sbarrier.arrive $0xFFFF  }
0x14e: {  	s6 =	sshrl.u32 s7, $0x3;
	s0 =	sor.u32 $0x1C05, s0;
	s12 =	rddreg [dreg:$0x5]  }
0x14f: {  	[hbm:s12], [sflag:s0] =	dma.local [spmem:s6], $0x400  }
0x150: {  	_ =	swait.ge [sflag:s18], $0x400  }
0x151: {  	[sflag:s18] =	ssyncset.done $0x0  }
0x152: {  	s22 =	sshrl.u32 s8, $0x3;
	[sflag:s18] =	ssyncadd.s32 $0xFFFFFC00  }
0x153: {  	[hbm:s13], [sflag:s0] =	dma.local [spmem:s22], $0x400  }
0x154: {  	_ =	swait.ge [sflag:s18], $0x400  }
0x155: {  	[sflag:s18] =	ssyncset.done $0x0  }
0x156: {  	s6 =	sshrl.u32 s9, $0x3;
	[sflag:s18] =	ssyncadd.s32 $0xFFFFFC00  }
0x157: {  	[hbm:s14], [sflag:s0] =	dma.local [spmem:s6], $0x400  }
0x158: {  	_ =	swait.ge [sflag:s18], $0x400  }
0x159: {  	[sflag:s18] =	ssyncset.done $0x0  }
0x15a: {  	s12 =	sshrl.u32 s10, $0x3;
	[sflag:s18] =	ssyncadd.s32 $0xFFFFFC00  }
0x15b: {  	[hbm:s15], [sflag:s0] =	dma.local [spmem:s12], $0x400  }
0x15c: {  	s19 =	sadd.s32 $0x1, s19;
	_ =	swait.ge [sflag:s18], $0x400  }
0x15d: {  	p0 =	sne.s32 s19, s17;
	[sflag:s18] =	ssyncset.done $0x0  }
.Ltmp2:
0x15e: {  	s22 =	sshrl.u32 s11, $0x3;
	[sflag:s18] =	ssyncadd.s32 $0xFFFFFC00;
	(pc) =	sbr.rel @p0 .LBB2_1-.Ltmp2, $4  }
0x15f: {  	[hbm:s16], [sflag:s0] =	dma.local [spmem:s22], $0x400  }
0x160: {  	_ =	swait.ge [sflag:s18], $0x400  }
0x161: {  	[sflag:s18] =	ssyncset.done $0x0  }
0x162: {  	[sflag:s18] =	ssyncadd.s32 $0xFFFFFC00  }
0x163: {  	_ =	sfence.sel $0x180000  }
0x164: {  	[bflag:$0x0] =	sbarrier.arrive $0xFFFF  }
0x165: {  	_ =	strace $0x90000050  }
0x166: {  	s0 =	stileid.u32;
	[bflag:$0x2] =	sbarrier.arrive $0xFFFF  }
0x167: {  	p0 =	sne.s32 s0, $0x0;
	s0 =	rddreg [dreg:$0x2]  }
0x168: {  	s0 =	sadd.s32 @!p0 $0x100000, s0  }
0x169: {  	[sflag:s0] =	ssyncadd.tile.s32 @!p0 $0x1;
	_ =	shalt  }
.Lfunc_end2:
_tile_overlayer_lowered:
.L_overlay_start_2:
0x16a: {  	(tag) =	ssettag $0x2  }
0x16b: {  	s0 =	rddreg [dreg:$0x0];
	s2 =	stileid.u32  }
0x16c: {  	s1 =	rddreg [dreg:$0x1];
	p0 =	sne.s32 s2, $0x0  }
0x16d: {  	s3 =	rddreg [dreg:$0x2];
	[bflag:$0x3] =	sbarrier.arrive $0xFFFF;
	s2 =	simm.s32 @!p0 $0x1C05  }
0x16e: {  	[timem:s3], [sflag:s2] =	dma.local @!p0 [hbm:s0], s1  }
0x16f: {  	s0 =	simm.s32 @!p0 $0x5  }
0x170: {  	_ =	swait.ge @!p0 [sflag:s0], s1  }
0x171: {  	s1 =	ssub.s32 @!p0 $0x0, s1;
	[sflag:s0] =	ssyncset.done @!p0 $0x0  }
0x172: {  	[sflag:s0] =	ssyncadd.s32 @!p0 s1  }
0x173: {  	[bflag:$0x3] =	sbarrier.arrive $0xFFFF  }
0x174: {  	_ =	shalt  }

// kernel: kernel.7.cloned.1.call-start
scs
__scs_entry_jumppad:
0x0: {  	(pc) =	sbr.rel $0x88, $3  }
0x1: {  	(tag) =	ssettag $0x0;
	lr =	simm.s32 $0x1  }
0x2: {  	[smem:$0x3F94] =	sst lr;
	_ =	strace $0xD0000000  }
0x3: {  	_ = 	snop  }
0x4: {  	_ = 	snop  }
0x5: {  	_ = 	snop  }
0x6: {  	_ = 	snop  }
0x7: {  	_ = 	snop  }
__scs_overlays_trampoline_lowered:
0x8: {  	[smem:$0x3FA3] =	sst s0  }
0x9: {  	[smem:$0x3FA4] =	sst s1  }
0xa: {  	[smem:$0x3FA5] =	sst s2  }
0xb: {  	[smem:$0x3FA6] =	sst s3  }
0xc: {  	[smem:$0x3FA7] =	sst s4  }
0xd: {  	[smem:$0x3FA8] =	sst s5  }
0xe: {  	[smem:$0x3FA9] =	sst s6  }
0xf: {  	[smem:$0x3FAA] =	sst s7  }
0x10: {  	[smem:$0x3FAB] =	sst s8  }
0x11: {  	[smem:$0x3FAC] =	sst s9;
	s0 =	simm.s32 @!p0 $0x0  }
0x12: {  	s1 =	sld [smem:$0x3F92];
	s0 =	simm.s32 @p0 $0x1  }
0x13: {  	[smem:$0x3FAD] =	sst s0;
	s0 =	simm.s32 @!p1 $0x0  }
0x14: {  	s2 =	sld [smem:$0x3F91];
	s0 =	simm.s32 @p1 $0x1  }
0x15: {  	[smem:$0x3FAE] =	sst s0;
	s0 =	simm.s32 @!p2 $0x0  }
0x16: {  	s3 =	sld [smem:$0x3FDB];
	s0 =	simm.s32 @p2 $0x1  }
0x17: {  	s4 =	simm.s32 $0x1BF5;
	[smem:$0x3FB0] =	sst s0  }
0x18: {  	s0 =	sld [smem:$0x3F93];
	_ =	swait.ge [sflag:s4], $0x0  }
0x19: {  	s7 =	sld [smem:$0x3F94]  }
0x1a: {  	s8 =	sadd.s32 $0xFFFFE003, lr  }
0x1b: {  	s9 =	sadd.s32 $0xFFFFFEF7, lr;
	s5 =	simm.s32 $0xFFFFFFFF;
	p2 =	slt.u32 s8, $0xFFFFF086  }
0x1c: {  	p1 =	slt.u32 s9, $0xF7A;
	s5 =	simm.s32 @!p2 $0x0  }
0x1d: {  	s5 =	simm.s32 @p1 $0x1;
	p0 =	seq.s32 s7, s2  }
0x1e: {  	s7 =	smul.u32 @!p0 $0xF7A, s2;
	p2 =	seq.s32 @!p0 s5, $0x0  }
0x1f: {  	s9 =	smul.u32 $0xF7A, s1;
	s8 =	simm.s32 @!p0 $0x1BF5;
	p2 =	por !p2, p0  }
0x20: {  	[sflag:s8] =	ssyncset.s32 @!p0 $0xFFFFF086;
	s6 =	sadd.s32 @!p0 s3, s7;
	s7 =	simm.s32 @!p0 $0x108  }
0x21: {  	s3 =	sadd.s32 s3, s9;
	s6 =	sadd.s32 @!p0 $0x88, s6;
	s7 =	simm.s32 @p2 $0x1082  }
0x22: {  	[simem:s7], [sflag:s8] =	dma.local @!p0 [hbm:s6], $0xF7A  }
0x23: {  	s9 =	sor.u32 $0xD0000000, s2;
	s6 =	simm.s32 $0x108;
	_ =	swait.ge @!p0 [sflag:s8], $0x0  }
0x24: {  	s3 =	sadd.s32 $0x88, s3;
	s6 =	simm.s32 @!p1 $0x1082;
	[sflag:s4] =	ssyncset.s32 $0xFFFFF086  }
0x25: {  	[simem:s6], [sflag:s4] =	dma.local [hbm:s3], $0xF7A  }
0x26: {  	[smem:$0x3F94] =	sst s1;
	(tag) =	ssettag s2;
	_ =	strace s9  }
0x27: {  	s1 =	sld [smem:$0x3FA4]  }
0x28: {  	s2 =	sld [smem:$0x3FA5]  }
0x29: {  	s4 =	sld [smem:$0x3FA7]  }
0x2a: {  	p0 =	seq.s32 s5, $0x0;
	s5 =	sld [smem:$0x3FA8]  }
0x2b: {  	s6 =	sld [smem:$0x3FA9]  }
0x2c: {  	s7 =	sld [smem:$0x3FAA]  }
0x2d: {  	s3 =	simm.s32 $0x108;
	s8 =	sld [smem:$0x3FAB]  }
0x2e: {  	s3 =	simm.s32 @!p0 $0x1082;
	s9 =	sld [smem:$0x3FAC]  }
0x2f: {  	lr =	sadd.s32 s0, s3;
	s0 =	sld [smem:$0x3FA3]  }
0x30: {  	s3 =	sld [smem:$0x3FA6]  }
0x31: {  	[smem:$0x3FAF] =	sst s10  }
0x32: {  	s10 =	sld [smem:$0x3FAD];
	_ =	sdelay $0x3  }
0x33: {  	p0 =	seq.s32 s10, $0x1;
	s10 =	sld [smem:$0x3FAF];
	_ =	sdelay $0x3  }
0x34: {  	[smem:$0x3FAF] =	sst s10  }
0x35: {  	s10 =	sld [smem:$0x3FAE];
	_ =	sdelay $0x3  }
0x36: {  	p1 =	seq.s32 s10, $0x1;
	s10 =	sld [smem:$0x3FAF];
	_ =	sdelay $0x3  }
0x37: {  	[smem:$0x3FAF] =	sst s10  }
0x38: {  	s10 =	sld [smem:$0x3FB0]  }
0x39: {  	_ = 	snop;
	(pc) =	sbr.ind lr, $3  }
0x3a: {  	_ = 	snop  }
0x3b: {  	_ = 	snop  }
0x3c: {  	p2 =	seq.s32 s10, $0x1;
	s10 =	sld [smem:$0x3FAF]  }
0x3d: {  	_ =	shalt  }
0x3e: {  	_ =	shalt  }
0x3f: {  	_ =	shalt  }
0x40: {  	_ =	shalt  }
0x41: {  	_ =	shalt  }
0x42: {  	_ =	shalt  }
0x43: {  	_ =	shalt  }
0x44: {  	_ =	shalt  }
0x45: {  	_ =	shalt  }
0x46: {  	_ =	shalt  }
0x47: {  	_ =	shalt  }
0x48: {  	_ =	shalt  }
0x49: {  	_ =	shalt  }
0x4a: {  	_ =	shalt  }
0x4b: {  	_ =	shalt  }
0x4c: {  	_ =	shalt  }
0x4d: {  	_ =	shalt  }
0x4e: {  	_ =	shalt  }
0x4f: {  	_ =	shalt  }
0x50: {  	_ =	shalt  }
0x51: {  	_ =	shalt  }
0x52: {  	_ =	shalt  }
0x53: {  	_ =	shalt  }
0x54: {  	_ =	shalt  }
0x55: {  	_ =	shalt  }
0x56: {  	_ =	shalt  }
0x57: {  	_ =	shalt  }
0x58: {  	_ =	shalt  }
0x59: {  	_ =	shalt  }
0x5a: {  	_ =	shalt  }
0x5b: {  	_ =	shalt  }
0x5c: {  	_ =	shalt  }
0x5d: {  	_ =	shalt  }
0x5e: {  	_ =	shalt  }
0x5f: {  	_ =	shalt  }
0x60: {  	_ =	shalt  }
0x61: {  	_ =	shalt  }
0x62: {  	_ =	shalt  }
0x63: {  	_ =	shalt  }
0x64: {  	_ =	shalt  }
0x65: {  	_ =	shalt  }
0x66: {  	_ =	shalt  }
0x67: {  	_ =	shalt  }
0x68: {  	_ =	shalt  }
0x69: {  	_ =	shalt  }
0x6a: {  	_ =	shalt  }
0x6b: {  	_ =	shalt  }
0x6c: {  	_ =	shalt  }
0x6d: {  	_ =	shalt  }
0x6e: {  	_ =	shalt  }
0x6f: {  	_ =	shalt  }
0x70: {  	_ =	shalt  }
0x71: {  	_ =	shalt  }
0x72: {  	_ =	shalt  }
0x73: {  	_ =	shalt  }
0x74: {  	_ =	shalt  }
0x75: {  	_ =	shalt  }
0x76: {  	_ =	shalt  }
0x77: {  	_ =	shalt  }
0x78: {  	_ =	shalt  }
0x79: {  	_ =	shalt  }
0x7a: {  	_ =	shalt  }
0x7b: {  	_ =	shalt  }
0x7c: {  	_ =	shalt  }
0x7d: {  	_ =	shalt  }
0x7e: {  	_ =	shalt  }
0x7f: {  	_ =	shalt  }
0x80: {  	_ =	shalt  }
0x81: {  	_ =	shalt  }
0x82: {  	_ =	shalt  }
0x83: {  	_ =	shalt  }
0x84: {  	_ =	shalt  }
0x85: {  	_ =	shalt  }
0x86: {  	_ =	shalt  }
0x87: {  	_ =	shalt  }
.Lfunc_end0:
.L_simem_size_0:
called_computation.2_lowered:
.L_overlay_start_0:
0x88: {  	s2 =	sld [smem:$0x3FD9]  }
0x89: {  	s3 =	sld [smem:$0x3FFE];
	_ =	sdelay $0x1  }
0x8a: {  	s1 =	srdreg.scid  }
0x8b: {  	s0 =	sand.u32 $0x1, s1  }
0x8c: {  	s16 =	sshll.u32 s0, $0xA;
	s2 =	sadd.s32 s3, s2  }
0x8d: {  	s2 =	sadd.s32 s2, s16  }
0x8e: {  	[smem:$0x3FBB] =	sst s2  }
0x8f: {  	_ = 	snop  }
0x90: {  	(tm) =	ssettm $0x1  }
0x91: {  	s17 =	sld [smem:$0x3FFB];
	_ =	sdelay $0x3  }
0x92: {  	_ =	strace s17  }
0x93: {  	s2 =	sld [smem:$0x3FFC];
	_ =	sdelay $0x3  }
0x94: {  	_ =	strace s2  }
0x95: {  	s2 =	sld [smem:$0x3FFD];
	_ =	sdelay $0x3  }
0x96: {  	_ =	strace s2  }
0x97: {  	_ =	strace $0x8FFFFFFF  }
0x98: {  	s18 =	sld [smem:$0x3FDB];
	_ =	sdelay $0x1  }
0x99: {  	s19 =	simm.s32 $_scs_section_size  }
0x9a: {  	s4 =	simm.s32 $_size__tile_overlayer_lowered;
	s5 =	simm.s32 $_tile_overlayer_lowered  }
0x9b: {  	s22 =	simm.s32 $0x1BFF;
	s21 =	sshll.u32 s5, $0x1;
	s2 =	sadd.s32 s19, s18  }
0x9c: {  	s6 =	simm.s32 $0x0;
	s20 =	sshll.u32 s4, $0x1;
	s4 =	sadd.s32 s21, s2  }
0x9d: {  	[timem:s6], [sflag:s22] =	dma.local [hbm:s4], s20  }
0x9e: {  	_ =	swait.ge [sflag:s22], s20  }
0x9f: {  	s3 =	ssub.s32 $0x0, s20;
	[sflag:s22] =	ssyncset.done $0x0  }
0xa0: {  	[sflag:s22] =	ssyncadd.s32 s3;
	_ =	sdelay $0x1  }
0xa1: {  	s23 =	simm.s32 $0x1B8B  }
0xa2: {  	_ =	swait.ge [sflag:s23], $0x1  }
0xa3: {  	[sflag:s23] =	ssyncset.done $0x0  }
0xa4: {  	s25 =	simm.s32 $0x1B8E;
	s24 =	sld [smem:$0x3FFE];
	[sflag:s23] =	ssyncadd.s32 $0xFFFFFFFF  }
0xa5: {  	s26 =	simm.s32 $execute0_lowered;
	[smem:$0x3FD2] =	sst s25  }
0xa6: {  	s4 =	sshll.u32 s26, $0x1;
	_ =	strace $0x8000004C;
	[dreg:$0x1] =	wrdreg $0xFFFFFFFF  }
0xa7: {  	s28 =	simm.s32 $_size_execute0_lowered;
	s2 =	sadd.s32 s2, s4;
	[dreg:$0x0] =	wrdreg $0x0  }
0xa8: {  	s4 =	sshll.u32 s28, $0x1;
	[dreg:$0x2] =	wrdreg s2  }
0xa9: {  	[dreg:$0x3] =	wrdreg s4  }
0xaa: {  	[dreg:$0x4] =	wrdreg $0xC0  }
0xab: {  	_ =	task [dreg:s6], $0x5FFFF  }
0xac: {  	[dreg:$0x1] =	wrdreg $0xFFFFFFFF  }
0xad: {  	[dreg:$0x0] =	wrdreg $0x60  }
0xae: {  	[dreg:$0x2] =	wrdreg s24  }
0xaf: {  	[dreg:$0x3] =	wrdreg $0x100000  }
0xb0: {  	[dreg:$0x4] =	wrdreg $0x9  }
0xb1: {  	_ =	task.clear_ibuf [dreg:s6], $0x5FFFF;
	_ =	strace $0x9000004C  }
0xb2: {  	s29 =	simm.s32 $0x9;
	_ =	strace $0x8000004E  }
0xb3: {  	_ =	swait.ge [sflag:s29], $0x1  }
0xb4: {  	[sflag:s29] =	ssyncadd.s32 $0xFFFFFFFF  }
0xb5: {  	_ =	strace $0x9000004E  }
0xb6: {  	_ =	sfence  }
0xb7: {  	s30 =	sld [smem:$0x0];
	_ =	sdelay $0x2  }
0xb8: {  	s31 =	sshll.u32 s1, $0xD;
	s1 =	sshrl.u32 s1, $0x2  }
0xb9: {  	s3 =	sand.u32 $0x4000, s31;
	s1 =	sadd.s32 s1, s30  }
0xba: {  	s0 =	sor.u32 s3, s0;
	s1 =	sshll.u32 s1, $0x11  }
0xbb: {  	s0 =	sor.u32 s1, s0  }
0xbc: {  	s0 =	sadd.s32 $0x8F2B, s0  }
0xbd: {  	[sflag:s0] =	ssyncadd.remote.s32 $0x1  }
0xbe: {  	_ =	sfence.sel $0xFFFF  }
0xbf: {  	[dreg:$0x0] =	wrdreg $0xFFFFFFFF;
	(pc) =	sbr.abs _section_cstart, $3  }
0xc0: {  	[dreg:$0x1] =	wrdreg $0xFFFFFFFF  }
0xc1: {  	_ =	task.clear_ibuf [dreg:s6], $0x2FFFF;
	_ =	strace $0x9FFFFFFF  }
0xc2: {  	(tm) =	ssettm $0x7FFFFFFF  }
0xc3: {  	_ =	shalt  }
tec
execute0_lowered:
.L_overlay_start_1:
0x0: {  	(tag) =	ssettag $0x1  }
0x1: {  	s0 =	rddreg [dreg:$0x0];
	s1 =	srdreg.scid  }
0x2: {  	s8 =	stileid.u32;
	s2 =	rddreg [dreg:$0x1];
	s3 =	simm.s32 $0x0  }
0x3: {  	s18 =	simm.s32 $0x5;
	s20 =	simm.s32 $0xE000;
	s21 =	simm.s32 $0x80  }
0x4: {  	s28 =	simm.s32 $0x9F00;
	s29 =	simm.s32 $0x2;
	s30 =	simm.s32 $0x9F80  }
0x5: {  	s31 =	simm.s32 $0x3;
	s19 =	simm.s32 $0x0;
	s1 =	sand.u32 $0x1, s1  }
0x6: {  	s4 =	sshll.u32 s8, $0x1;
	[smem:$0x7FF] =	sst s3;
	s11 =	smul.u32 $0xA000, s8  }
0x7: {  	s4 =	sor.u32 s1, s4;
	s6 =	ssub.s32 $0x2, s1;
	s1 =	smul.u32 $0xA0000, s1  }
0x8: {  	_ =	strace $0x8000004D;
	s5 =	smul.u32 $0x9E0, s4;
	s4 =	sadd.s32 $0x14600, s0  }
0x9: {  	s7 =	sshrl.u32 s6, $0x1;
	s24 =	sadd.s32 $0x2000, s11;
	s14 =	sadd.s32 $0x4000, s11  }
0xa: {  	s15 =	sadd.s32 $0x6000, s11;
	s16 =	sadd.s32 $0x8000, s11;
	s6 =	ssub.s32 s6, s7  }
0xb: {  	s7 =	sadd.s32 s11, s2;
	s8 =	sadd.s32 s24, s2;
	s9 =	sadd.s32 s14, s2  }
0xc: {  	s10 =	sadd.s32 s15, s2;
	s12 =	sadd.s32 s11, s1;
	s11 =	sadd.s32 s16, s2  }
0xd: {  	s25 =	sadd.s32 s1, s14;
	s15 =	sadd.s32 s1, s15;
	s5 =	sadd.s32 s5, s0  }
0xe: {  	s0 =	sadd.s32 $0x3C800, s0;
	s12 =	sshrl.u32 s12, $0x3;
	s26 =	sshrl.u32 s15, $0x3  }
0xf: {  	s17 =	smax.u32 s6, $0x1;
	s23 =	sadd.s32 $0x28C00, s5;
	s5 =	sadd.s32 $0xA00, s5  }
0x10: {  	s12 =	sadd.s32 s0, s12;
	s15 =	sadd.s32 s0, s26;
	[dreg:$0x3] =	wrdreg s23  }
0x11: {  	s26 =	simm.s32 $0x1;
	[dreg:$0x4] =	wrdreg s5;
	s5 =	sadd.s32 s1, s24  }
0x12: {  	[dreg:$0x5] =	wrdreg s12;
	s1 =	sadd.s32 s1, s16;
	s23 =	simm.s32 $0xA000  }
0x13: {  	s24 =	simm.s32 $0x9E80;
	s5 =	sshrl.u32 s5, $0x3;
	s1 =	sshrl.u32 s1, $0x3  }
0x14: {  	s13 =	sadd.s32 s0, s5;
	s5 =	sshrl.u32 s25, $0x3;
	s16 =	sadd.s32 s0, s1  }
0x15: {  	v0 =	vimm.f32 $0.0e+00;
	s25 =	simm.s32 $0xC000;
	s1 =	simm.s32 $0x4;
	s14 =	sadd.s32 s0, s5  }
.LBB2_1:
0x16: {  	s0 =	rddreg [dreg:$0x3]  }
0x17: {  	[tilespmem:s3], [sflag:$0x5] =	stream.linear.gather [hbm4b:s0+s3], $0x4F00, $0x38;
	[tilespmem:$0x1A000] =	vst v63  }
0x18: {  	_ =	swait.ge [sflag:s18], $0x4F00  }
0x19: {  	[sflag:s18] =	ssyncset.done $0x0  }
0x1a: {  	s5 =	simm.s32 $0x4F00;
	s6 =	rddreg [dreg:$0x4];
	[sflag:s18] =	ssyncadd.s32 $0xFFFFB100  }
0x1b: {  	[tilespmem:s5], [sflag:$0x5] =	stream.linear.gather [hbm4b:s6+s3], $0x4F00, $0x38;
	[tilespmem:$0x1A000] =	vst v63  }
0x1c: {  	s12 =	sand.u32 $0x7F00, s3;
	s22 =	sand.u32 $0x30, s3;
	_ =	swait.ge [sflag:s18], $0x4F00  }
0x1d: {  	s0 =	simm.s32 $0x40;
	s6 =	sshrl.u32 s12, $0x2;
	[sflag:s18] =	ssyncset.done $0x0  }
0x1e: {  	s5 =	simm.s32 $0x0;
	s6 =	sor.u32 s22, s6;
	[sflag:s18] =	ssyncadd.s32 $0xFFFFB100  }
.LBB2_2:
0x1f: {  	p0 =	sne.s32 s0, $0x7FC0  }
0x20: {  	[tilespmem:s6+$0xE000] =	vst v0;
	s5 =	sadd.s32 $0x10, s5;
	s6 =	smov.u32 s0;
	s0 =	sadd.s32 $0x40, s0  }
.Ltmp0:
0x21: {  	(pc) =	sbr.rel @p0 .LBB2_2-.Ltmp0, $4  }
0x22: {  	_ = 	snop  }
0x23: {  	s6 =	sand.u32 $0x7F00, s6  }
0x24: {  	s22 =	sand.u32 $0x30, s5;
	s6 =	sshrl.u32 s6, $0x2  }
0x25: {  	s6 =	sor.u32 s22, s6  }
0x26: {  	[tilespmem:s6+$0xE000] =	vst v0  }
0x27: {  	[spmem:s7] =	stream.linear.scatter [tilespmem:s20], [sflag:$0x5], $0x2000, $0x38;
	[tilespmem:$0x1A000] =	vst v63  }
0x28: {  	_ =	swait.ge [sflag:s18], $0x2000  }
0x29: {  	[sflag:s18] =	ssyncset.done $0x0  }
0x2a: {  	[sflag:s18] =	ssyncadd.s32 $0xFFFFE000  }
0x2b: {  	[spmem:s8] =	stream.linear.scatter [tilespmem:s20], [sflag:$0x5], $0x2000, $0x38;
	[tilespmem:$0x1A000] =	vst v63  }
0x2c: {  	_ =	swait.ge [sflag:s18], $0x2000  }
0x2d: {  	[sflag:s18] =	ssyncset.done $0x0  }
0x2e: {  	[sflag:s18] =	ssyncadd.s32 $0xFFFFE000  }
0x2f: {  	[spmem:s9] =	stream.linear.scatter [tilespmem:s20], [sflag:$0x5], $0x2000, $0x38;
	[tilespmem:$0x1A000] =	vst v63  }
0x30: {  	_ =	swait.ge [sflag:s18], $0x2000  }
0x31: {  	[sflag:s18] =	ssyncset.done $0x0  }
0x32: {  	[sflag:s18] =	ssyncadd.s32 $0xFFFFE000  }
0x33: {  	[spmem:s10] =	stream.linear.scatter [tilespmem:s20], [sflag:$0x5], $0x2000, $0x38;
	[tilespmem:$0x1A000] =	vst v63  }
0x34: {  	_ =	swait.ge [sflag:s18], $0x2000  }
0x35: {  	[sflag:s18] =	ssyncset.done $0x0  }
0x36: {  	[sflag:s18] =	ssyncadd.s32 $0xFFFFE000  }
0x37: {  	[spmem:s11] =	stream.linear.scatter [tilespmem:s20], [sflag:$0x5], $0x2000, $0x38;
	[tilespmem:$0x1A000] =	vst v63  }
0x38: {  	_ =	swait.ge [sflag:s18], $0x2000  }
0x39: {  	[sflag:s18] =	ssyncset.done $0x0  }
0x3a: {  	[sflag:s18] =	ssyncadd.s32 $0xFFFFE000  }
0x3b: {  	[bflag:$0x0] =	sbarrier.arrive $0xFFFF  }
0x3c: {  	v1 =	vld [tilespmem:$0x0]  }
0x3d: {  	v2 =	vld [tilespmem:$0x4F00]  }
0x3e: {  	v3 =	vld [tilespmem:$0x10]  }
0x3f: {  	v4 =	vld [tilespmem:$0x4F10]  }
0x40: {  	v5 =	vld [tilespmem:$0x20]  }
0x41: {  	[tilespmem:$0x9E00] =	vst v1;
	v1 =	vld [tilespmem:$0x4F20]  }
0x42: {  	v60 =	vld [tilespmem:$0x40];
	[tilespmem:$0x9F00] =	vst v2  }
0x43: {  	v61 =	vld [tilespmem:$0x4F40];
	[tilespmem:$0x9E10] =	vst v3  }
0x44: {  	v2 =	vld [tilespmem:$0x30];
	[tilespmem:$0x9F10] =	vst v4  }
0x45: {  	v3 =	vld [tilespmem:$0x4F30];
	[tilespmem:$0x9E20] =	vst v5  }
0x46: {  	[tilespmem:$0x9F20] =	vst v1;
	v1 =	vld [tilespmem:$0x50]  }
0x47: {  	v62 =	vld [tilespmem:$0x4F60];
	[tilespmem:$0x9E40] =	vst v60  }
0x48: {  	v63 =	vld [tilespmem:$0x70];
	[tilespmem:$0x9F40] =	vst v61  }
0x49: {  	[tilespmem:$0x9E30] =	vst v2;
	v2 =	vld [tilespmem:$0x4F50]  }
0x4a: {  	[tilespmem:$0x9F30] =	vst v3;
	v3 =	vld [tilespmem:$0x60]  }
0x4b: {  	[tilespmem:$0x9E50] =	vst v1;
	v1 =	vld [tilespmem:$0x4F70]  }
0x4c: {  	[tilespmem:$0x9F60] =	vst v62  }
0x4d: {  	[tilespmem:$0x9E70] =	vst v63  }
0x4e: {  	[tilespmem:$0x9F50] =	vst v2  }
0x4f: {  	[tilespmem:$0x9E60] =	vst v3  }
0x50: {  	s0 =	simm.s32 $0x9E00;
	p0 =	por $0x1, $0x1;
	[tilespmem:$0x9F70] =	vst v1  }
0x51: {  	[tilespmem:s23], [sflag:$0x1] =	stream.indirect.gather [hbm4b:s4+s21], $0x40, s0, s21, $0xb8;
	[tilespmem:$0x1A000] =	vst v63  }
0x52: {  	s0 =	simm.s32 @!p0 $0x4  }
0x53: {  	_ =	swait.ge @!p0 [sflag:s0], $0x2000  }
0x54: {  	[sflag:s0] =	ssyncset.done @!p0 $0x0  }
0x55: {  	s5 =	simm.s32 $0x0;
	[sflag:s0] =	ssyncadd.s32 @!p0 $0xFFFFE000  }
0x56: {  	v1 =	vld [tilespmem:s5+$0x80];
	_ =	sdelay $0x4  }
0x57: {  	[tilespmem:$0x9E80] =	vst v1  }
0x58: {  	v1 =	vld [tilespmem:s5+$0x4F80];
	_ =	sdelay $0x4  }
0x59: {  	[tilespmem:$0x9F80] =	vst v1  }
0x5a: {  	v1 =	vld [tilespmem:s5+$0x90];
	_ =	sdelay $0x4  }
0x5b: {  	[tilespmem:$0x9E90] =	vst v1  }
0x5c: {  	v1 =	vld [tilespmem:s5+$0x4F90];
	_ =	sdelay $0x4  }
0x5d: {  	[tilespmem:$0x9F90] =	vst v1  }
0x5e: {  	v1 =	vld [tilespmem:s5+$0xA0];
	_ =	sdelay $0x4  }
0x5f: {  	[tilespmem:$0x9EA0] =	vst v1  }
0x60: {  	v1 =	vld [tilespmem:s5+$0x4FA0];
	_ =	sdelay $0x4  }
0x61: {  	[tilespmem:$0x9FA0] =	vst v1  }
0x62: {  	v1 =	vld [tilespmem:s5+$0xB0];
	_ =	sdelay $0x4  }
0x63: {  	[tilespmem:$0x9EB0] =	vst v1  }
0x64: {  	v1 =	vld [tilespmem:s5+$0x4FB0];
	_ =	sdelay $0x4  }
0x65: {  	[tilespmem:$0x9FB0] =	vst v1  }
0x66: {  	v1 =	vld [tilespmem:s5+$0xC0];
	_ =	sdelay $0x4  }
0x67: {  	[tilespmem:$0x9EC0] =	vst v1  }
0x68: {  	v1 =	vld [tilespmem:s5+$0x4FC0];
	_ =	sdelay $0x4  }
0x69: {  	[tilespmem:$0x9FC0] =	vst v1  }
0x6a: {  	v1 =	vld [tilespmem:s5+$0xD0];
	_ =	sdelay $0x4  }
0x6b: {  	[tilespmem:$0x9ED0] =	vst v1  }
0x6c: {  	v1 =	vld [tilespmem:s5+$0x4FD0];
	_ =	sdelay $0x4  }
0x6d: {  	[tilespmem:$0x9FD0] =	vst v1  }
0x6e: {  	v1 =	vld [tilespmem:s5+$0xE0];
	_ =	sdelay $0x4  }
0x6f: {  	[tilespmem:$0x9EE0] =	vst v1  }
0x70: {  	v1 =	vld [tilespmem:s5+$0x4FE0];
	_ =	sdelay $0x4  }
0x71: {  	[tilespmem:$0x9FE0] =	vst v1  }
0x72: {  	v1 =	vld [tilespmem:s5+$0xF0];
	_ =	sdelay $0x4  }
0x73: {  	[tilespmem:$0x9EF0] =	vst v1  }
0x74: {  	v1 =	vld [tilespmem:s5+$0x4FF0];
	_ =	sdelay $0x4  }
0x75: {  	[tilespmem:$0x9FF0] =	vst v1  }
0x76: {  	[tilespmem:s25], [sflag:$0x2] =	stream.indirect.gather [hbm4b:s4+s21], $0x40, s24, s21, $0xb8;
	[tilespmem:$0x1A000] =	vst v63  }
0x77: {  	_ =	swait.ge [sflag:s26], $0x2000  }
0x78: {  	p0 =	por $0x0, $0x0;
	[sflag:s26] =	ssyncset.done $0x0  }
0x79: {  	s0 =	simm.s32 @!p0 $0x3;
	[sflag:s26] =	ssyncadd.s32 $0xFFFFE000  }
0x7a: {  	[spmem:s2] =	stream.indirect.scatter.add.f32 [tilespmem:s23], [sflag:$0x3], $0x40, s28, s21, $0xb8;
	[tilespmem:$0x1A000] =	vst v63  }
0x7b: {  	_ =	swait.ge @!p0 [sflag:s0], $0x2000  }
0x7c: {  	[sflag:s0] =	ssyncset.done @!p0 $0x0  }
0x7d: {  	s5 =	simm.s32 @!p0 $0x0;
	[sflag:s0] =	ssyncadd.s32 @!p0 $0xFFFFE000  }
0x7e: {  	v1 =	vld @!p0 [tilespmem:s5+$0x100];
	_ =	sdelay $0x4  }
0x7f: {  	[tilespmem:$0x9E00] =	vst @!p0 v1  }
0x80: {  	v1 =	vld @!p0 [tilespmem:s5+$0x5000];
	_ =	sdelay $0x4  }
0x81: {  	[tilespmem:$0x9F00] =	vst @!p0 v1  }
0x82: {  	v1 =	vld @!p0 [tilespmem:s5+$0x110];
	_ =	sdelay $0x4  }
0x83: {  	[tilespmem:$0x9E10] =	vst @!p0 v1  }
0x84: {  	v1 =	vld @!p0 [tilespmem:s5+$0x5010];
	_ =	sdelay $0x4  }
0x85: {  	[tilespmem:$0x9F10] =	vst @!p0 v1  }
0x86: {  	v1 =	vld @!p0 [tilespmem:s5+$0x120];
	_ =	sdelay $0x4  }
0x87: {  	[tilespmem:$0x9E20] =	vst @!p0 v1  }
0x88: {  	v1 =	vld @!p0 [tilespmem:s5+$0x5020];
	_ =	sdelay $0x4  }
0x89: {  	[tilespmem:$0x9F20] =	vst @!p0 v1  }
0x8a: {  	v1 =	vld @!p0 [tilespmem:s5+$0x130];
	_ =	sdelay $0x4  }
0x8b: {  	[tilespmem:$0x9E30] =	vst @!p0 v1  }
0x8c: {  	v1 =	vld @!p0 [tilespmem:s5+$0x5030];
	_ =	sdelay $0x4  }
0x8d: {  	[tilespmem:$0x9F30] =	vst @!p0 v1  }
0x8e: {  	v1 =	vld @!p0 [tilespmem:s5+$0x140];
	_ =	sdelay $0x4  }
0x8f: {  	[tilespmem:$0x9E40] =	vst @!p0 v1  }
0x90: {  	v1 =	vld @!p0 [tilespmem:s5+$0x5040];
	_ =	sdelay $0x4  }
0x91: {  	[tilespmem:$0x9F40] =	vst @!p0 v1  }
0x92: {  	v1 =	vld @!p0 [tilespmem:s5+$0x150];
	_ =	sdelay $0x4  }
0x93: {  	[tilespmem:$0x9E50] =	vst @!p0 v1  }
0x94: {  	v1 =	vld @!p0 [tilespmem:s5+$0x5050];
	_ =	sdelay $0x4  }
0x95: {  	[tilespmem:$0x9F50] =	vst @!p0 v1  }
0x96: {  	v1 =	vld @!p0 [tilespmem:s5+$0x160];
	_ =	sdelay $0x4  }
0x97: {  	[tilespmem:$0x9E60] =	vst @!p0 v1  }
0x98: {  	v1 =	vld @!p0 [tilespmem:s5+$0x5060];
	_ =	sdelay $0x4  }
0x99: {  	[tilespmem:$0x9F60] =	vst @!p0 v1  }
0x9a: {  	v1 =	vld @!p0 [tilespmem:s5+$0x170];
	_ =	sdelay $0x4  }
0x9b: {  	[tilespmem:$0x9E70] =	vst @!p0 v1  }
0x9c: {  	v1 =	vld @!p0 [tilespmem:s5+$0x5070];
	_ =	sdelay $0x3  }
0x9d: {  	s22 =	simm.s32 $0x400  }
0x9e: {  	s6 =	simm.s32 @!p0 $0xA000;
	s0 =	simm.s32 @!p0 $0x80;
	s5 =	simm.s32 @!p0 $0x9E00;
	[tilespmem:$0x9F70] =	vst @!p0 v1  }
0x9f: {  	[tilespmem:s6], [sflag:$0x1] =	stream.indirect.gather @!p0 [hbm4b:s4+s0], $0x40, s5, s0, $0xb8;
	[tilespmem:$0x1A000] =	vst v63  }
0xa0: {  	p1 =	por $0x0, $0x0;
	s0 =	simm.s32 $0x800;
	_ =	swait.ge [sflag:s29], $0x2000  }
.LBB2_4:
0xa1: {  	s12 =	simm.s32 @!p1 $0x4  }
0xa2: {  	[sflag:s29] =	ssyncset.done $0x0;
	s5 =	smov.u32 s0;
	s0 =	sadd.s32 $0x400, s0  }
0xa3: {  	p0 =	sne.s32 s0, $0x13C00;
	[sflag:s29] =	ssyncadd.s32 $0xFFFFE000  }
0xa4: {  	[spmem:s2] =	stream.indirect.scatter.add.f32 [tilespmem:s25], [sflag:$0x4], $0x40, s30, s21, $0xb8;
	[tilespmem:$0x1A000] =	vst v63  }
0xa5: {  	_ =	swait.ge @!p1 [sflag:s12], $0x2000  }
0xa6: {  	s6 =	sshra.s32 s22, $0x2;
	[sflag:s12] =	ssyncset.done @!p1 $0x0  }
0xa7: {  	[sflag:s12] =	ssyncadd.s32 @!p1 $0xFFFFE000  }
0xa8: {  	v1 =	vld [tilespmem:s6+$0x80];
	_ =	sdelay $0x4  }
0xa9: {  	[tilespmem:$0x9E80] =	vst v1  }
0xaa: {  	v1 =	vld [tilespmem:s6+$0x4F80];
	_ =	sdelay $0x4  }
0xab: {  	[tilespmem:$0x9F80] =	vst v1  }
0xac: {  	v1 =	vld [tilespmem:s6+$0x90];
	_ =	sdelay $0x4  }
0xad: {  	[tilespmem:$0x9E90] =	vst v1  }
0xae: {  	v1 =	vld [tilespmem:s6+$0x4F90];
	_ =	sdelay $0x4  }
0xaf: {  	[tilespmem:$0x9F90] =	vst v1  }
0xb0: {  	v1 =	vld [tilespmem:s6+$0xA0];
	_ =	sdelay $0x4  }
0xb1: {  	[tilespmem:$0x9EA0] =	vst v1  }
0xb2: {  	v1 =	vld [tilespmem:s6+$0x4FA0];
	_ =	sdelay $0x4  }
0xb3: {  	[tilespmem:$0x9FA0] =	vst v1  }
0xb4: {  	v1 =	vld [tilespmem:s6+$0xB0];
	_ =	sdelay $0x4  }
0xb5: {  	[tilespmem:$0x9EB0] =	vst v1  }
0xb6: {  	v1 =	vld [tilespmem:s6+$0x4FB0];
	_ =	sdelay $0x4  }
0xb7: {  	[tilespmem:$0x9FB0] =	vst v1  }
0xb8: {  	v1 =	vld [tilespmem:s6+$0xC0];
	_ =	sdelay $0x4  }
0xb9: {  	[tilespmem:$0x9EC0] =	vst v1  }
0xba: {  	v1 =	vld [tilespmem:s6+$0x4FC0];
	_ =	sdelay $0x4  }
0xbb: {  	[tilespmem:$0x9FC0] =	vst v1  }
0xbc: {  	v1 =	vld [tilespmem:s6+$0xD0];
	_ =	sdelay $0x4  }
0xbd: {  	[tilespmem:$0x9ED0] =	vst v1  }
0xbe: {  	v1 =	vld [tilespmem:s6+$0x4FD0];
	_ =	sdelay $0x4  }
0xbf: {  	[tilespmem:$0x9FD0] =	vst v1  }
0xc0: {  	v1 =	vld [tilespmem:s6+$0xE0];
	_ =	sdelay $0x4  }
0xc1: {  	[tilespmem:$0x9EE0] =	vst v1  }
0xc2: {  	v1 =	vld [tilespmem:s6+$0x4FE0];
	_ =	sdelay $0x4  }
0xc3: {  	[tilespmem:$0x9FE0] =	vst v1  }
0xc4: {  	v1 =	vld [tilespmem:s6+$0xF0];
	_ =	sdelay $0x4  }
0xc5: {  	[tilespmem:$0x9EF0] =	vst v1  }
0xc6: {  	v1 =	vld [tilespmem:s6+$0x4FF0];
	_ =	sdelay $0x4  }
0xc7: {  	[tilespmem:$0x9FF0] =	vst v1  }
0xc8: {  	[tilespmem:s25], [sflag:$0x2] =	stream.indirect.gather [hbm4b:s4+s21], $0x40, s24, s21, $0xb8;
	[tilespmem:$0x1A000] =	vst v63  }
0xc9: {  	_ =	swait.ge [sflag:s26], $0x2000  }
0xca: {  	p1 =	seq.s32 s22, $0x13800;
	[sflag:s26] =	ssyncset.done $0x0  }
0xcb: {  	s12 =	simm.s32 @!p1 $0x3;
	[sflag:s26] =	ssyncadd.s32 $0xFFFFE000  }
0xcc: {  	[spmem:s2] =	stream.indirect.scatter.add.f32 [tilespmem:s23], [sflag:$0x3], $0x40, s28, s21, $0xb8;
	[tilespmem:$0x1A000] =	vst v63  }
0xcd: {  	_ =	swait.ge @!p1 [sflag:s12], $0x2000  }
0xce: {  	s6 =	sshra.s32 @!p1 s22, $0x2;
	s22 =	smov.u32 s5;
	[sflag:s12] =	ssyncset.done @!p1 $0x0  }
0xcf: {  	[sflag:s12] =	ssyncadd.s32 @!p1 $0xFFFFE000  }
0xd0: {  	v1 =	vld @!p1 [tilespmem:s6+$0x100];
	_ =	sdelay $0x4  }
0xd1: {  	[tilespmem:$0x9E00] =	vst @!p1 v1  }
0xd2: {  	v1 =	vld @!p1 [tilespmem:s6+$0x5000];
	_ =	sdelay $0x4  }
0xd3: {  	[tilespmem:$0x9F00] =	vst @!p1 v1  }
0xd4: {  	v1 =	vld @!p1 [tilespmem:s6+$0x110];
	_ =	sdelay $0x4  }
0xd5: {  	[tilespmem:$0x9E10] =	vst @!p1 v1  }
0xd6: {  	v1 =	vld @!p1 [tilespmem:s6+$0x5010];
	_ =	sdelay $0x4  }
0xd7: {  	[tilespmem:$0x9F10] =	vst @!p1 v1  }
0xd8: {  	v1 =	vld @!p1 [tilespmem:s6+$0x120];
	_ =	sdelay $0x4  }
0xd9: {  	[tilespmem:$0x9E20] =	vst @!p1 v1  }
0xda: {  	v1 =	vld @!p1 [tilespmem:s6+$0x5020];
	_ =	sdelay $0x4  }
0xdb: {  	[tilespmem:$0x9F20] =	vst @!p1 v1  }
0xdc: {  	v1 =	vld @!p1 [tilespmem:s6+$0x130];
	_ =	sdelay $0x4  }
0xdd: {  	[tilespmem:$0x9E30] =	vst @!p1 v1  }
0xde: {  	v1 =	vld @!p1 [tilespmem:s6+$0x5030];
	_ =	sdelay $0x4  }
0xdf: {  	[tilespmem:$0x9F30] =	vst @!p1 v1  }
0xe0: {  	v1 =	vld @!p1 [tilespmem:s6+$0x140];
	_ =	sdelay $0x4  }
0xe1: {  	[tilespmem:$0x9E40] =	vst @!p1 v1  }
0xe2: {  	v1 =	vld @!p1 [tilespmem:s6+$0x5040];
	_ =	sdelay $0x4  }
0xe3: {  	[tilespmem:$0x9F40] =	vst @!p1 v1  }
0xe4: {  	v1 =	vld @!p1 [tilespmem:s6+$0x150];
	_ =	sdelay $0x4  }
0xe5: {  	[tilespmem:$0x9E50] =	vst @!p1 v1  }
0xe6: {  	v1 =	vld @!p1 [tilespmem:s6+$0x5050];
	_ =	sdelay $0x4  }
0xe7: {  	[tilespmem:$0x9F50] =	vst @!p1 v1  }
0xe8: {  	v1 =	vld @!p1 [tilespmem:s6+$0x160];
	_ =	sdelay $0x4  }
0xe9: {  	[tilespmem:$0x9E60] =	vst @!p1 v1  }
0xea: {  	v1 =	vld @!p1 [tilespmem:s6+$0x5060];
	_ =	sdelay $0x4  }
0xeb: {  	[tilespmem:$0x9F60] =	vst @!p1 v1  }
0xec: {  	v1 =	vld @!p1 [tilespmem:s6+$0x170];
	_ =	sdelay $0x4  }
0xed: {  	[tilespmem:$0x9E70] =	vst @!p1 v1  }
0xee: {  	v1 =	vld @!p1 [tilespmem:s6+$0x5070];
	_ =	sdelay $0x2  }
.Ltmp1:
0xef: {  	(pc) =	sbr.rel @p0 .LBB2_4-.Ltmp1, $4  }
0xf0: {  	s5 =	simm.s32 @!p1 $0x80;
	s12 =	simm.s32 @!p1 $0xA000;
	s6 =	simm.s32 @!p1 $0x9E00  }
0xf1: {  	[tilespmem:$0x9F70] =	vst @!p1 v1  }
0xf2: {  	[tilespmem:s12], [sflag:$0x1] =	stream.indirect.gather @!p1 [hbm4b:s4+s5], $0x40, s6, s5, $0xb8;
	[tilespmem:$0x1A000] =	vst v63  }
0xf3: {  	p1 =	seq.s32 s22, $0x0;
	_ =	swait.ge [sflag:s29], $0x2000  }
0xf4: {  	[sflag:s29] =	ssyncset.done $0x0  }
0xf5: {  	s0 =	simm.s32 @!p1 $0x4;
	[sflag:s29] =	ssyncadd.s32 $0xFFFFE000  }
0xf6: {  	[spmem:s2] =	stream.indirect.scatter.add.f32 [tilespmem:s25], [sflag:$0x4], $0x40, s30, s21, $0xb8;
	[tilespmem:$0x1A000] =	vst v63  }
0xf7: {  	_ =	swait.ge @!p1 [sflag:s0], $0x2000  }
0xf8: {  	[sflag:s0] =	ssyncset.done @!p1 $0x0  }
0xf9: {  	s5 =	sshra.s32 s22, $0x2;
	[sflag:s0] =	ssyncadd.s32 @!p1 $0xFFFFE000  }
0xfa: {  	v1 =	vld [tilespmem:s5+$0x80];
	_ =	sdelay $0x4  }
0xfb: {  	[tilespmem:$0x9E80] =	vst v1  }
0xfc: {  	v1 =	vld [tilespmem:s5+$0x4F80];
	_ =	sdelay $0x4  }
0xfd: {  	[tilespmem:$0x9F80] =	vst v1  }
0xfe: {  	v1 =	vld [tilespmem:s5+$0x90];
	_ =	sdelay $0x4  }
0xff: {  	[tilespmem:$0x9E90] =	vst v1  }
0x100: {  	v1 =	vld [tilespmem:s5+$0x4F90];
	_ =	sdelay $0x4  }
0x101: {  	[tilespmem:$0x9F90] =	vst v1  }
0x102: {  	v1 =	vld [tilespmem:s5+$0xA0];
	_ =	sdelay $0x4  }
0x103: {  	[tilespmem:$0x9EA0] =	vst v1  }
0x104: {  	v1 =	vld [tilespmem:s5+$0x4FA0];
	_ =	sdelay $0x4  }
0x105: {  	[tilespmem:$0x9FA0] =	vst v1  }
0x106: {  	v1 =	vld [tilespmem:s5+$0xB0];
	_ =	sdelay $0x4  }
0x107: {  	[tilespmem:$0x9EB0] =	vst v1  }
0x108: {  	v1 =	vld [tilespmem:s5+$0x4FB0];
	_ =	sdelay $0x4  }
0x109: {  	[tilespmem:$0x9FB0] =	vst v1  }
0x10a: {  	v1 =	vld [tilespmem:s5+$0xC0];
	_ =	sdelay $0x4  }
0x10b: {  	[tilespmem:$0x9EC0] =	vst v1  }
0x10c: {  	v1 =	vld [tilespmem:s5+$0x4FC0];
	_ =	sdelay $0x4  }
0x10d: {  	[tilespmem:$0x9FC0] =	vst v1  }
0x10e: {  	v1 =	vld [tilespmem:s5+$0xD0];
	_ =	sdelay $0x4  }
0x10f: {  	[tilespmem:$0x9ED0] =	vst v1  }
0x110: {  	v1 =	vld [tilespmem:s5+$0x4FD0];
	_ =	sdelay $0x4  }
0x111: {  	[tilespmem:$0x9FD0] =	vst v1  }
0x112: {  	v1 =	vld [tilespmem:s5+$0xE0];
	_ =	sdelay $0x4  }
0x113: {  	[tilespmem:$0x9EE0] =	vst v1  }
0x114: {  	v1 =	vld [tilespmem:s5+$0x4FE0];
	_ =	sdelay $0x4  }
0x115: {  	[tilespmem:$0x9FE0] =	vst v1  }
0x116: {  	v1 =	vld [tilespmem:s5+$0xF0];
	_ =	sdelay $0x4  }
0x117: {  	[tilespmem:$0x9EF0] =	vst v1  }
0x118: {  	v1 =	vld [tilespmem:s5+$0x4FF0];
	_ =	sdelay $0x4  }
0x119: {  	[tilespmem:$0x9FF0] =	vst v1  }
0x11a: {  	[tilespmem:s25], [sflag:$0x2] =	stream.indirect.gather [hbm4b:s4+s21], $0x40, s24, s21, $0xb8;
	[tilespmem:$0x1A000] =	vst v63  }
0x11b: {  	_ =	swait.ge [sflag:s26], $0x2000  }
0x11c: {  	p0 =	seq.s32 s22, $0x13800;
	[sflag:s26] =	ssyncset.done $0x0  }
0x11d: {  	s0 =	simm.s32 @!p0 $0x3;
	[sflag:s26] =	ssyncadd.s32 $0xFFFFE000  }
0x11e: {  	[spmem:s2] =	stream.indirect.scatter.add.f32 [tilespmem:s23], [sflag:$0x3], $0x40, s28, s21, $0xb8;
	[tilespmem:$0x1A000] =	vst v63  }
0x11f: {  	_ =	swait.ge @!p0 [sflag:s0], $0x2000  }
0x120: {  	[sflag:s0] =	ssyncset.done @!p0 $0x0  }
0x121: {  	s5 =	sshra.s32 @!p0 s22, $0x2;
	[sflag:s0] =	ssyncadd.s32 @!p0 $0xFFFFE000  }
0x122: {  	v1 =	vld @!p0 [tilespmem:s5+$0x100];
	_ =	sdelay $0x4  }
0x123: {  	[tilespmem:$0x9E00] =	vst @!p0 v1  }
0x124: {  	v1 =	vld @!p0 [tilespmem:s5+$0x5000];
	_ =	sdelay $0x4  }
0x125: {  	[tilespmem:$0x9F00] =	vst @!p0 v1  }
0x126: {  	v1 =	vld @!p0 [tilespmem:s5+$0x110];
	_ =	sdelay $0x4  }
0x127: {  	[tilespmem:$0x9E10] =	vst @!p0 v1  }
0x128: {  	v1 =	vld @!p0 [tilespmem:s5+$0x5010];
	_ =	sdelay $0x4  }
0x129: {  	[tilespmem:$0x9F10] =	vst @!p0 v1  }
0x12a: {  	v1 =	vld @!p0 [tilespmem:s5+$0x120];
	_ =	sdelay $0x4  }
0x12b: {  	[tilespmem:$0x9E20] =	vst @!p0 v1  }
0x12c: {  	v1 =	vld @!p0 [tilespmem:s5+$0x5020];
	_ =	sdelay $0x4  }
0x12d: {  	[tilespmem:$0x9F20] =	vst @!p0 v1  }
0x12e: {  	v1 =	vld @!p0 [tilespmem:s5+$0x130];
	_ =	sdelay $0x4  }
0x12f: {  	[tilespmem:$0x9E30] =	vst @!p0 v1  }
0x130: {  	v1 =	vld @!p0 [tilespmem:s5+$0x5030];
	_ =	sdelay $0x4  }
0x131: {  	[tilespmem:$0x9F30] =	vst @!p0 v1  }
0x132: {  	v1 =	vld @!p0 [tilespmem:s5+$0x140];
	_ =	sdelay $0x4  }
0x133: {  	[tilespmem:$0x9E40] =	vst @!p0 v1  }
0x134: {  	v1 =	vld @!p0 [tilespmem:s5+$0x5040];
	_ =	sdelay $0x4  }
0x135: {  	[tilespmem:$0x9F40] =	vst @!p0 v1  }
0x136: {  	v1 =	vld @!p0 [tilespmem:s5+$0x150];
	_ =	sdelay $0x4  }
0x137: {  	[tilespmem:$0x9E50] =	vst @!p0 v1  }
0x138: {  	v1 =	vld @!p0 [tilespmem:s5+$0x5050];
	_ =	sdelay $0x4  }
0x139: {  	[tilespmem:$0x9F50] =	vst @!p0 v1  }
0x13a: {  	v1 =	vld @!p0 [tilespmem:s5+$0x160];
	_ =	sdelay $0x4  }
0x13b: {  	[tilespmem:$0x9E60] =	vst @!p0 v1  }
0x13c: {  	v1 =	vld @!p0 [tilespmem:s5+$0x5060];
	_ =	sdelay $0x4  }
0x13d: {  	[tilespmem:$0x9F60] =	vst @!p0 v1  }
0x13e: {  	v1 =	vld @!p0 [tilespmem:s5+$0x170];
	_ =	sdelay $0x4  }
0x13f: {  	[tilespmem:$0x9E70] =	vst @!p0 v1  }
0x140: {  	v1 =	vld @!p0 [tilespmem:s5+$0x5070];
	_ =	sdelay $0x4  }
0x141: {  	s6 =	simm.s32 @!p0 $0xA000;
	s0 =	simm.s32 @!p0 $0x80;
	s5 =	simm.s32 @!p0 $0x9E00;
	[tilespmem:$0x9F70] =	vst @!p0 v1  }
0x142: {  	[tilespmem:s6], [sflag:$0x1] =	stream.indirect.gather @!p0 [hbm4b:s4+s0], $0x40, s5, s0, $0xb8;
	[tilespmem:$0x1A000] =	vst v63  }
0x143: {  	_ =	swait.ge [sflag:s29], $0x2000  }
0x144: {  	[sflag:s29] =	ssyncset.done $0x0  }
0x145: {  	[sflag:s29] =	ssyncadd.s32 $0xFFFFE000  }
0x146: {  	[spmem:s2] =	stream.indirect.scatter.add.f32 [tilespmem:s25], [sflag:$0x4], $0x40, s30, s21, $0xb8;
	[tilespmem:$0x1A000] =	vst v63  }
0x147: {  	_ =	swait.ge [sflag:s31], $0x2000  }
0x148: {  	[sflag:s31] =	ssyncset.done $0x0  }
0x149: {  	[sflag:s31] =	ssyncadd.s32 $0xFFFFE000  }
0x14a: {  	_ =	swait.ge [sflag:s1], $0x2000  }
0x14b: {  	[sflag:s1] =	ssyncset.done $0x0  }
0x14c: {  	s5 =	stileid.u32;
	[sflag:s1] =	ssyncadd.s32 $0xFFFFE000  }
0x14d: {  	s0 =	sshll.u32 s5, $0x6;
	[bflag:$0x0] =	sbarrier.arrive $0xFFFF  }
0x14e: {  	s6 =	sshrl.u32 s7, $0x3;
	s0 =	sor.u32 $0x1C05, s0;
	s12 =	rddreg [dreg:$0x5]  }
0x14f: {  	[hbm:s12], [sflag:s0] =	dma.local [spmem:s6], $0x400  }
0x150: {  	_ =	swait.ge [sflag:s18], $0x400  }
0x151: {  	[sflag:s18] =	ssyncset.done $0x0  }
0x152: {  	s22 =	sshrl.u32 s8, $0x3;
	[sflag:s18] =	ssyncadd.s32 $0xFFFFFC00  }
0x153: {  	[hbm:s13], [sflag:s0] =	dma.local [spmem:s22], $0x400  }
0x154: {  	_ =	swait.ge [sflag:s18], $0x400  }
0x155: {  	[sflag:s18] =	ssyncset.done $0x0  }
0x156: {  	s6 =	sshrl.u32 s9, $0x3;
	[sflag:s18] =	ssyncadd.s32 $0xFFFFFC00  }
0x157: {  	[hbm:s14], [sflag:s0] =	dma.local [spmem:s6], $0x400  }
0x158: {  	_ =	swait.ge [sflag:s18], $0x400  }
0x159: {  	[sflag:s18] =	ssyncset.done $0x0  }
0x15a: {  	s12 =	sshrl.u32 s10, $0x3;
	[sflag:s18] =	ssyncadd.s32 $0xFFFFFC00  }
0x15b: {  	[hbm:s15], [sflag:s0] =	dma.local [spmem:s12], $0x400  }
0x15c: {  	s19 =	sadd.s32 $0x1, s19;
	_ =	swait.ge [sflag:s18], $0x400  }
0x15d: {  	p0 =	sne.s32 s19, s17;
	[sflag:s18] =	ssyncset.done $0x0  }
.Ltmp2:
0x15e: {  	s22 =	sshrl.u32 s11, $0x3;
	[sflag:s18] =	ssyncadd.s32 $0xFFFFFC00;
	(pc) =	sbr.rel @p0 .LBB2_1-.Ltmp2, $4  }
0x15f: {  	[hbm:s16], [sflag:s0] =	dma.local [spmem:s22], $0x400  }
0x160: {  	_ =	swait.ge [sflag:s18], $0x400  }
0x161: {  	[sflag:s18] =	ssyncset.done $0x0  }
0x162: {  	[sflag:s18] =	ssyncadd.s32 $0xFFFFFC00  }
0x163: {  	_ =	sfence.sel $0x180000  }
0x164: {  	[bflag:$0x0] =	sbarrier.arrive $0xFFFF  }
0x165: {  	_ =	strace $0x9000004D  }
0x166: {  	s0 =	stileid.u32;
	[bflag:$0x2] =	sbarrier.arrive $0xFFFF  }
0x167: {  	p0 =	sne.s32 s0, $0x0;
	s0 =	rddreg [dreg:$0x2]  }
0x168: {  	s0 =	sadd.s32 @!p0 $0x100000, s0  }
0x169: {  	[sflag:s0] =	ssyncadd.tile.s32 @!p0 $0x1;
	_ =	shalt  }
.Lfunc_end2:
_tile_overlayer_lowered:
.L_overlay_start_2:
0x16a: {  	(tag) =	ssettag $0x2  }
0x16b: {  	s0 =	rddreg [dreg:$0x0];
	s2 =	stileid.u32  }
0x16c: {  	s1 =	rddreg [dreg:$0x1];
	p0 =	sne.s32 s2, $0x0  }
0x16d: {  	s3 =	rddreg [dreg:$0x2];
	[bflag:$0x3] =	sbarrier.arrive $0xFFFF;
	s2 =	simm.s32 @!p0 $0x1C05  }
0x16e: {  	[timem:s3], [sflag:s2] =	dma.local @!p0 [hbm:s0], s1  }
0x16f: {  	s0 =	simm.s32 @!p0 $0x5  }
0x170: {  	_ =	swait.ge @!p0 [sflag:s0], s1  }
0x171: {  	s1 =	ssub.s32 @!p0 $0x0, s1;
	[sflag:s0] =	ssyncset.done @!p0 $0x0  }
0x172: {  	[sflag:s0] =	ssyncadd.s32 @!p0 s1  }
0x173: {  	[bflag:$0x3] =	sbarrier.arrive $0xFFFF  }
0x174: {  	_ =	shalt  }

</sc_bundles>
